<compile_context>
chip_gen: v7x
topology: tpu7x:2x2x1
jax: 0.10.2.dev20260603
libtpu: 0.0.44.dev20260713+nightly
codegen_flags: <defaults>
</compile_context>

<pallas_src>
import numpy as np
import jax
import jax.numpy as jnp
from jax import lax
from jax.experimental import pallas as pl
from jax.experimental.pallas import tpu as pltpu
from jax.experimental.pallas import tpu_sc as plsc

_ISIZE = 224
_PSIZE = 30
_rng = np.random.RandomState(0)
_X = int(_rng.randint(0, _ISIZE - _PSIZE))
_Y = int(_rng.randint(0, _ISIZE - _PSIZE))

_IMG = 3 * _ISIZE * _ISIZE
_NSEG = 7
_SEG = _IMG // _NSEG
_ROWS = _IMG // 128

_prows = []
for _c in range(3):
    for _r in range(_PSIZE):
        _f0 = _c * _ISIZE * _ISIZE + (_X + _r) * _ISIZE + _Y
        assert (_f0 + _PSIZE - 1) // _SEG == _f0 // _SEG
        _prows.append((len(_prows), _c, _r, _f0, _f0 % 16))
_SEG_ROWS = {}
for _i, _c, _r, _f0, _ph in _prows:
    _SEG_ROWS.setdefault(_f0 // _SEG, []).append((_i, _f0))
_PHASES = np.array([p for _, _, _, _, p in _prows])


def _sc_canvas_body(prow_ref, z_ref, cv_ref, buf, prow_buf, sems):
    info = plsc.get_sparse_core_info()
    wid = lax.axis_index("s") * info.num_cores + lax.axis_index("c")

    @pl.when(wid < _NSEG)
    def _():
        pltpu.make_async_copy(prow_ref, prow_buf, sems.at[0]).start()
        pltpu.make_async_copy(prow_ref, prow_buf, sems.at[0]).wait()

    for w in range(_NSEG):
        @pl.when(wid == w)
        def _(w=w):
            pltpu.make_async_copy(z_ref, buf, sems.at[1]).start()
            pltpu.make_async_copy(z_ref, buf, sems.at[1]).wait()
            for i, f0 in _SEG_ROWS.get(w, ()):
                dst16 = (f0 - f0 % 16) - w * _SEG
                for j in range(3):
                    buf[pl.ds(dst16 + 16 * j, 16)] = (
                        prow_buf[pl.ds(i * 48 + 16 * j, 16)])
            pltpu.make_async_copy(
                buf, cv_ref.at[pl.ds(w * _SEG, _SEG)], sems.at[2]).start()
            pltpu.make_async_copy(
                buf, cv_ref.at[pl.ds(w * _SEG, _SEG)], sems.at[2]).wait()


def _add_kernel(x_ref, c_ref, o_ref):
    o_ref[...] = x_ref[...] + c_ref[...]


def kernel(x, patch):
    B = x.shape[0]
    rows = patch.reshape(len(_prows), _PSIZE)
    prow = jnp.zeros((len(_prows), 48), dtype=x.dtype)
    prow = prow.at[np.arange(len(_prows))[:, None],
                   _PHASES[:, None] + np.arange(_PSIZE)[None, :]].set(rows)
    prow = prow.reshape(-1)
    zseg = jnp.zeros((_SEG,), dtype=x.dtype)

    mesh = plsc.VectorSubcoreMesh(core_axis_name="c", subcore_axis_name="s")
    canvas = pl.kernel(
        _sc_canvas_body,
        out_type=jax.ShapeDtypeStruct((_IMG,), x.dtype),
        mesh=mesh,
        scratch_types=[
            pltpu.VMEM((_SEG,), x.dtype),
            pltpu.VMEM((len(_prows) * 48,), x.dtype),
            pltpu.SemaphoreType.DMA((3,)),
        ],
    )(prow, zseg)

    x2 = x.reshape(B, _ROWS, 128)
    c2 = canvas.reshape(1, _ROWS, 128)
    Bb = 4
    out = pl.pallas_call(
        _add_kernel,
        grid=(B // Bb,),
        in_specs=[
            pl.BlockSpec((Bb, _ROWS, 128), lambda i: (i, 0, 0)),
            pl.BlockSpec((1, _ROWS, 128), lambda i: (0, 0, 0)),
        ],
        out_specs=pl.BlockSpec((Bb, _ROWS, 128), lambda i: (i, 0, 0)),
        out_shape=jax.ShapeDtypeStruct((B, _ROWS, 128), x.dtype),
    )(x2, c2)
    return out.reshape(x.shape)

# --- scband reference (transcript-rebuilt; emitter-appended) ---
"""Pipeline reference for scband-random-patch-prompter-352187318717 (READ-ONLY COPY).

The authoritative reference and input builder live on the scoring server;
editing this copy changes nothing except your own understanding.
"""

import jax, jax.numpy as jnp
import numpy as np

ISIZE = 224
PSIZE = 30
BATCH = 128


def setup_inputs(seed: int = 0) -> dict:
    key = jax.random.key(seed)
    k1, k2 = jax.random.split(key)
    x = jax.random.normal(k1, (BATCH, 3, ISIZE, ISIZE), dtype=jnp.float32)
    # learned parameter: the prompt patch, sized per init_kwargs
    patch = jax.random.normal(k2, (1, 3, PSIZE, PSIZE), dtype=jnp.float32)
    return {"x": x, "patch": patch}


def reference(x, patch):
    # original module draws the patch location with np.random.choice each call;
    # we use a fixed seed so the reference is deterministic
    rng = np.random.RandomState(0)
    x_ = int(rng.randint(0, ISIZE - PSIZE))
    y_ = int(rng.randint(0, ISIZE - PSIZE))
    prompt = jnp.zeros((1, 3, ISIZE, ISIZE), dtype=x.dtype)
    # scatter-overwrite the learned patch into the zero prompt canvas
    prompt = prompt.at[:, :, x_:x_ + PSIZE, y_:y_ + PSIZE].set(patch)
    return x + prompt

if __name__ == "__main__":
    import jax
    _d = setup_inputs()
    print(jax.jit(kernel)(*tuple(_d.values())))

</pallas_src>

<mosaic_0001>
#map = affine_map<(d0, d1) -> (0)>
module attributes {stable_mosaic.version = 14 : i64} {
  func.func @_sc_canvas_body(%arg0: i32, %arg1: i32, %arg2: memref<4320xf32, #tpu.memory_space<hbm>>, %arg3: memref<21504xf32, #tpu.memory_space<hbm>>, %arg4: memref<150528xf32, #tpu.memory_space<hbm>>, %arg5: memref<21504xf32, #tpu.memory_space<vmem>>, %arg6: memref<4320xf32, #tpu.memory_space<vmem>>, %arg7: memref<3x!tpu.dma_semaphore, #tpu.memory_space<semaphore_mem>>) attributes {dimension_semantics = [#tpu.dimension_semantics<core_parallel>, #tpu.dimension_semantics<subcore_parallel>], iteration_bounds = array<i64: 2, 16>, scalar_prefetch = 0 : i64, scratch_operands = 3 : i64, tpu.core_type = #tpu.core_type<sc_vector_subcore>, window_params = [{transform_indices = #map}, {transform_indices = #map}, {transform_indices = #map}]} {
    %mul3A = arith.constant 2 : i32
    %mul3A_0 = arith.muli %arg1, %mul3A : i32
    %add3A = arith.addi %mul3A_0, %arg0 : i32
    %lt3A = arith.constant 7 : i32
    %lt3A_1 = arith.cmpi slt, %add3A, %lt3A : i32
    %convert_element_type3A = arith.extui %lt3A_1 : i1 to i32
    %cond3A = arith.constant 0 : i32
    %cond3A_2 = arith.cmpi ne, %convert_element_type3A, %cond3A : i32
    scf.if %cond3A_2 {
      %dma_start3A = arith.constant 0 : i32
      %dma_start3A_37 = tpu.memref_slice %arg7[%dma_start3A] : memref<3x!tpu.dma_semaphore, #tpu.memory_space<semaphore_mem>> -> memref<1x!tpu.dma_semaphore, #tpu.memory_space<semaphore_mem>>
      %dma_start3A_38 = tpu.memref_squeeze %dma_start3A_37 : memref<1x!tpu.dma_semaphore, #tpu.memory_space<semaphore_mem>> -> memref<!tpu.dma_semaphore, #tpu.memory_space<semaphore_mem>>
      tpu.enqueue_dma source(%arg2 : memref<4320xf32, #tpu.memory_space<hbm>>) target(%arg6 : memref<4320xf32, #tpu.memory_space<vmem>>) target_semaphore(%dma_start3A_38 : memref<!tpu.dma_semaphore, #tpu.memory_space<semaphore_mem>>)
      %dma_wait3A = arith.constant 0 : i32
      %dma_wait3A_39 = tpu.memref_slice %arg7[%dma_wait3A] : memref<3x!tpu.dma_semaphore, #tpu.memory_space<semaphore_mem>> -> memref<1x!tpu.dma_semaphore, #tpu.memory_space<semaphore_mem>>
      %dma_wait3A_40 = tpu.memref_squeeze %dma_wait3A_39 : memref<1x!tpu.dma_semaphore, #tpu.memory_space<semaphore_mem>> -> memref<!tpu.dma_semaphore, #tpu.memory_space<semaphore_mem>>
      tpu.wait_dma2 semaphore(%dma_wait3A_40 : memref<!tpu.dma_semaphore, #tpu.memory_space<semaphore_mem>>) src(%arg2 : memref<4320xf32, #tpu.memory_space<hbm>>) dst(%arg6 : memref<4320xf32, #tpu.memory_space<vmem>>)
    } else {
    }
    %eq3A = arith.constant 0 : i32
    %eq3A_3 = arith.cmpi eq, %add3A, %eq3A : i32
    %convert_element_type3A_4 = arith.extui %eq3A_3 : i1 to i32
    %cond3A_5 = arith.constant 0 : i32
    %cond3A_6 = arith.cmpi ne, %convert_element_type3A_4, %cond3A_5 : i32
    scf.if %cond3A_6 {
      %dma_start3A = arith.constant 1 : i32
      %dma_start3A_37 = tpu.memref_slice %arg7[%dma_start3A] : memref<3x!tpu.dma_semaphore, #tpu.memory_space<semaphore_mem>> -> memref<1x!tpu.dma_semaphore, #tpu.memory_space<semaphore_mem>>
      %dma_start3A_38 = tpu.memref_squeeze %dma_start3A_37 : memref<1x!tpu.dma_semaphore, #tpu.memory_space<semaphore_mem>> -> memref<!tpu.dma_semaphore, #tpu.memory_space<semaphore_mem>>
      tpu.enqueue_dma source(%arg3 : memref<21504xf32, #tpu.memory_space<hbm>>) target(%arg5 : memref<21504xf32, #tpu.memory_space<vmem>>) target_semaphore(%dma_start3A_38 : memref<!tpu.dma_semaphore, #tpu.memory_space<semaphore_mem>>)
      %dma_wait3A = arith.constant 1 : i32
      %dma_wait3A_39 = tpu.memref_slice %arg7[%dma_wait3A] : memref<3x!tpu.dma_semaphore, #tpu.memory_space<semaphore_mem>> -> memref<1x!tpu.dma_semaphore, #tpu.memory_space<semaphore_mem>>
      %dma_wait3A_40 = tpu.memref_squeeze %dma_wait3A_39 : memref<1x!tpu.dma_semaphore, #tpu.memory_space<semaphore_mem>> -> memref<!tpu.dma_semaphore, #tpu.memory_space<semaphore_mem>>
      tpu.wait_dma2 semaphore(%dma_wait3A_40 : memref<!tpu.dma_semaphore, #tpu.memory_space<semaphore_mem>>) src(%arg3 : memref<21504xf32, #tpu.memory_space<hbm>>) dst(%arg5 : memref<21504xf32, #tpu.memory_space<vmem>>)
      %dma_start3A_41 = arith.constant 2 : i32
      %dma_start3A_42 = arith.constant 0 : i32
      %dma_start3A_43 = tpu.memref_slice %arg4[%dma_start3A_42] : memref<150528xf32, #tpu.memory_space<hbm>> -> memref<21504xf32, #tpu.memory_space<hbm>>
      %dma_start3A_44 = tpu.memref_slice %arg7[%dma_start3A_41] : memref<3x!tpu.dma_semaphore, #tpu.memory_space<semaphore_mem>> -> memref<1x!tpu.dma_semaphore, #tpu.memory_space<semaphore_mem>>
      %dma_start3A_45 = tpu.memref_squeeze %dma_start3A_44 : memref<1x!tpu.dma_semaphore, #tpu.memory_space<semaphore_mem>> -> memref<!tpu.dma_semaphore, #tpu.memory_space<semaphore_mem>>
      %dma_start3A_46 = arith.constant 0 : i32
      %dma_start3A_47 = tpu.memref_slice %arg4[%dma_start3A_46] : memref<150528xf32, #tpu.memory_space<hbm>> -> memref<21504xf32, #tpu.memory_space<hbm>>
      tpu.enqueue_dma source(%arg5 : memref<21504xf32, #tpu.memory_space<vmem>>) target(%dma_start3A_47 : memref<21504xf32, #tpu.memory_space<hbm>>) target_semaphore(%dma_start3A_45 : memref<!tpu.dma_semaphore, #tpu.memory_space<semaphore_mem>>)
      %dma_wait3A_48 = arith.constant 2 : i32
      %dma_wait3A_49 = arith.constant 0 : i32
      %dma_wait3A_50 = tpu.memref_slice %arg4[%dma_wait3A_49] : memref<150528xf32, #tpu.memory_space<hbm>> -> memref<21504xf32, #tpu.memory_space<hbm>>
      %dma_wait3A_51 = tpu.memref_slice %arg7[%dma_wait3A_48] : memref<3x!tpu.dma_semaphore, #tpu.memory_space<semaphore_mem>> -> memref<1x!tpu.dma_semaphore, #tpu.memory_space<semaphore_mem>>
      %dma_wait3A_52 = tpu.memref_squeeze %dma_wait3A_51 : memref<1x!tpu.dma_semaphore, #tpu.memory_space<semaphore_mem>> -> memref<!tpu.dma_semaphore, #tpu.memory_space<semaphore_mem>>
      %dma_wait3A_53 = arith.constant 0 : i32
      %dma_wait3A_54 = tpu.memref_slice %arg4[%dma_wait3A_53] : memref<150528xf32, #tpu.memory_space<hbm>> -> memref<21504xf32, #tpu.memory_space<hbm>>
      tpu.wait_dma2 semaphore(%dma_wait3A_52 : memref<!tpu.dma_semaphore, #tpu.memory_space<semaphore_mem>>) src(%arg5 : memref<21504xf32, #tpu.memory_space<vmem>>) dst(%dma_wait3A_54 : memref<21504xf32, #tpu.memory_space<hbm>>)
    } else {
    }
    %eq3A_7 = arith.constant 1 : i32
    %eq3A_8 = arith.cmpi eq, %add3A, %eq3A_7 : i32
    %convert_element_type3A_9 = arith.extui %eq3A_8 : i1 to i32
    %cond3A_10 = arith.constant 0 : i32
    %cond3A_11 = arith.cmpi ne, %convert_element_type3A_9, %cond3A_10 : i32
    scf.if %cond3A_11 {
      %dma_start3A = arith.constant 1 : i32
      %dma_start3A_37 = tpu.memref_slice %arg7[%dma_start3A] : memref<3x!tpu.dma_semaphore, #tpu.memory_space<semaphore_mem>> -> memref<1x!tpu.dma_semaphore, #tpu.memory_space<semaphore_mem>>
      %dma_start3A_38 = tpu.memref_squeeze %dma_start3A_37 : memref<1x!tpu.dma_semaphore, #tpu.memory_space<semaphore_mem>> -> memref<!tpu.dma_semaphore, #tpu.memory_space<semaphore_mem>>
      tpu.enqueue_dma source(%arg3 : memref<21504xf32, #tpu.memory_space<hbm>>) target(%arg5 : memref<21504xf32, #tpu.memory_space<vmem>>) target_semaphore(%dma_start3A_38 : memref<!tpu.dma_semaphore, #tpu.memory_space<semaphore_mem>>)
      %dma_wait3A = arith.constant 1 : i32
      %dma_wait3A_39 = tpu.memref_slice %arg7[%dma_wait3A] : memref<3x!tpu.dma_semaphore, #tpu.memory_space<semaphore_mem>> -> memref<1x!tpu.dma_semaphore, #tpu.memory_space<semaphore_mem>>
      %dma_wait3A_40 = tpu.memref_squeeze %dma_wait3A_39 : memref<1x!tpu.dma_semaphore, #tpu.memory_space<semaphore_mem>> -> memref<!tpu.dma_semaphore, #tpu.memory_space<semaphore_mem>>
      tpu.wait_dma2 semaphore(%dma_wait3A_40 : memref<!tpu.dma_semaphore, #tpu.memory_space<semaphore_mem>>) src(%arg3 : memref<21504xf32, #tpu.memory_space<hbm>>) dst(%arg5 : memref<21504xf32, #tpu.memory_space<vmem>>)
      %get3A = arith.constant 0 : index
      %get3A_41 = tpu.vector_load %arg6[%get3A] {strides = array<i32>} : memref<4320xf32, #tpu.memory_space<vmem>>, vector<16xf32>,
      %get3A_42 = vector.shape_cast %get3A_41 : vector<16xf32> to vector<16xf32>
      %swap3A = arith.constant 17056 : index
      %swap3A_43 = tpu.vector_load %arg5[%swap3A] {strides = array<i32>} : memref<21504xf32, #tpu.memory_space<vmem>>, vector<16xf32>,
      %swap3A_44 = vector.shape_cast %swap3A_43 : vector<16xf32> to vector<16xf32>
      %swap3A_45 = vector.shape_cast %get3A_42 : vector<16xf32> to vector<16xf32>
      tpu.vector_store %arg5[%swap3A], %swap3A_45 {strides = array<i32>} : memref<21504xf32, #tpu.memory_space<vmem>>, vector<16xf32>,
      %get3A_46 = arith.constant 16 : index
      %get3A_47 = tpu.vector_load %arg6[%get3A_46] {strides = array<i32>} : memref<4320xf32, #tpu.memory_space<vmem>>, vector<16xf32>,
      %get3A_48 = vector.shape_cast %get3A_47 : vector<16xf32> to vector<16xf32>
      %swap3A_49 = arith.constant 17072 : index
      %swap3A_50 = tpu.vector_load %arg5[%swap3A_49] {strides = array<i32>} : memref<21504xf32, #tpu.memory_space<vmem>>, vector<16xf32>,
      %swap3A_51 = vector.shape_cast %swap3A_50 : vector<16xf32> to vector<16xf32>
      %swap3A_52 = vector.shape_cast %get3A_48 : vector<16xf32> to vector<16xf32>
      tpu.vector_store %arg5[%swap3A_49], %swap3A_52 {strides = array<i32>} : memref<21504xf32, #tpu.memory_space<vmem>>, vector<16xf32>,
      %get3A_53 = arith.constant 32 : index
      %get3A_54 = tpu.vector_load %arg6[%get3A_53] {strides = array<i32>} : memref<4320xf32, #tpu.memory_space<vmem>>, vector<16xf32>,
      %get3A_55 = vector.shape_cast %get3A_54 : vector<16xf32> to vector<16xf32>
      %swap3A_56 = arith.constant 17088 : index
      %swap3A_57 = tpu.vector_load %arg5[%swap3A_56] {strides = array<i32>} : memref<21504xf32, #tpu.memory_space<vmem>>, vector<16xf32>,
      %swap3A_58 = vector.shape_cast %swap3A_57 : vector<16xf32> to vector<16xf32>
      %swap3A_59 = vector.shape_cast %get3A_55 : vector<16xf32> to vector<16xf32>
      tpu.vector_store %arg5[%swap3A_56], %swap3A_59 {strides = array<i32>} : memref<21504xf32, #tpu.memory_space<vmem>>, vector<16xf32>,
      %get3A_60 = arith.constant 48 : index
      %get3A_61 = tpu.vector_load %arg6[%get3A_60] {strides = array<i32>} : memref<4320xf32, #tpu.memory_space<vmem>>, vector<16xf32>,
      %get3A_62 = vector.shape_cast %get3A_61 : vector<16xf32> to vector<16xf32>
      %swap3A_63 = arith.constant 17280 : index
      %swap3A_64 = tpu.vector_load %arg5[%swap3A_63] {strides = array<i32>} : memref<21504xf32, #tpu.memory_space<vmem>>, vector<16xf32>,
      %swap3A_65 = vector.shape_cast %swap3A_64 : vector<16xf32> to vector<16xf32>
      %swap3A_66 = vector.shape_cast %get3A_62 : vector<16xf32> to vector<16xf32>
      tpu.vector_store %arg5[%swap3A_63], %swap3A_66 {strides = array<i32>} : memref<21504xf32, #tpu.memory_space<vmem>>, vector<16xf32>,
      %get3A_67 = arith.constant 64 : index
      %get3A_68 = tpu.vector_load %arg6[%get3A_67] {strides = array<i32>} : memref<4320xf32, #tpu.memory_space<vmem>>, vector<16xf32>,
      %get3A_69 = vector.shape_cast %get3A_68 : vector<16xf32> to vector<16xf32>
      %swap3A_70 = arith.constant 17296 : index
      %swap3A_71 = tpu.vector_load %arg5[%swap3A_70] {strides = array<i32>} : memref<21504xf32, #tpu.memory_space<vmem>>, vector<16xf32>,
      %swap3A_72 = vector.shape_cast %swap3A_71 : vector<16xf32> to vector<16xf32>
      %swap3A_73 = vector.shape_cast %get3A_69 : vector<16xf32> to vector<16xf32>
      tpu.vector_store %arg5[%swap3A_70], %swap3A_73 {strides = array<i32>} : memref<21504xf32, #tpu.memory_space<vmem>>, vector<16xf32>,
      %get3A_74 = arith.constant 80 : index
      %get3A_75 = tpu.vector_load %arg6[%get3A_74] {strides = array<i32>} : memref<4320xf32, #tpu.memory_space<vmem>>, vector<16xf32>,
      %get3A_76 = vector.shape_cast %get3A_75 : vector<16xf32> to vector<16xf32>
      %swap3A_77 = arith.constant 17312 : index
      %swap3A_78 = tpu.vector_load %arg5[%swap3A_77] {strides = array<i32>} : memref<21504xf32, #tpu.memory_space<vmem>>, vector<16xf32>,
      %swap3A_79 = vector.shape_cast %swap3A_78 : vector<16xf32> to vector<16xf32>
      %swap3A_80 = vector.shape_cast %get3A_76 : vector<16xf32> to vector<16xf32>
      tpu.vector_store %arg5[%swap3A_77], %swap3A_80 {strides = array<i32>} : memref<21504xf32, #tpu.memory_space<vmem>>, vector<16xf32>,
      %get3A_81 = arith.constant 96 : index
      %get3A_82 = tpu.vector_load %arg6[%get3A_81] {strides = array<i32>} : memref<4320xf32, #tpu.memory_space<vmem>>, vector<16xf32>,
      %get3A_83 = vector.shape_cast %get3A_82 : vector<16xf32> to vector<16xf32>
      %swap3A_84 = arith.constant 17504 : index
      %swap3A_85 = tpu.vector_load %arg5[%swap3A_84] {strides = array<i32>} : memref<21504xf32, #tpu.memory_space<vmem>>, vector<16xf32>,
      %swap3A_86 = vector.shape_cast %swap3A_85 : vector<16xf32> to vector<16xf32>
      %swap3A_87 = vector.shape_cast %get3A_83 : vector<16xf32> to vector<16xf32>
      tpu.vector_store %arg5[%swap3A_84], %swap3A_87 {strides = array<i32>} : memref<21504xf32, #tpu.memory_space<vmem>>, vector<16xf32>,
      %get3A_88 = arith.constant 112 : index
      %get3A_89 = tpu.vector_load %arg6[%get3A_88] {strides = array<i32>} : memref<4320xf32, #tpu.memory_space<vmem>>, vector<16xf32>,
      %get3A_90 = vector.shape_cast %get3A_89 : vector<16xf32> to vector<16xf32>
      %swap3A_91 = arith.constant 17520 : index
      %swap3A_92 = tpu.vector_load %arg5[%swap3A_91] {strides = array<i32>} : memref<21504xf32, #tpu.memory_space<vmem>>, vector<16xf32>,
      %swap3A_93 = vector.shape_cast %swap3A_92 : vector<16xf32> to vector<16xf32>
      %swap3A_94 = vector.shape_cast %get3A_90 : vector<16xf32> to vector<16xf32>
      tpu.vector_store %arg5[%swap3A_91], %swap3A_94 {strides = array<i32>} : memref<21504xf32, #tpu.memory_space<vmem>>, vector<16xf32>,
      %get3A_95 = arith.constant 128 : index
      %get3A_96 = tpu.vector_load %arg6[%get3A_95] {strides = array<i32>} : memref<4320xf32, #tpu.memory_space<vmem>>, vector<16xf32>,
      %get3A_97 = vector.shape_cast %get3A_96 : vector<16xf32> to vector<16xf32>
      %swap3A_98 = arith.constant 17536 : index
      %swap3A_99 = tpu.vector_load %arg5[%swap3A_98] {strides = array<i32>} : memref<21504xf32, #tpu.memory_space<vmem>>, vector<16xf32>,
      %swap3A_100 = vector.shape_cast %swap3A_99 : vector<16xf32> to vector<16xf32>
      %swap3A_101 = vector.shape_cast %get3A_97 : vector<16xf32> to vector<16xf32>
      tpu.vector_store %arg5[%swap3A_98], %swap3A_101 {strides = array<i32>} : memref<21504xf32, #tpu.memory_space<vmem>>, vector<16xf32>,
      %get3A_102 = arith.constant 144 : index
      %get3A_103 = tpu.vector_load %arg6[%get3A_102] {strides = array<i32>} : memref<4320xf32, #tpu.memory_space<vmem>>, vector<16xf32>,
      %get3A_104 = vector.shape_cast %get3A_103 : vector<16xf32> to vector<16xf32>
      %swap3A_105 = arith.constant 17728 : index
      %swap3A_106 = tpu.vector_load %arg5[%swap3A_105] {strides = array<i32>} : memref<21504xf32, #tpu.memory_space<vmem>>, vector<16xf32>,
      %swap3A_107 = vector.shape_cast %swap3A_106 : vector<16xf32> to vector<16xf32>
      %swap3A_108 = vector.shape_cast %get3A_104 : vector<16xf32> to vector<16xf32>
      tpu.vector_store %arg5[%swap3A_105], %swap3A_108 {strides = array<i32>} : memref<21504xf32, #tpu.memory_space<vmem>>, vector<16xf32>,
      %get3A_109 = arith.constant 160 : index
      %get3A_110 = tpu.vector_load %arg6[%get3A_109] {strides = array<i32>} : memref<4320xf32, #tpu.memory_space<vmem>>, vector<16xf32>,
      %get3A_111 = vector.shape_cast %get3A_110 : vector<16xf32> to vector<16xf32>
      %swap3A_112 = arith.constant 17744 : index
      %swap3A_113 = tpu.vector_load %arg5[%swap3A_112] {strides = array<i32>} : memref<21504xf32, #tpu.memory_space<vmem>>, vector<16xf32>,
      %swap3A_114 = vector.shape_cast %swap3A_113 : vector<16xf32> to vector<16xf32>
      %swap3A_115 = vector.shape_cast %get3A_111 : vector<16xf32> to vector<16xf32>
      tpu.vector_store %arg5[%swap3A_112], %swap3A_115 {strides = array<i32>} : memref<21504xf32, #tpu.memory_space<vmem>>, vector<16xf32>,
      %get3A_116 = arith.constant 176 : index
      %get3A_117 = tpu.vector_load %arg6[%get3A_116] {strides = array<i32>} : memref<4320xf32, #tpu.memory_space<vmem>>, vector<16xf32>,
      %get3A_118 = vector.shape_cast %get3A_117 : vector<16xf32> to vector<16xf32>
      %swap3A_119 = arith.constant 17760 : index
      %swap3A_120 = tpu.vector_load %arg5[%swap3A_119] {strides = array<i32>} : memref<21504xf32, #tpu.memory_space<vmem>>, vector<16xf32>,
      %swap3A_121 = vector.shape_cast %swap3A_120 : vector<16xf32> to vector<16xf32>
      %swap3A_122 = vector.shape_cast %get3A_118 : vector<16xf32> to vector<16xf32>
      tpu.vector_store %arg5[%swap3A_119], %swap3A_122 {strides = array<i32>} : memref<21504xf32, #tpu.memory_space<vmem>>, vector<16xf32>,
      %get3A_123 = arith.constant 192 : index
      %get3A_124 = tpu.vector_load %arg6[%get3A_123] {strides = array<i32>} : memref<4320xf32, #tpu.memory_space<vmem>>, vector<16xf32>,
      %get3A_125 = vector.shape_cast %get3A_124 : vector<16xf32> to vector<16xf32>
      %swap3A_126 = arith.constant 17952 : index
      %swap3A_127 = tpu.vector_load %arg5[%swap3A_126] {strides = array<i32>} : memref<21504xf32, #tpu.memory_space<vmem>>, vector<16xf32>,
      %swap3A_128 = vector.shape_cast %swap3A_127 : vector<16xf32> to vector<16xf32>
      %swap3A_129 = vector.shape_cast %get3A_125 : vector<16xf32> to vector<16xf32>
      tpu.vector_store %arg5[%swap3A_126], %swap3A_129 {strides = array<i32>} : memref<21504xf32, #tpu.memory_space<vmem>>, vector<16xf32>,
      %get3A_130 = arith.constant 208 : index
      %get3A_131 = tpu.vector_load %arg6[%get3A_130] {strides = array<i32>} : memref<4320xf32, #tpu.memory_space<vmem>>, vector<16xf32>,
      %get3A_132 = vector.shape_cast %get3A_131 : vector<16xf32> to vector<16xf32>
      %swap3A_133 = arith.constant 17968 : index
      %swap3A_134 = tpu.vector_load %arg5[%swap3A_133] {strides = array<i32>} : memref<21504xf32, #tpu.memory_space<vmem>>, vector<16xf32>,
      %swap3A_135 = vector.shape_cast %swap3A_134 : vector<16xf32> to vector<16xf32>
      %swap3A_136 = vector.shape_cast %get3A_132 : vector<16xf32> to vector<16xf32>
      tpu.vector_store %arg5[%swap3A_133], %swap3A_136 {strides = array<i32>} : memref<21504xf32, #tpu.memory_space<vmem>>, vector<16xf32>,
      %get3A_137 = arith.constant 224 : index
      %get3A_138 = tpu.vector_load %arg6[%get3A_137] {strides = array<i32>} : memref<4320xf32, #tpu.memory_space<vmem>>, vector<16xf32>,
      %get3A_139 = vector.shape_cast %get3A_138 : vector<16xf32> to vector<16xf32>
      %swap3A_140 = arith.constant 17984 : index
      %swap3A_141 = tpu.vector_load %arg5[%swap3A_140] {strides = array<i32>} : memref<21504xf32, #tpu.memory_space<vmem>>, vector<16xf32>,
      %swap3A_142 = vector.shape_cast %swap3A_141 : vector<16xf32> to vector<16xf32>
      %swap3A_143 = vector.shape_cast %get3A_139 : vector<16xf32> to vector<16xf32>
      tpu.vector_store %arg5[%swap3A_140], %swap3A_143 {strides = array<i32>} : memref<21504xf32, #tpu.memory_space<vmem>>, vector<16xf32>,
      %get3A_144 = arith.constant 240 : index
      %get3A_145 = tpu.vector_load %arg6[%get3A_144] {strides = array<i32>} : memref<4320xf32, #tpu.memory_space<vmem>>, vector<16xf32>,
      %get3A_146 = vector.shape_cast %get3A_145 : vector<16xf32> to vector<16xf32>
      %swap3A_147 = arith.constant 18176 : index
      %swap3A_148 = tpu.vector_load %arg5[%swap3A_147] {strides = array<i32>} : memref<21504xf32, #tpu.memory_space<vmem>>, vector<16xf32>,
      %swap3A_149 = vector.shape_cast %swap3A_148 : vector<16xf32> to vector<16xf32>
      %swap3A_150 = vector.shape_cast %get3A_146 : vector<16xf32> to vector<16xf32>
      tpu.vector_store %arg5[%swap3A_147], %swap3A_150 {strides = array<i32>} : memref<21504xf32, #tpu.memory_space<vmem>>, vector<16xf32>,
      %get3A_151 = arith.constant 256 : index
      %get3A_152 = tpu.vector_load %arg6[%get3A_151] {strides = array<i32>} : memref<4320xf32, #tpu.memory_space<vmem>>, vector<16xf32>,
      %get3A_153 = vector.shape_cast %get3A_152 : vector<16xf32> to vector<16xf32>
      %swap3A_154 = arith.constant 18192 : index
      %swap3A_155 = tpu.vector_load %arg5[%swap3A_154] {strides = array<i32>} : memref<21504xf32, #tpu.memory_space<vmem>>, vector<16xf32>,
      %swap3A_156 = vector.shape_cast %swap3A_155 : vector<16xf32> to vector<16xf32>
      %swap3A_157 = vector.shape_cast %get3A_153 : vector<16xf32> to vector<16xf32>
      tpu.vector_store %arg5[%swap3A_154], %swap3A_157 {strides = array<i32>} : memref<21504xf32, #tpu.memory_space<vmem>>, vector<16xf32>,
      %get3A_158 = arith.constant 272 : index
      %get3A_159 = tpu.vector_load %arg6[%get3A_158] {strides = array<i32>} : memref<4320xf32, #tpu.memory_space<vmem>>, vector<16xf32>,
      %get3A_160 = vector.shape_cast %get3A_159 : vector<16xf32> to vector<16xf32>
      %swap3A_161 = arith.constant 18208 : index
      %swap3A_162 = tpu.vector_load %arg5[%swap3A_161] {strides = array<i32>} : memref<21504xf32, #tpu.memory_space<vmem>>, vector<16xf32>,
      %swap3A_163 = vector.shape_cast %swap3A_162 : vector<16xf32> to vector<16xf32>
      %swap3A_164 = vector.shape_cast %get3A_160 : vector<16xf32> to vector<16xf32>
      tpu.vector_store %arg5[%swap3A_161], %swap3A_164 {strides = array<i32>} : memref<21504xf32, #tpu.memory_space<vmem>>, vector<16xf32>,
      %get3A_165 = arith.constant 288 : index
      %get3A_166 = tpu.vector_load %arg6[%get3A_165] {strides = array<i32>} : memref<4320xf32, #tpu.memory_space<vmem>>, vector<16xf32>,
      %get3A_167 = vector.shape_cast %get3A_166 : vector<16xf32> to vector<16xf32>
      %swap3A_168 = arith.constant 18400 : index
      %swap3A_169 = tpu.vector_load %arg5[%swap3A_168] {strides = array<i32>} : memref<21504xf32, #tpu.memory_space<vmem>>, vector<16xf32>,
      %swap3A_170 = vector.shape_cast %swap3A_169 : vector<16xf32> to vector<16xf32>
      %swap3A_171 = vector.shape_cast %get3A_167 : vector<16xf32> to vector<16xf32>
      tpu.vector_store %arg5[%swap3A_168], %swap3A_171 {strides = array<i32>} : memref<21504xf32, #tpu.memory_space<vmem>>, vector<16xf32>,
      %get3A_172 = arith.constant 304 : index
      %get3A_173 = tpu.vector_load %arg6[%get3A_172] {strides = array<i32>} : memref<4320xf32, #tpu.memory_space<vmem>>, vector<16xf32>,
      %get3A_174 = vector.shape_cast %get3A_173 : vector<16xf32> to vector<16xf32>
      %swap3A_175 = arith.constant 18416 : index
      %swap3A_176 = tpu.vector_load %arg5[%swap3A_175] {strides = array<i32>} : memref<21504xf32, #tpu.memory_space<vmem>>, vector<16xf32>,
      %swap3A_177 = vector.shape_cast %swap3A_176 : vector<16xf32> to vector<16xf32>
      %swap3A_178 = vector.shape_cast %get3A_174 : vector<16xf32> to vector<16xf32>
      tpu.vector_store %arg5[%swap3A_175], %swap3A_178 {strides = array<i32>} : memref<21504xf32, #tpu.memory_space<vmem>>, vector<16xf32>,
      %get3A_179 = arith.constant 320 : index
      %get3A_180 = tpu.vector_load %arg6[%get3A_179] {strides = array<i32>} : memref<4320xf32, #tpu.memory_space<vmem>>, vector<16xf32>,
      %get3A_181 = vector.shape_cast %get3A_180 : vector<16xf32> to vector<16xf32>
      %swap3A_182 = arith.constant 18432 : index
      %swap3A_183 = tpu.vector_load %arg5[%swap3A_182] {strides = array<i32>} : memref<21504xf32, #tpu.memory_space<vmem>>, vector<16xf32>,
      %swap3A_184 = vector.shape_cast %swap3A_183 : vector<16xf32> to vector<16xf32>
      %swap3A_185 = vector.shape_cast %get3A_181 : vector<16xf32> to vector<16xf32>
      tpu.vector_store %arg5[%swap3A_182], %swap3A_185 {strides = array<i32>} : memref<21504xf32, #tpu.memory_space<vmem>>, vector<16xf32>,
      %get3A_186 = arith.constant 336 : index
      %get3A_187 = tpu.vector_load %arg6[%get3A_186] {strides = array<i32>} : memref<4320xf32, #tpu.memory_space<vmem>>, vector<16xf32>,
      %get3A_188 = vector.shape_cast %get3A_187 : vector<16xf32> to vector<16xf32>
      %swap3A_189 = arith.constant 18624 : index
      %swap3A_190 = tpu.vector_load %arg5[%swap3A_189] {strides = array<i32>} : memref<21504xf32, #tpu.memory_space<vmem>>, vector<16xf32>,
      %swap3A_191 = vector.shape_cast %swap3A_190 : vector<16xf32> to vector<16xf32>
      %swap3A_192 = vector.shape_cast %get3A_188 : vector<16xf32> to vector<16xf32>
      tpu.vector_store %arg5[%swap3A_189], %swap3A_192 {strides = array<i32>} : memref<21504xf32, #tpu.memory_space<vmem>>, vector<16xf32>,
      %get3A_193 = arith.constant 352 : index
      %get3A_194 = tpu.vector_load %arg6[%get3A_193] {strides = array<i32>} : memref<4320xf32, #tpu.memory_space<vmem>>, vector<16xf32>,
      %get3A_195 = vector.shape_cast %get3A_194 : vector<16xf32> to vector<16xf32>
      %swap3A_196 = arith.constant 18640 : index
      %swap3A_197 = tpu.vector_load %arg5[%swap3A_196] {strides = array<i32>} : memref<21504xf32, #tpu.memory_space<vmem>>, vector<16xf32>,
      %swap3A_198 = vector.shape_cast %swap3A_197 : vector<16xf32> to vector<16xf32>
      %swap3A_199 = vector.shape_cast %get3A_195 : vector<16xf32> to vector<16xf32>
      tpu.vector_store %arg5[%swap3A_196], %swap3A_199 {strides = array<i32>} : memref<21504xf32, #tpu.memory_space<vmem>>, vector<16xf32>,
      %get3A_200 = arith.constant 368 : index
      %get3A_201 = tpu.vector_load %arg6[%get3A_200] {strides = array<i32>} : memref<4320xf32, #tpu.memory_space<vmem>>, vector<16xf32>,
      %get3A_202 = vector.shape_cast %get3A_201 : vector<16xf32> to vector<16xf32>
      %swap3A_203 = arith.constant 18656 : index
      %swap3A_204 = tpu.vector_load %arg5[%swap3A_203] {strides = array<i32>} : memref<21504xf32, #tpu.memory_space<vmem>>, vector<16xf32>,
      %swap3A_205 = vector.shape_cast %swap3A_204 : vector<16xf32> to vector<16xf32>
      %swap3A_206 = vector.shape_cast %get3A_202 : vector<16xf32> to vector<16xf32>
      tpu.vector_store %arg5[%swap3A_203], %swap3A_206 {strides = array<i32>} : memref<21504xf32, #tpu.memory_space<vmem>>, vector<16xf32>,
      %get3A_207 = arith.constant 384 : index
      %get3A_208 = tpu.vector_load %arg6[%get3A_207] {strides = array<i32>} : memref<4320xf32, #tpu.memory_space<vmem>>, vector<16xf32>,
      %get3A_209 = vector.shape_cast %get3A_208 : vector<16xf32> to vector<16xf32>
      %swap3A_210 = arith.constant 18848 : index
      %swap3A_211 = tpu.vector_load %arg5[%swap3A_210] {strides = array<i32>} : memref<21504xf32, #tpu.memory_space<vmem>>, vector<16xf32>,
      %swap3A_212 = vector.shape_cast %swap3A_211 : vector<16xf32> to vector<16xf32>
      %swap3A_213 = vector.shape_cast %get3A_209 : vector<16xf32> to vector<16xf32>
      tpu.vector_store %arg5[%swap3A_210], %swap3A_213 {strides = array<i32>} : memref<21504xf32, #tpu.memory_space<vmem>>, vector<16xf32>,
      %get3A_214 = arith.constant 400 : index
      %get3A_215 = tpu.vector_load %arg6[%get3A_214] {strides = array<i32>} : memref<4320xf32, #tpu.memory_space<vmem>>, vector<16xf32>,
      %get3A_216 = vector.shape_cast %get3A_215 : vector<16xf32> to vector<16xf32>
      %swap3A_217 = arith.constant 18864 : index
      %swap3A_218 = tpu.vector_load %arg5[%swap3A_217] {strides = array<i32>} : memref<21504xf32, #tpu.memory_space<vmem>>, vector<16xf32>,
      %swap3A_219 = vector.shape_cast %swap3A_218 : vector<16xf32> to vector<16xf32>
      %swap3A_220 = vector.shape_cast %get3A_216 : vector<16xf32> to vector<16xf32>
      tpu.vector_store %arg5[%swap3A_217], %swap3A_220 {strides = array<i32>} : memref<21504xf32, #tpu.memory_space<vmem>>, vector<16xf32>,
      %get3A_221 = arith.constant 416 : index
      %get3A_222 = tpu.vector_load %arg6[%get3A_221] {strides = array<i32>} : memref<4320xf32, #tpu.memory_space<vmem>>, vector<16xf32>,
      %get3A_223 = vector.shape_cast %get3A_222 : vector<16xf32> to vector<16xf32>
      %swap3A_224 = arith.constant 18880 : index
      %swap3A_225 = tpu.vector_load %arg5[%swap3A_224] {strides = array<i32>} : memref<21504xf32, #tpu.memory_space<vmem>>, vector<16xf32>,
      %swap3A_226 = vector.shape_cast %swap3A_225 : vector<16xf32> to vector<16xf32>
      %swap3A_227 = vector.shape_cast %get3A_223 : vector<16xf32> to vector<16xf32>
      tpu.vector_store %arg5[%swap3A_224], %swap3A_227 {strides = array<i32>} : memref<21504xf32, #tpu.memory_space<vmem>>, vector<16xf32>,
      %get3A_228 = arith.constant 432 : index
      %get3A_229 = tpu.vector_load %arg6[%get3A_228] {strides = array<i32>} : memref<4320xf32, #tpu.memory_space<vmem>>, vector<16xf32>,
      %get3A_230 = vector.shape_cast %get3A_229 : vector<16xf32> to vector<16xf32>
      %swap3A_231 = arith.constant 19072 : index
      %swap3A_232 = tpu.vector_load %arg5[%swap3A_231] {strides = array<i32>} : memref<21504xf32, #tpu.memory_space<vmem>>, vector<16xf32>,
      %swap3A_233 = vector.shape_cast %swap3A_232 : vector<16xf32> to vector<16xf32>
      %swap3A_234 = vector.shape_cast %get3A_230 : vector<16xf32> to vector<16xf32>
      tpu.vector_store %arg5[%swap3A_231], %swap3A_234 {strides = array<i32>} : memref<21504xf32, #tpu.memory_space<vmem>>, vector<16xf32>,
      %get3A_235 = arith.constant 448 : index
      %get3A_236 = tpu.vector_load %arg6[%get3A_235] {strides = array<i32>} : memref<4320xf32, #tpu.memory_space<vmem>>, vector<16xf32>,
      %get3A_237 = vector.shape_cast %get3A_236 : vector<16xf32> to vector<16xf32>
      %swap3A_238 = arith.constant 19088 : index
      %swap3A_239 = tpu.vector_load %arg5[%swap3A_238] {strides = array<i32>} : memref<21504xf32, #tpu.memory_space<vmem>>, vector<16xf32>,
      %swap3A_240 = vector.shape_cast %swap3A_239 : vector<16xf32> to vector<16xf32>
      %swap3A_241 = vector.shape_cast %get3A_237 : vector<16xf32> to vector<16xf32>
      tpu.vector_store %arg5[%swap3A_238], %swap3A_241 {strides = array<i32>} : memref<21504xf32, #tpu.memory_space<vmem>>, vector<16xf32>,
      %get3A_242 = arith.constant 464 : index
      %get3A_243 = tpu.vector_load %arg6[%get3A_242] {strides = array<i32>} : memref<4320xf32, #tpu.memory_space<vmem>>, vector<16xf32>,
      %get3A_244 = vector.shape_cast %get3A_243 : vector<16xf32> to vector<16xf32>
      %swap3A_245 = arith.constant 19104 : index
      %swap3A_246 = tpu.vector_load %arg5[%swap3A_245] {strides = array<i32>} : memref<21504xf32, #tpu.memory_space<vmem>>, vector<16xf32>,
      %swap3A_247 = vector.shape_cast %swap3A_246 : vector<16xf32> to vector<16xf32>
      %swap3A_248 = vector.shape_cast %get3A_244 : vector<16xf32> to vector<16xf32>
      tpu.vector_store %arg5[%swap3A_245], %swap3A_248 {strides = array<i32>} : memref<21504xf32, #tpu.memory_space<vmem>>, vector<16xf32>,
      %get3A_249 = arith.constant 480 : index
      %get3A_250 = tpu.vector_load %arg6[%get3A_249] {strides = array<i32>} : memref<4320xf32, #tpu.memory_space<vmem>>, vector<16xf32>,
      %get3A_251 = vector.shape_cast %get3A_250 : vector<16xf32> to vector<16xf32>
      %swap3A_252 = arith.constant 19296 : index
      %swap3A_253 = tpu.vector_load %arg5[%swap3A_252] {strides = array<i32>} : memref<21504xf32, #tpu.memory_space<vmem>>, vector<16xf32>,
      %swap3A_254 = vector.shape_cast %swap3A_253 : vector<16xf32> to vector<16xf32>
      %swap3A_255 = vector.shape_cast %get3A_251 : vector<16xf32> to vector<16xf32>
      tpu.vector_store %arg5[%swap3A_252], %swap3A_255 {strides = array<i32>} : memref<21504xf32, #tpu.memory_space<vmem>>, vector<16xf32>,
      %get3A_256 = arith.constant 496 : index
      %get3A_257 = tpu.vector_load %arg6[%get3A_256] {strides = array<i32>} : memref<4320xf32, #tpu.memory_space<vmem>>, vector<16xf32>,
      %get3A_258 = vector.shape_cast %get3A_257 : vector<16xf32> to vector<16xf32>
      %swap3A_259 = arith.constant 19312 : index
      %swap3A_260 = tpu.vector_load %arg5[%swap3A_259] {strides = array<i32>} : memref<21504xf32, #tpu.memory_space<vmem>>, vector<16xf32>,
      %swap3A_261 = vector.shape_cast %swap3A_260 : vector<16xf32> to vector<16xf32>
      %swap3A_262 = vector.shape_cast %get3A_258 : vector<16xf32> to vector<16xf32>
      tpu.vector_store %arg5[%swap3A_259], %swap3A_262 {strides = array<i32>} : memref<21504xf32, #tpu.memory_space<vmem>>, vector<16xf32>,
      %get3A_263 = arith.constant 512 : index
      %get3A_264 = tpu.vector_load %arg6[%get3A_263] {strides = array<i32>} : memref<4320xf32, #tpu.memory_space<vmem>>, vector<16xf32>,
      %get3A_265 = vector.shape_cast %get3A_264 : vector<16xf32> to vector<16xf32>
      %swap3A_266 = arith.constant 19328 : index
      %swap3A_267 = tpu.vector_load %arg5[%swap3A_266] {strides = array<i32>} : memref<21504xf32, #tpu.memory_space<vmem>>, vector<16xf32>,
      %swap3A_268 = vector.shape_cast %swap3A_267 : vector<16xf32> to vector<16xf32>
      %swap3A_269 = vector.shape_cast %get3A_265 : vector<16xf32> to vector<16xf32>
      tpu.vector_store %arg5[%swap3A_266], %swap3A_269 {strides = array<i32>} : memref<21504xf32, #tpu.memory_space<vmem>>, vector<16xf32>,
      %get3A_270 = arith.constant 528 : index
      %get3A_271 = tpu.vector_load %arg6[%get3A_270] {strides = array<i32>} : memref<4320xf32, #tpu.memory_space<vmem>>, vector<16xf32>,
      %get3A_272 = vector.shape_cast %get3A_271 : vector<16xf32> to vector<16xf32>
      %swap3A_273 = arith.constant 19520 : index
      %swap3A_274 = tpu.vector_load %arg5[%swap3A_273] {strides = array<i32>} : memref<21504xf32, #tpu.memory_space<vmem>>, vector<16xf32>,
      %swap3A_275 = vector.shape_cast %swap3A_274 : vector<16xf32> to vector<16xf32>
      %swap3A_276 = vector.shape_cast %get3A_272 : vector<16xf32> to vector<16xf32>
      tpu.vector_store %arg5[%swap3A_273], %swap3A_276 {strides = array<i32>} : memref<21504xf32, #tpu.memory_space<vmem>>, vector<16xf32>,
      %get3A_277 = arith.constant 544 : index
      %get3A_278 = tpu.vector_load %arg6[%get3A_277] {strides = array<i32>} : memref<4320xf32, #tpu.memory_space<vmem>>, vector<16xf32>,
      %get3A_279 = vector.shape_cast %get3A_278 : vector<16xf32> to vector<16xf32>
      %swap3A_280 = arith.constant 19536 : index
      %swap3A_281 = tpu.vector_load %arg5[%swap3A_280] {strides = array<i32>} : memref<21504xf32, #tpu.memory_space<vmem>>, vector<16xf32>,
      %swap3A_282 = vector.shape_cast %swap3A_281 : vector<16xf32> to vector<16xf32>
      %swap3A_283 = vector.shape_cast %get3A_279 : vector<16xf32> to vector<16xf32>
      tpu.vector_store %arg5[%swap3A_280], %swap3A_283 {strides = array<i32>} : memref<21504xf32, #tpu.memory_space<vmem>>, vector<16xf32>,
      %get3A_284 = arith.constant 560 : index
      %get3A_285 = tpu.vector_load %arg6[%get3A_284] {strides = array<i32>} : memref<4320xf32, #tpu.memory_space<vmem>>, vector<16xf32>,
      %get3A_286 = vector.shape_cast %get3A_285 : vector<16xf32> to vector<16xf32>
      %swap3A_287 = arith.constant 19552 : index
      %swap3A_288 = tpu.vector_load %arg5[%swap3A_287] {strides = array<i32>} : memref<21504xf32, #tpu.memory_space<vmem>>, vector<16xf32>,
      %swap3A_289 = vector.shape_cast %swap3A_288 : vector<16xf32> to vector<16xf32>
      %swap3A_290 = vector.shape_cast %get3A_286 : vector<16xf32> to vector<16xf32>
      tpu.vector_store %arg5[%swap3A_287], %swap3A_290 {strides = array<i32>} : memref<21504xf32, #tpu.memory_space<vmem>>, vector<16xf32>,
      %get3A_291 = arith.constant 576 : index
      %get3A_292 = tpu.vector_load %arg6[%get3A_291] {strides = array<i32>} : memref<4320xf32, #tpu.memory_space<vmem>>, vector<16xf32>,
      %get3A_293 = vector.shape_cast %get3A_292 : vector<16xf32> to vector<16xf32>
      %swap3A_294 = arith.constant 19744 : index
      %swap3A_295 = tpu.vector_load %arg5[%swap3A_294] {strides = array<i32>} : memref<21504xf32, #tpu.memory_space<vmem>>, vector<16xf32>,
      %swap3A_296 = vector.shape_cast %swap3A_295 : vector<16xf32> to vector<16xf32>
      %swap3A_297 = vector.shape_cast %get3A_293 : vector<16xf32> to vector<16xf32>
      tpu.vector_store %arg5[%swap3A_294], %swap3A_297 {strides = array<i32>} : memref<21504xf32, #tpu.memory_space<vmem>>, vector<16xf32>,
      %get3A_298 = arith.constant 592 : index
      %get3A_299 = tpu.vector_load %arg6[%get3A_298] {strides = array<i32>} : memref<4320xf32, #tpu.memory_space<vmem>>, vector<16xf32>,
      %get3A_300 = vector.shape_cast %get3A_299 : vector<16xf32> to vector<16xf32>
      %swap3A_301 = arith.constant 19760 : index
      %swap3A_302 = tpu.vector_load %arg5[%swap3A_301] {strides = array<i32>} : memref<21504xf32, #tpu.memory_space<vmem>>, vector<16xf32>,
      %swap3A_303 = vector.shape_cast %swap3A_302 : vector<16xf32> to vector<16xf32>
      %swap3A_304 = vector.shape_cast %get3A_300 : vector<16xf32> to vector<16xf32>
      tpu.vector_store %arg5[%swap3A_301], %swap3A_304 {strides = array<i32>} : memref<21504xf32, #tpu.memory_space<vmem>>, vector<16xf32>,
      %get3A_305 = arith.constant 608 : index
      %get3A_306 = tpu.vector_load %arg6[%get3A_305] {strides = array<i32>} : memref<4320xf32, #tpu.memory_space<vmem>>, vector<16xf32>,
      %get3A_307 = vector.shape_cast %get3A_306 : vector<16xf32> to vector<16xf32>
      %swap3A_308 = arith.constant 19776 : index
      %swap3A_309 = tpu.vector_load %arg5[%swap3A_308] {strides = array<i32>} : memref<21504xf32, #tpu.memory_space<vmem>>, vector<16xf32>,
      %swap3A_310 = vector.shape_cast %swap3A_309 : vector<16xf32> to vector<16xf32>
      %swap3A_311 = vector.shape_cast %get3A_307 : vector<16xf32> to vector<16xf32>
      tpu.vector_store %arg5[%swap3A_308], %swap3A_311 {strides = array<i32>} : memref<21504xf32, #tpu.memory_space<vmem>>, vector<16xf32>,
      %get3A_312 = arith.constant 624 : index
      %get3A_313 = tpu.vector_load %arg6[%get3A_312] {strides = array<i32>} : memref<4320xf32, #tpu.memory_space<vmem>>, vector<16xf32>,
      %get3A_314 = vector.shape_cast %get3A_313 : vector<16xf32> to vector<16xf32>
      %swap3A_315 = arith.constant 19968 : index
      %swap3A_316 = tpu.vector_load %arg5[%swap3A_315] {strides = array<i32>} : memref<21504xf32, #tpu.memory_space<vmem>>, vector<16xf32>,
      %swap3A_317 = vector.shape_cast %swap3A_316 : vector<16xf32> to vector<16xf32>
      %swap3A_318 = vector.shape_cast %get3A_314 : vector<16xf32> to vector<16xf32>
      tpu.vector_store %arg5[%swap3A_315], %swap3A_318 {strides = array<i32>} : memref<21504xf32, #tpu.memory_space<vmem>>, vector<16xf32>,
      %get3A_319 = arith.constant 640 : index
      %get3A_320 = tpu.vector_load %arg6[%get3A_319] {strides = array<i32>} : memref<4320xf32, #tpu.memory_space<vmem>>, vector<16xf32>,
      %get3A_321 = vector.shape_cast %get3A_320 : vector<16xf32> to vector<16xf32>
      %swap3A_322 = arith.constant 19984 : index
      %swap3A_323 = tpu.vector_load %arg5[%swap3A_322] {strides = array<i32>} : memref<21504xf32, #tpu.memory_space<vmem>>, vector<16xf32>,
      %swap3A_324 = vector.shape_cast %swap3A_323 : vector<16xf32> to vector<16xf32>
      %swap3A_325 = vector.shape_cast %get3A_321 : vector<16xf32> to vector<16xf32>
      tpu.vector_store %arg5[%swap3A_322], %swap3A_325 {strides = array<i32>} : memref<21504xf32, #tpu.memory_space<vmem>>, vector<16xf32>,
      %get3A_326 = arith.constant 656 : index
      %get3A_327 = tpu.vector_load %arg6[%get3A_326] {strides = array<i32>} : memref<4320xf32, #tpu.memory_space<vmem>>, vector<16xf32>,
      %get3A_328 = vector.shape_cast %get3A_327 : vector<16xf32> to vector<16xf32>
      %swap3A_329 = arith.constant 20000 : index
      %swap3A_330 = tpu.vector_load %arg5[%swap3A_329] {strides = array<i32>} : memref<21504xf32, #tpu.memory_space<vmem>>, vector<16xf32>,
      %swap3A_331 = vector.shape_cast %swap3A_330 : vector<16xf32> to vector<16xf32>
      %swap3A_332 = vector.shape_cast %get3A_328 : vector<16xf32> to vector<16xf32>
      tpu.vector_store %arg5[%swap3A_329], %swap3A_332 {strides = array<i32>} : memref<21504xf32, #tpu.memory_space<vmem>>, vector<16xf32>,
      %get3A_333 = arith.constant 672 : index
      %get3A_334 = tpu.vector_load %arg6[%get3A_333] {strides = array<i32>} : memref<4320xf32, #tpu.memory_space<vmem>>, vector<16xf32>,
      %get3A_335 = vector.shape_cast %get3A_334 : vector<16xf32> to vector<16xf32>
      %swap3A_336 = arith.constant 20192 : index
      %swap3A_337 = tpu.vector_load %arg5[%swap3A_336] {strides = array<i32>} : memref<21504xf32, #tpu.memory_space<vmem>>, vector<16xf32>,
      %swap3A_338 = vector.shape_cast %swap3A_337 : vector<16xf32> to vector<16xf32>
      %swap3A_339 = vector.shape_cast %get3A_335 : vector<16xf32> to vector<16xf32>
      tpu.vector_store %arg5[%swap3A_336], %swap3A_339 {strides = array<i32>} : memref<21504xf32, #tpu.memory_space<vmem>>, vector<16xf32>,
      %get3A_340 = arith.constant 688 : index
      %get3A_341 = tpu.vector_load %arg6[%get3A_340] {strides = array<i32>} : memref<4320xf32, #tpu.memory_space<vmem>>, vector<16xf32>,
      %get3A_342 = vector.shape_cast %get3A_341 : vector<16xf32> to vector<16xf32>
      %swap3A_343 = arith.constant 20208 : index
      %swap3A_344 = tpu.vector_load %arg5[%swap3A_343] {strides = array<i32>} : memref<21504xf32, #tpu.memory_space<vmem>>, vector<16xf32>,
      %swap3A_345 = vector.shape_cast %swap3A_344 : vector<16xf32> to vector<16xf32>
      %swap3A_346 = vector.shape_cast %get3A_342 : vector<16xf32> to vector<16xf32>
      tpu.vector_store %arg5[%swap3A_343], %swap3A_346 {strides = array<i32>} : memref<21504xf32, #tpu.memory_space<vmem>>, vector<16xf32>,
      %get3A_347 = arith.constant 704 : index
      %get3A_348 = tpu.vector_load %arg6[%get3A_347] {strides = array<i32>} : memref<4320xf32, #tpu.memory_space<vmem>>, vector<16xf32>,
      %get3A_349 = vector.shape_cast %get3A_348 : vector<16xf32> to vector<16xf32>
      %swap3A_350 = arith.constant 20224 : index
      %swap3A_351 = tpu.vector_load %arg5[%swap3A_350] {strides = array<i32>} : memref<21504xf32, #tpu.memory_space<vmem>>, vector<16xf32>,
      %swap3A_352 = vector.shape_cast %swap3A_351 : vector<16xf32> to vector<16xf32>
      %swap3A_353 = vector.shape_cast %get3A_349 : vector<16xf32> to vector<16xf32>
      tpu.vector_store %arg5[%swap3A_350], %swap3A_353 {strides = array<i32>} : memref<21504xf32, #tpu.memory_space<vmem>>, vector<16xf32>,
      %get3A_354 = arith.constant 720 : index
      %get3A_355 = tpu.vector_load %arg6[%get3A_354] {strides = array<i32>} : memref<4320xf32, #tpu.memory_space<vmem>>, vector<16xf32>,
      %get3A_356 = vector.shape_cast %get3A_355 : vector<16xf32> to vector<16xf32>
      %swap3A_357 = arith.constant 20416 : index
      %swap3A_358 = tpu.vector_load %arg5[%swap3A_357] {strides = array<i32>} : memref<21504xf32, #tpu.memory_space<vmem>>, vector<16xf32>,
      %swap3A_359 = vector.shape_cast %swap3A_358 : vector<16xf32> to vector<16xf32>
      %swap3A_360 = vector.shape_cast %get3A_356 : vector<16xf32> to vector<16xf32>
      tpu.vector_store %arg5[%swap3A_357], %swap3A_360 {strides = array<i32>} : memref<21504xf32, #tpu.memory_space<vmem>>, vector<16xf32>,
      %get3A_361 = arith.constant 736 : index
      %get3A_362 = tpu.vector_load %arg6[%get3A_361] {strides = array<i32>} : memref<4320xf32, #tpu.memory_space<vmem>>, vector<16xf32>,
      %get3A_363 = vector.shape_cast %get3A_362 : vector<16xf32> to vector<16xf32>
      %swap3A_364 = arith.constant 20432 : index
      %swap3A_365 = tpu.vector_load %arg5[%swap3A_364] {strides = array<i32>} : memref<21504xf32, #tpu.memory_space<vmem>>, vector<16xf32>,
      %swap3A_366 = vector.shape_cast %swap3A_365 : vector<16xf32> to vector<16xf32>
      %swap3A_367 = vector.shape_cast %get3A_363 : vector<16xf32> to vector<16xf32>
      tpu.vector_store %arg5[%swap3A_364], %swap3A_367 {strides = array<i32>} : memref<21504xf32, #tpu.memory_space<vmem>>, vector<16xf32>,
      %get3A_368 = arith.constant 752 : index
      %get3A_369 = tpu.vector_load %arg6[%get3A_368] {strides = array<i32>} : memref<4320xf32, #tpu.memory_space<vmem>>, vector<16xf32>,
      %get3A_370 = vector.shape_cast %get3A_369 : vector<16xf32> to vector<16xf32>
      %swap3A_371 = arith.constant 20448 : index
      %swap3A_372 = tpu.vector_load %arg5[%swap3A_371] {strides = array<i32>} : memref<21504xf32, #tpu.memory_space<vmem>>, vector<16xf32>,
      %swap3A_373 = vector.shape_cast %swap3A_372 : vector<16xf32> to vector<16xf32>
      %swap3A_374 = vector.shape_cast %get3A_370 : vector<16xf32> to vector<16xf32>
      tpu.vector_store %arg5[%swap3A_371], %swap3A_374 {strides = array<i32>} : memref<21504xf32, #tpu.memory_space<vmem>>, vector<16xf32>,
      %get3A_375 = arith.constant 768 : index
      %get3A_376 = tpu.vector_load %arg6[%get3A_375] {strides = array<i32>} : memref<4320xf32, #tpu.memory_space<vmem>>, vector<16xf32>,
      %get3A_377 = vector.shape_cast %get3A_376 : vector<16xf32> to vector<16xf32>
      %swap3A_378 = arith.constant 20640 : index
      %swap3A_379 = tpu.vector_load %arg5[%swap3A_378] {strides = array<i32>} : memref<21504xf32, #tpu.memory_space<vmem>>, vector<16xf32>,
      %swap3A_380 = vector.shape_cast %swap3A_379 : vector<16xf32> to vector<16xf32>
      %swap3A_381 = vector.shape_cast %get3A_377 : vector<16xf32> to vector<16xf32>
      tpu.vector_store %arg5[%swap3A_378], %swap3A_381 {strides = array<i32>} : memref<21504xf32, #tpu.memory_space<vmem>>, vector<16xf32>,
      %get3A_382 = arith.constant 784 : index
      %get3A_383 = tpu.vector_load %arg6[%get3A_382] {strides = array<i32>} : memref<4320xf32, #tpu.memory_space<vmem>>, vector<16xf32>,
      %get3A_384 = vector.shape_cast %get3A_383 : vector<16xf32> to vector<16xf32>
      %swap3A_385 = arith.constant 20656 : index
      %swap3A_386 = tpu.vector_load %arg5[%swap3A_385] {strides = array<i32>} : memref<21504xf32, #tpu.memory_space<vmem>>, vector<16xf32>,
      %swap3A_387 = vector.shape_cast %swap3A_386 : vector<16xf32> to vector<16xf32>
      %swap3A_388 = vector.shape_cast %get3A_384 : vector<16xf32> to vector<16xf32>
      tpu.vector_store %arg5[%swap3A_385], %swap3A_388 {strides = array<i32>} : memref<21504xf32, #tpu.memory_space<vmem>>, vector<16xf32>,
      %get3A_389 = arith.constant 800 : index
      %get3A_390 = tpu.vector_load %arg6[%get3A_389] {strides = array<i32>} : memref<4320xf32, #tpu.memory_space<vmem>>, vector<16xf32>,
      %get3A_391 = vector.shape_cast %get3A_390 : vector<16xf32> to vector<16xf32>
      %swap3A_392 = arith.constant 20672 : index
      %swap3A_393 = tpu.vector_load %arg5[%swap3A_392] {strides = array<i32>} : memref<21504xf32, #tpu.memory_space<vmem>>, vector<16xf32>,
      %swap3A_394 = vector.shape_cast %swap3A_393 : vector<16xf32> to vector<16xf32>
      %swap3A_395 = vector.shape_cast %get3A_391 : vector<16xf32> to vector<16xf32>
      tpu.vector_store %arg5[%swap3A_392], %swap3A_395 {strides = array<i32>} : memref<21504xf32, #tpu.memory_space<vmem>>, vector<16xf32>,
      %get3A_396 = arith.constant 816 : index
      %get3A_397 = tpu.vector_load %arg6[%get3A_396] {strides = array<i32>} : memref<4320xf32, #tpu.memory_space<vmem>>, vector<16xf32>,
      %get3A_398 = vector.shape_cast %get3A_397 : vector<16xf32> to vector<16xf32>
      %swap3A_399 = arith.constant 20864 : index
      %swap3A_400 = tpu.vector_load %arg5[%swap3A_399] {strides = array<i32>} : memref<21504xf32, #tpu.memory_space<vmem>>, vector<16xf32>,
      %swap3A_401 = vector.shape_cast %swap3A_400 : vector<16xf32> to vector<16xf32>
      %swap3A_402 = vector.shape_cast %get3A_398 : vector<16xf32> to vector<16xf32>
      tpu.vector_store %arg5[%swap3A_399], %swap3A_402 {strides = array<i32>} : memref<21504xf32, #tpu.memory_space<vmem>>, vector<16xf32>,
      %get3A_403 = arith.constant 832 : index
      %get3A_404 = tpu.vector_load %arg6[%get3A_403] {strides = array<i32>} : memref<4320xf32, #tpu.memory_space<vmem>>, vector<16xf32>,
      %get3A_405 = vector.shape_cast %get3A_404 : vector<16xf32> to vector<16xf32>
      %swap3A_406 = arith.constant 20880 : index
      %swap3A_407 = tpu.vector_load %arg5[%swap3A_406] {strides = array<i32>} : memref<21504xf32, #tpu.memory_space<vmem>>, vector<16xf32>,
      %swap3A_408 = vector.shape_cast %swap3A_407 : vector<16xf32> to vector<16xf32>
      %swap3A_409 = vector.shape_cast %get3A_405 : vector<16xf32> to vector<16xf32>
      tpu.vector_store %arg5[%swap3A_406], %swap3A_409 {strides = array<i32>} : memref<21504xf32, #tpu.memory_space<vmem>>, vector<16xf32>,
      %get3A_410 = arith.constant 848 : index
      %get3A_411 = tpu.vector_load %arg6[%get3A_410] {strides = array<i32>} : memref<4320xf32, #tpu.memory_space<vmem>>, vector<16xf32>,
      %get3A_412 = vector.shape_cast %get3A_411 : vector<16xf32> to vector<16xf32>
      %swap3A_413 = arith.constant 20896 : index
      %swap3A_414 = tpu.vector_load %arg5[%swap3A_413] {strides = array<i32>} : memref<21504xf32, #tpu.memory_space<vmem>>, vector<16xf32>,
      %swap3A_415 = vector.shape_cast %swap3A_414 : vector<16xf32> to vector<16xf32>
      %swap3A_416 = vector.shape_cast %get3A_412 : vector<16xf32> to vector<16xf32>
      tpu.vector_store %arg5[%swap3A_413], %swap3A_416 {strides = array<i32>} : memref<21504xf32, #tpu.memory_space<vmem>>, vector<16xf32>,
      %get3A_417 = arith.constant 864 : index
      %get3A_418 = tpu.vector_load %arg6[%get3A_417] {strides = array<i32>} : memref<4320xf32, #tpu.memory_space<vmem>>, vector<16xf32>,
      %get3A_419 = vector.shape_cast %get3A_418 : vector<16xf32> to vector<16xf32>
      %swap3A_420 = arith.constant 21088 : index
      %swap3A_421 = tpu.vector_load %arg5[%swap3A_420] {strides = array<i32>} : memref<21504xf32, #tpu.memory_space<vmem>>, vector<16xf32>,
      %swap3A_422 = vector.shape_cast %swap3A_421 : vector<16xf32> to vector<16xf32>
      %swap3A_423 = vector.shape_cast %get3A_419 : vector<16xf32> to vector<16xf32>
      tpu.vector_store %arg5[%swap3A_420], %swap3A_423 {strides = array<i32>} : memref<21504xf32, #tpu.memory_space<vmem>>, vector<16xf32>,
      %get3A_424 = arith.constant 880 : index
      %get3A_425 = tpu.vector_load %arg6[%get3A_424] {strides = array<i32>} : memref<4320xf32, #tpu.memory_space<vmem>>, vector<16xf32>,
      %get3A_426 = vector.shape_cast %get3A_425 : vector<16xf32> to vector<16xf32>
      %swap3A_427 = arith.constant 21104 : index
      %swap3A_428 = tpu.vector_load %arg5[%swap3A_427] {strides = array<i32>} : memref<21504xf32, #tpu.memory_space<vmem>>, vector<16xf32>,
      %swap3A_429 = vector.shape_cast %swap3A_428 : vector<16xf32> to vector<16xf32>
      %swap3A_430 = vector.shape_cast %get3A_426 : vector<16xf32> to vector<16xf32>
      tpu.vector_store %arg5[%swap3A_427], %swap3A_430 {strides = array<i32>} : memref<21504xf32, #tpu.memory_space<vmem>>, vector<16xf32>,
      %get3A_431 = arith.constant 896 : index
      %get3A_432 = tpu.vector_load %arg6[%get3A_431] {strides = array<i32>} : memref<4320xf32, #tpu.memory_space<vmem>>, vector<16xf32>,
      %get3A_433 = vector.shape_cast %get3A_432 : vector<16xf32> to vector<16xf32>
      %swap3A_434 = arith.constant 21120 : index
      %swap3A_435 = tpu.vector_load %arg5[%swap3A_434] {strides = array<i32>} : memref<21504xf32, #tpu.memory_space<vmem>>, vector<16xf32>,
      %swap3A_436 = vector.shape_cast %swap3A_435 : vector<16xf32> to vector<16xf32>
      %swap3A_437 = vector.shape_cast %get3A_433 : vector<16xf32> to vector<16xf32>
      tpu.vector_store %arg5[%swap3A_434], %swap3A_437 {strides = array<i32>} : memref<21504xf32, #tpu.memory_space<vmem>>, vector<16xf32>,
      %get3A_438 = arith.constant 912 : index
      %get3A_439 = tpu.vector_load %arg6[%get3A_438] {strides = array<i32>} : memref<4320xf32, #tpu.memory_space<vmem>>, vector<16xf32>,
      %get3A_440 = vector.shape_cast %get3A_439 : vector<16xf32> to vector<16xf32>
      %swap3A_441 = arith.constant 21312 : index
      %swap3A_442 = tpu.vector_load %arg5[%swap3A_441] {strides = array<i32>} : memref<21504xf32, #tpu.memory_space<vmem>>, vector<16xf32>,
      %swap3A_443 = vector.shape_cast %swap3A_442 : vector<16xf32> to vector<16xf32>
      %swap3A_444 = vector.shape_cast %get3A_440 : vector<16xf32> to vector<16xf32>
      tpu.vector_store %arg5[%swap3A_441], %swap3A_444 {strides = array<i32>} : memref<21504xf32, #tpu.memory_space<vmem>>, vector<16xf32>,
      %get3A_445 = arith.constant 928 : index
      %get3A_446 = tpu.vector_load %arg6[%get3A_445] {strides = array<i32>} : memref<4320xf32, #tpu.memory_space<vmem>>, vector<16xf32>,
      %get3A_447 = vector.shape_cast %get3A_446 : vector<16xf32> to vector<16xf32>
      %swap3A_448 = arith.constant 21328 : index
      %swap3A_449 = tpu.vector_load %arg5[%swap3A_448] {strides = array<i32>} : memref<21504xf32, #tpu.memory_space<vmem>>, vector<16xf32>,
      %swap3A_450 = vector.shape_cast %swap3A_449 : vector<16xf32> to vector<16xf32>
      %swap3A_451 = vector.shape_cast %get3A_447 : vector<16xf32> to vector<16xf32>
      tpu.vector_store %arg5[%swap3A_448], %swap3A_451 {strides = array<i32>} : memref<21504xf32, #tpu.memory_space<vmem>>, vector<16xf32>,
      %get3A_452 = arith.constant 944 : index
      %get3A_453 = tpu.vector_load %arg6[%get3A_452] {strides = array<i32>} : memref<4320xf32, #tpu.memory_space<vmem>>, vector<16xf32>,
      %get3A_454 = vector.shape_cast %get3A_453 : vector<16xf32> to vector<16xf32>
      %swap3A_455 = arith.constant 21344 : index
      %swap3A_456 = tpu.vector_load %arg5[%swap3A_455] {strides = array<i32>} : memref<21504xf32, #tpu.memory_space<vmem>>, vector<16xf32>,
      %swap3A_457 = vector.shape_cast %swap3A_456 : vector<16xf32> to vector<16xf32>
      %swap3A_458 = vector.shape_cast %get3A_454 : vector<16xf32> to vector<16xf32>
      tpu.vector_store %arg5[%swap3A_455], %swap3A_458 {strides = array<i32>} : memref<21504xf32, #tpu.memory_space<vmem>>, vector<16xf32>,
      %dma_start3A_459 = arith.constant 2 : i32
      %dma_start3A_460 = arith.constant 21504 : i32
      %dma_start3A_461 = tpu.memref_slice %arg4[%dma_start3A_460] : memref<150528xf32, #tpu.memory_space<hbm>> -> memref<21504xf32, #tpu.memory_space<hbm>>
      %dma_start3A_462 = tpu.memref_slice %arg7[%dma_start3A_459] : memref<3x!tpu.dma_semaphore, #tpu.memory_space<semaphore_mem>> -> memref<1x!tpu.dma_semaphore, #tpu.memory_space<semaphore_mem>>
      %dma_start3A_463 = tpu.memref_squeeze %dma_start3A_462 : memref<1x!tpu.dma_semaphore, #tpu.memory_space<semaphore_mem>> -> memref<!tpu.dma_semaphore, #tpu.memory_space<semaphore_mem>>
      %dma_start3A_464 = arith.constant 21504 : i32
      %dma_start3A_465 = tpu.memref_slice %arg4[%dma_start3A_464] : memref<150528xf32, #tpu.memory_space<hbm>> -> memref<21504xf32, #tpu.memory_space<hbm>>
      tpu.enqueue_dma source(%arg5 : memref<21504xf32, #tpu.memory_space<vmem>>) target(%dma_start3A_465 : memref<21504xf32, #tpu.memory_space<hbm>>) target_semaphore(%dma_start3A_463 : memref<!tpu.dma_semaphore, #tpu.memory_space<semaphore_mem>>)
      %dma_wait3A_466 = arith.constant 2 : i32
      %dma_wait3A_467 = arith.constant 21504 : i32
      %dma_wait3A_468 = tpu.memref_slice %arg4[%dma_wait3A_467] : memref<150528xf32, #tpu.memory_space<hbm>> -> memref<21504xf32, #tpu.memory_space<hbm>>
      %dma_wait3A_469 = tpu.memref_slice %arg7[%dma_wait3A_466] : memref<3x!tpu.dma_semaphore, #tpu.memory_space<semaphore_mem>> -> memref<1x!tpu.dma_semaphore, #tpu.memory_space<semaphore_mem>>
      %dma_wait3A_470 = tpu.memref_squeeze %dma_wait3A_469 : memref<1x!tpu.dma_semaphore, #tpu.memory_space<semaphore_mem>> -> memref<!tpu.dma_semaphore, #tpu.memory_space<semaphore_mem>>
      %dma_wait3A_471 = arith.constant 21504 : i32
      %dma_wait3A_472 = tpu.memref_slice %arg4[%dma_wait3A_471] : memref<150528xf32, #tpu.memory_space<hbm>> -> memref<21504xf32, #tpu.memory_space<hbm>>
      tpu.wait_dma2 semaphore(%dma_wait3A_470 : memref<!tpu.dma_semaphore, #tpu.memory_space<semaphore_mem>>) src(%arg5 : memref<21504xf32, #tpu.memory_space<vmem>>) dst(%dma_wait3A_472 : memref<21504xf32, #tpu.memory_space<hbm>>)
    } else {
    }
    %eq3A_12 = arith.constant 2 : i32
    %eq3A_13 = arith.cmpi eq, %add3A, %eq3A_12 : i32
    %convert_element_type3A_14 = arith.extui %eq3A_13 : i1 to i32
    %cond3A_15 = arith.constant 0 : i32
    %cond3A_16 = arith.cmpi ne, %convert_element_type3A_14, %cond3A_15 : i32
    scf.if %cond3A_16 {
      %dma_start3A = arith.constant 1 : i32
      %dma_start3A_37 = tpu.memref_slice %arg7[%dma_start3A] : memref<3x!tpu.dma_semaphore, #tpu.memory_space<semaphore_mem>> -> memref<1x!tpu.dma_semaphore, #tpu.memory_space<semaphore_mem>>
      %dma_start3A_38 = tpu.memref_squeeze %dma_start3A_37 : memref<1x!tpu.dma_semaphore, #tpu.memory_space<semaphore_mem>> -> memref<!tpu.dma_semaphore, #tpu.memory_space<semaphore_mem>>
      tpu.enqueue_dma source(%arg3 : memref<21504xf32, #tpu.memory_space<hbm>>) target(%arg5 : memref<21504xf32, #tpu.memory_space<vmem>>) target_semaphore(%dma_start3A_38 : memref<!tpu.dma_semaphore, #tpu.memory_space<semaphore_mem>>)
      %dma_wait3A = arith.constant 1 : i32
      %dma_wait3A_39 = tpu.memref_slice %arg7[%dma_wait3A] : memref<3x!tpu.dma_semaphore, #tpu.memory_space<semaphore_mem>> -> memref<1x!tpu.dma_semaphore, #tpu.memory_space<semaphore_mem>>
      %dma_wait3A_40 = tpu.memref_squeeze %dma_wait3A_39 : memref<1x!tpu.dma_semaphore, #tpu.memory_space<semaphore_mem>> -> memref<!tpu.dma_semaphore, #tpu.memory_space<semaphore_mem>>
      tpu.wait_dma2 semaphore(%dma_wait3A_40 : memref<!tpu.dma_semaphore, #tpu.memory_space<semaphore_mem>>) src(%arg3 : memref<21504xf32, #tpu.memory_space<hbm>>) dst(%arg5 : memref<21504xf32, #tpu.memory_space<vmem>>)
      %get3A = arith.constant 960 : index
      %get3A_41 = tpu.vector_load %arg6[%get3A] {strides = array<i32>} : memref<4320xf32, #tpu.memory_space<vmem>>, vector<16xf32>,
      %get3A_42 = vector.shape_cast %get3A_41 : vector<16xf32> to vector<16xf32>
      %swap3A = arith.constant 32 : index
      %swap3A_43 = tpu.vector_load %arg5[%swap3A] {strides = array<i32>} : memref<21504xf32, #tpu.memory_space<vmem>>, vector<16xf32>,
      %swap3A_44 = vector.shape_cast %swap3A_43 : vector<16xf32> to vector<16xf32>
      %swap3A_45 = vector.shape_cast %get3A_42 : vector<16xf32> to vector<16xf32>
      tpu.vector_store %arg5[%swap3A], %swap3A_45 {strides = array<i32>} : memref<21504xf32, #tpu.memory_space<vmem>>, vector<16xf32>,
      %get3A_46 = arith.constant 976 : index
      %get3A_47 = tpu.vector_load %arg6[%get3A_46] {strides = array<i32>} : memref<4320xf32, #tpu.memory_space<vmem>>, vector<16xf32>,
      %get3A_48 = vector.shape_cast %get3A_47 : vector<16xf32> to vector<16xf32>
      %swap3A_49 = arith.constant 48 : index
      %swap3A_50 = tpu.vector_load %arg5[%swap3A_49] {strides = array<i32>} : memref<21504xf32, #tpu.memory_space<vmem>>, vector<16xf32>,
      %swap3A_51 = vector.shape_cast %swap3A_50 : vector<16xf32> to vector<16xf32>
      %swap3A_52 = vector.shape_cast %get3A_48 : vector<16xf32> to vector<16xf32>
      tpu.vector_store %arg5[%swap3A_49], %swap3A_52 {strides = array<i32>} : memref<21504xf32, #tpu.memory_space<vmem>>, vector<16xf32>,
      %get3A_53 = arith.constant 992 : index
      %get3A_54 = tpu.vector_load %arg6[%get3A_53] {strides = array<i32>} : memref<4320xf32, #tpu.memory_space<vmem>>, vector<16xf32>,
      %get3A_55 = vector.shape_cast %get3A_54 : vector<16xf32> to vector<16xf32>
      %swap3A_56 = arith.constant 64 : index
      %swap3A_57 = tpu.vector_load %arg5[%swap3A_56] {strides = array<i32>} : memref<21504xf32, #tpu.memory_space<vmem>>, vector<16xf32>,
      %swap3A_58 = vector.shape_cast %swap3A_57 : vector<16xf32> to vector<16xf32>
      %swap3A_59 = vector.shape_cast %get3A_55 : vector<16xf32> to vector<16xf32>
      tpu.vector_store %arg5[%swap3A_56], %swap3A_59 {strides = array<i32>} : memref<21504xf32, #tpu.memory_space<vmem>>, vector<16xf32>,
      %get3A_60 = arith.constant 1008 : index
      %get3A_61 = tpu.vector_load %arg6[%get3A_60] {strides = array<i32>} : memref<4320xf32, #tpu.memory_space<vmem>>, vector<16xf32>,
      %get3A_62 = vector.shape_cast %get3A_61 : vector<16xf32> to vector<16xf32>
      %swap3A_63 = arith.constant 256 : index
      %swap3A_64 = tpu.vector_load %arg5[%swap3A_63] {strides = array<i32>} : memref<21504xf32, #tpu.memory_space<vmem>>, vector<16xf32>,
      %swap3A_65 = vector.shape_cast %swap3A_64 : vector<16xf32> to vector<16xf32>
      %swap3A_66 = vector.shape_cast %get3A_62 : vector<16xf32> to vector<16xf32>
      tpu.vector_store %arg5[%swap3A_63], %swap3A_66 {strides = array<i32>} : memref<21504xf32, #tpu.memory_space<vmem>>, vector<16xf32>,
      %get3A_67 = arith.constant 1024 : index
      %get3A_68 = tpu.vector_load %arg6[%get3A_67] {strides = array<i32>} : memref<4320xf32, #tpu.memory_space<vmem>>, vector<16xf32>,
      %get3A_69 = vector.shape_cast %get3A_68 : vector<16xf32> to vector<16xf32>
      %swap3A_70 = arith.constant 272 : index
      %swap3A_71 = tpu.vector_load %arg5[%swap3A_70] {strides = array<i32>} : memref<21504xf32, #tpu.memory_space<vmem>>, vector<16xf32>,
      %swap3A_72 = vector.shape_cast %swap3A_71 : vector<16xf32> to vector<16xf32>
      %swap3A_73 = vector.shape_cast %get3A_69 : vector<16xf32> to vector<16xf32>
      tpu.vector_store %arg5[%swap3A_70], %swap3A_73 {strides = array<i32>} : memref<21504xf32, #tpu.memory_space<vmem>>, vector<16xf32>,
      %get3A_74 = arith.constant 1040 : index
      %get3A_75 = tpu.vector_load %arg6[%get3A_74] {strides = array<i32>} : memref<4320xf32, #tpu.memory_space<vmem>>, vector<16xf32>,
      %get3A_76 = vector.shape_cast %get3A_75 : vector<16xf32> to vector<16xf32>
      %swap3A_77 = arith.constant 288 : index
      %swap3A_78 = tpu.vector_load %arg5[%swap3A_77] {strides = array<i32>} : memref<21504xf32, #tpu.memory_space<vmem>>, vector<16xf32>,
      %swap3A_79 = vector.shape_cast %swap3A_78 : vector<16xf32> to vector<16xf32>
      %swap3A_80 = vector.shape_cast %get3A_76 : vector<16xf32> to vector<16xf32>
      tpu.vector_store %arg5[%swap3A_77], %swap3A_80 {strides = array<i32>} : memref<21504xf32, #tpu.memory_space<vmem>>, vector<16xf32>,
      %get3A_81 = arith.constant 1056 : index
      %get3A_82 = tpu.vector_load %arg6[%get3A_81] {strides = array<i32>} : memref<4320xf32, #tpu.memory_space<vmem>>, vector<16xf32>,
      %get3A_83 = vector.shape_cast %get3A_82 : vector<16xf32> to vector<16xf32>
      %swap3A_84 = arith.constant 480 : index
      %swap3A_85 = tpu.vector_load %arg5[%swap3A_84] {strides = array<i32>} : memref<21504xf32, #tpu.memory_space<vmem>>, vector<16xf32>,
      %swap3A_86 = vector.shape_cast %swap3A_85 : vector<16xf32> to vector<16xf32>
      %swap3A_87 = vector.shape_cast %get3A_83 : vector<16xf32> to vector<16xf32>
      tpu.vector_store %arg5[%swap3A_84], %swap3A_87 {strides = array<i32>} : memref<21504xf32, #tpu.memory_space<vmem>>, vector<16xf32>,
      %get3A_88 = arith.constant 1072 : index
      %get3A_89 = tpu.vector_load %arg6[%get3A_88] {strides = array<i32>} : memref<4320xf32, #tpu.memory_space<vmem>>, vector<16xf32>,
      %get3A_90 = vector.shape_cast %get3A_89 : vector<16xf32> to vector<16xf32>
      %swap3A_91 = arith.constant 496 : index
      %swap3A_92 = tpu.vector_load %arg5[%swap3A_91] {strides = array<i32>} : memref<21504xf32, #tpu.memory_space<vmem>>, vector<16xf32>,
      %swap3A_93 = vector.shape_cast %swap3A_92 : vector<16xf32> to vector<16xf32>
      %swap3A_94 = vector.shape_cast %get3A_90 : vector<16xf32> to vector<16xf32>
      tpu.vector_store %arg5[%swap3A_91], %swap3A_94 {strides = array<i32>} : memref<21504xf32, #tpu.memory_space<vmem>>, vector<16xf32>,
      %get3A_95 = arith.constant 1088 : index
      %get3A_96 = tpu.vector_load %arg6[%get3A_95] {strides = array<i32>} : memref<4320xf32, #tpu.memory_space<vmem>>, vector<16xf32>,
      %get3A_97 = vector.shape_cast %get3A_96 : vector<16xf32> to vector<16xf32>
      %swap3A_98 = arith.constant 512 : index
      %swap3A_99 = tpu.vector_load %arg5[%swap3A_98] {strides = array<i32>} : memref<21504xf32, #tpu.memory_space<vmem>>, vector<16xf32>,
      %swap3A_100 = vector.shape_cast %swap3A_99 : vector<16xf32> to vector<16xf32>
      %swap3A_101 = vector.shape_cast %get3A_97 : vector<16xf32> to vector<16xf32>
      tpu.vector_store %arg5[%swap3A_98], %swap3A_101 {strides = array<i32>} : memref<21504xf32, #tpu.memory_space<vmem>>, vector<16xf32>,
      %get3A_102 = arith.constant 1104 : index
      %get3A_103 = tpu.vector_load %arg6[%get3A_102] {strides = array<i32>} : memref<4320xf32, #tpu.memory_space<vmem>>, vector<16xf32>,
      %get3A_104 = vector.shape_cast %get3A_103 : vector<16xf32> to vector<16xf32>
      %swap3A_105 = arith.constant 704 : index
      %swap3A_106 = tpu.vector_load %arg5[%swap3A_105] {strides = array<i32>} : memref<21504xf32, #tpu.memory_space<vmem>>, vector<16xf32>,
      %swap3A_107 = vector.shape_cast %swap3A_106 : vector<16xf32> to vector<16xf32>
      %swap3A_108 = vector.shape_cast %get3A_104 : vector<16xf32> to vector<16xf32>
      tpu.vector_store %arg5[%swap3A_105], %swap3A_108 {strides = array<i32>} : memref<21504xf32, #tpu.memory_space<vmem>>, vector<16xf32>,
      %get3A_109 = arith.constant 1120 : index
      %get3A_110 = tpu.vector_load %arg6[%get3A_109] {strides = array<i32>} : memref<4320xf32, #tpu.memory_space<vmem>>, vector<16xf32>,
      %get3A_111 = vector.shape_cast %get3A_110 : vector<16xf32> to vector<16xf32>
      %swap3A_112 = arith.constant 720 : index
      %swap3A_113 = tpu.vector_load %arg5[%swap3A_112] {strides = array<i32>} : memref<21504xf32, #tpu.memory_space<vmem>>, vector<16xf32>,
      %swap3A_114 = vector.shape_cast %swap3A_113 : vector<16xf32> to vector<16xf32>
      %swap3A_115 = vector.shape_cast %get3A_111 : vector<16xf32> to vector<16xf32>
      tpu.vector_store %arg5[%swap3A_112], %swap3A_115 {strides = array<i32>} : memref<21504xf32, #tpu.memory_space<vmem>>, vector<16xf32>,
      %get3A_116 = arith.constant 1136 : index
      %get3A_117 = tpu.vector_load %arg6[%get3A_116] {strides = array<i32>} : memref<4320xf32, #tpu.memory_space<vmem>>, vector<16xf32>,
      %get3A_118 = vector.shape_cast %get3A_117 : vector<16xf32> to vector<16xf32>
      %swap3A_119 = arith.constant 736 : index
      %swap3A_120 = tpu.vector_load %arg5[%swap3A_119] {strides = array<i32>} : memref<21504xf32, #tpu.memory_space<vmem>>, vector<16xf32>,
      %swap3A_121 = vector.shape_cast %swap3A_120 : vector<16xf32> to vector<16xf32>
      %swap3A_122 = vector.shape_cast %get3A_118 : vector<16xf32> to vector<16xf32>
      tpu.vector_store %arg5[%swap3A_119], %swap3A_122 {strides = array<i32>} : memref<21504xf32, #tpu.memory_space<vmem>>, vector<16xf32>,
      %get3A_123 = arith.constant 1152 : index
      %get3A_124 = tpu.vector_load %arg6[%get3A_123] {strides = array<i32>} : memref<4320xf32, #tpu.memory_space<vmem>>, vector<16xf32>,
      %get3A_125 = vector.shape_cast %get3A_124 : vector<16xf32> to vector<16xf32>
      %swap3A_126 = arith.constant 928 : index
      %swap3A_127 = tpu.vector_load %arg5[%swap3A_126] {strides = array<i32>} : memref<21504xf32, #tpu.memory_space<vmem>>, vector<16xf32>,
      %swap3A_128 = vector.shape_cast %swap3A_127 : vector<16xf32> to vector<16xf32>
      %swap3A_129 = vector.shape_cast %get3A_125 : vector<16xf32> to vector<16xf32>
      tpu.vector_store %arg5[%swap3A_126], %swap3A_129 {strides = array<i32>} : memref<21504xf32, #tpu.memory_space<vmem>>, vector<16xf32>,
      %get3A_130 = arith.constant 1168 : index
      %get3A_131 = tpu.vector_load %arg6[%get3A_130] {strides = array<i32>} : memref<4320xf32, #tpu.memory_space<vmem>>, vector<16xf32>,
      %get3A_132 = vector.shape_cast %get3A_131 : vector<16xf32> to vector<16xf32>
      %swap3A_133 = arith.constant 944 : index
      %swap3A_134 = tpu.vector_load %arg5[%swap3A_133] {strides = array<i32>} : memref<21504xf32, #tpu.memory_space<vmem>>, vector<16xf32>,
      %swap3A_135 = vector.shape_cast %swap3A_134 : vector<16xf32> to vector<16xf32>
      %swap3A_136 = vector.shape_cast %get3A_132 : vector<16xf32> to vector<16xf32>
      tpu.vector_store %arg5[%swap3A_133], %swap3A_136 {strides = array<i32>} : memref<21504xf32, #tpu.memory_space<vmem>>, vector<16xf32>,
      %get3A_137 = arith.constant 1184 : index
      %get3A_138 = tpu.vector_load %arg6[%get3A_137] {strides = array<i32>} : memref<4320xf32, #tpu.memory_space<vmem>>, vector<16xf32>,
      %get3A_139 = vector.shape_cast %get3A_138 : vector<16xf32> to vector<16xf32>
      %swap3A_140 = arith.constant 960 : index
      %swap3A_141 = tpu.vector_load %arg5[%swap3A_140] {strides = array<i32>} : memref<21504xf32, #tpu.memory_space<vmem>>, vector<16xf32>,
      %swap3A_142 = vector.shape_cast %swap3A_141 : vector<16xf32> to vector<16xf32>
      %swap3A_143 = vector.shape_cast %get3A_139 : vector<16xf32> to vector<16xf32>
      tpu.vector_store %arg5[%swap3A_140], %swap3A_143 {strides = array<i32>} : memref<21504xf32, #tpu.memory_space<vmem>>, vector<16xf32>,
      %get3A_144 = arith.constant 1200 : index
      %get3A_145 = tpu.vector_load %arg6[%get3A_144] {strides = array<i32>} : memref<4320xf32, #tpu.memory_space<vmem>>, vector<16xf32>,
      %get3A_146 = vector.shape_cast %get3A_145 : vector<16xf32> to vector<16xf32>
      %swap3A_147 = arith.constant 1152 : index
      %swap3A_148 = tpu.vector_load %arg5[%swap3A_147] {strides = array<i32>} : memref<21504xf32, #tpu.memory_space<vmem>>, vector<16xf32>,
      %swap3A_149 = vector.shape_cast %swap3A_148 : vector<16xf32> to vector<16xf32>
      %swap3A_150 = vector.shape_cast %get3A_146 : vector<16xf32> to vector<16xf32>
      tpu.vector_store %arg5[%swap3A_147], %swap3A_150 {strides = array<i32>} : memref<21504xf32, #tpu.memory_space<vmem>>, vector<16xf32>,
      %get3A_151 = arith.constant 1216 : index
      %get3A_152 = tpu.vector_load %arg6[%get3A_151] {strides = array<i32>} : memref<4320xf32, #tpu.memory_space<vmem>>, vector<16xf32>,
      %get3A_153 = vector.shape_cast %get3A_152 : vector<16xf32> to vector<16xf32>
      %swap3A_154 = arith.constant 1168 : index
      %swap3A_155 = tpu.vector_load %arg5[%swap3A_154] {strides = array<i32>} : memref<21504xf32, #tpu.memory_space<vmem>>, vector<16xf32>,
      %swap3A_156 = vector.shape_cast %swap3A_155 : vector<16xf32> to vector<16xf32>
      %swap3A_157 = vector.shape_cast %get3A_153 : vector<16xf32> to vector<16xf32>
      tpu.vector_store %arg5[%swap3A_154], %swap3A_157 {strides = array<i32>} : memref<21504xf32, #tpu.memory_space<vmem>>, vector<16xf32>,
      %get3A_158 = arith.constant 1232 : index
      %get3A_159 = tpu.vector_load %arg6[%get3A_158] {strides = array<i32>} : memref<4320xf32, #tpu.memory_space<vmem>>, vector<16xf32>,
      %get3A_160 = vector.shape_cast %get3A_159 : vector<16xf32> to vector<16xf32>
      %swap3A_161 = arith.constant 1184 : index
      %swap3A_162 = tpu.vector_load %arg5[%swap3A_161] {strides = array<i32>} : memref<21504xf32, #tpu.memory_space<vmem>>, vector<16xf32>,
      %swap3A_163 = vector.shape_cast %swap3A_162 : vector<16xf32> to vector<16xf32>
      %swap3A_164 = vector.shape_cast %get3A_160 : vector<16xf32> to vector<16xf32>
      tpu.vector_store %arg5[%swap3A_161], %swap3A_164 {strides = array<i32>} : memref<21504xf32, #tpu.memory_space<vmem>>, vector<16xf32>,
      %get3A_165 = arith.constant 1248 : index
      %get3A_166 = tpu.vector_load %arg6[%get3A_165] {strides = array<i32>} : memref<4320xf32, #tpu.memory_space<vmem>>, vector<16xf32>,
      %get3A_167 = vector.shape_cast %get3A_166 : vector<16xf32> to vector<16xf32>
      %swap3A_168 = arith.constant 1376 : index
      %swap3A_169 = tpu.vector_load %arg5[%swap3A_168] {strides = array<i32>} : memref<21504xf32, #tpu.memory_space<vmem>>, vector<16xf32>,
      %swap3A_170 = vector.shape_cast %swap3A_169 : vector<16xf32> to vector<16xf32>
      %swap3A_171 = vector.shape_cast %get3A_167 : vector<16xf32> to vector<16xf32>
      tpu.vector_store %arg5[%swap3A_168], %swap3A_171 {strides = array<i32>} : memref<21504xf32, #tpu.memory_space<vmem>>, vector<16xf32>,
      %get3A_172 = arith.constant 1264 : index
      %get3A_173 = tpu.vector_load %arg6[%get3A_172] {strides = array<i32>} : memref<4320xf32, #tpu.memory_space<vmem>>, vector<16xf32>,
      %get3A_174 = vector.shape_cast %get3A_173 : vector<16xf32> to vector<16xf32>
      %swap3A_175 = arith.constant 1392 : index
      %swap3A_176 = tpu.vector_load %arg5[%swap3A_175] {strides = array<i32>} : memref<21504xf32, #tpu.memory_space<vmem>>, vector<16xf32>,
      %swap3A_177 = vector.shape_cast %swap3A_176 : vector<16xf32> to vector<16xf32>
      %swap3A_178 = vector.shape_cast %get3A_174 : vector<16xf32> to vector<16xf32>
      tpu.vector_store %arg5[%swap3A_175], %swap3A_178 {strides = array<i32>} : memref<21504xf32, #tpu.memory_space<vmem>>, vector<16xf32>,
      %get3A_179 = arith.constant 1280 : index
      %get3A_180 = tpu.vector_load %arg6[%get3A_179] {strides = array<i32>} : memref<4320xf32, #tpu.memory_space<vmem>>, vector<16xf32>,
      %get3A_181 = vector.shape_cast %get3A_180 : vector<16xf32> to vector<16xf32>
      %swap3A_182 = arith.constant 1408 : index
      %swap3A_183 = tpu.vector_load %arg5[%swap3A_182] {strides = array<i32>} : memref<21504xf32, #tpu.memory_space<vmem>>, vector<16xf32>,
      %swap3A_184 = vector.shape_cast %swap3A_183 : vector<16xf32> to vector<16xf32>
      %swap3A_185 = vector.shape_cast %get3A_181 : vector<16xf32> to vector<16xf32>
      tpu.vector_store %arg5[%swap3A_182], %swap3A_185 {strides = array<i32>} : memref<21504xf32, #tpu.memory_space<vmem>>, vector<16xf32>,
      %get3A_186 = arith.constant 1296 : index
      %get3A_187 = tpu.vector_load %arg6[%get3A_186] {strides = array<i32>} : memref<4320xf32, #tpu.memory_space<vmem>>, vector<16xf32>,
      %get3A_188 = vector.shape_cast %get3A_187 : vector<16xf32> to vector<16xf32>
      %swap3A_189 = arith.constant 1600 : index
      %swap3A_190 = tpu.vector_load %arg5[%swap3A_189] {strides = array<i32>} : memref<21504xf32, #tpu.memory_space<vmem>>, vector<16xf32>,
      %swap3A_191 = vector.shape_cast %swap3A_190 : vector<16xf32> to vector<16xf32>
      %swap3A_192 = vector.shape_cast %get3A_188 : vector<16xf32> to vector<16xf32>
      tpu.vector_store %arg5[%swap3A_189], %swap3A_192 {strides = array<i32>} : memref<21504xf32, #tpu.memory_space<vmem>>, vector<16xf32>,
      %get3A_193 = arith.constant 1312 : index
      %get3A_194 = tpu.vector_load %arg6[%get3A_193] {strides = array<i32>} : memref<4320xf32, #tpu.memory_space<vmem>>, vector<16xf32>,
      %get3A_195 = vector.shape_cast %get3A_194 : vector<16xf32> to vector<16xf32>
      %swap3A_196 = arith.constant 1616 : index
      %swap3A_197 = tpu.vector_load %arg5[%swap3A_196] {strides = array<i32>} : memref<21504xf32, #tpu.memory_space<vmem>>, vector<16xf32>,
      %swap3A_198 = vector.shape_cast %swap3A_197 : vector<16xf32> to vector<16xf32>
      %swap3A_199 = vector.shape_cast %get3A_195 : vector<16xf32> to vector<16xf32>
      tpu.vector_store %arg5[%swap3A_196], %swap3A_199 {strides = array<i32>} : memref<21504xf32, #tpu.memory_space<vmem>>, vector<16xf32>,
      %get3A_200 = arith.constant 1328 : index
      %get3A_201 = tpu.vector_load %arg6[%get3A_200] {strides = array<i32>} : memref<4320xf32, #tpu.memory_space<vmem>>, vector<16xf32>,
      %get3A_202 = vector.shape_cast %get3A_201 : vector<16xf32> to vector<16xf32>
      %swap3A_203 = arith.constant 1632 : index
      %swap3A_204 = tpu.vector_load %arg5[%swap3A_203] {strides = array<i32>} : memref<21504xf32, #tpu.memory_space<vmem>>, vector<16xf32>,
      %swap3A_205 = vector.shape_cast %swap3A_204 : vector<16xf32> to vector<16xf32>
      %swap3A_206 = vector.shape_cast %get3A_202 : vector<16xf32> to vector<16xf32>
      tpu.vector_store %arg5[%swap3A_203], %swap3A_206 {strides = array<i32>} : memref<21504xf32, #tpu.memory_space<vmem>>, vector<16xf32>,
      %get3A_207 = arith.constant 1344 : index
      %get3A_208 = tpu.vector_load %arg6[%get3A_207] {strides = array<i32>} : memref<4320xf32, #tpu.memory_space<vmem>>, vector<16xf32>,
      %get3A_209 = vector.shape_cast %get3A_208 : vector<16xf32> to vector<16xf32>
      %swap3A_210 = arith.constant 1824 : index
      %swap3A_211 = tpu.vector_load %arg5[%swap3A_210] {strides = array<i32>} : memref<21504xf32, #tpu.memory_space<vmem>>, vector<16xf32>,
      %swap3A_212 = vector.shape_cast %swap3A_211 : vector<16xf32> to vector<16xf32>
      %swap3A_213 = vector.shape_cast %get3A_209 : vector<16xf32> to vector<16xf32>
      tpu.vector_store %arg5[%swap3A_210], %swap3A_213 {strides = array<i32>} : memref<21504xf32, #tpu.memory_space<vmem>>, vector<16xf32>,
      %get3A_214 = arith.constant 1360 : index
      %get3A_215 = tpu.vector_load %arg6[%get3A_214] {strides = array<i32>} : memref<4320xf32, #tpu.memory_space<vmem>>, vector<16xf32>,
      %get3A_216 = vector.shape_cast %get3A_215 : vector<16xf32> to vector<16xf32>
      %swap3A_217 = arith.constant 1840 : index
      %swap3A_218 = tpu.vector_load %arg5[%swap3A_217] {strides = array<i32>} : memref<21504xf32, #tpu.memory_space<vmem>>, vector<16xf32>,
      %swap3A_219 = vector.shape_cast %swap3A_218 : vector<16xf32> to vector<16xf32>
      %swap3A_220 = vector.shape_cast %get3A_216 : vector<16xf32> to vector<16xf32>
      tpu.vector_store %arg5[%swap3A_217], %swap3A_220 {strides = array<i32>} : memref<21504xf32, #tpu.memory_space<vmem>>, vector<16xf32>,
      %get3A_221 = arith.constant 1376 : index
      %get3A_222 = tpu.vector_load %arg6[%get3A_221] {strides = array<i32>} : memref<4320xf32, #tpu.memory_space<vmem>>, vector<16xf32>,
      %get3A_223 = vector.shape_cast %get3A_222 : vector<16xf32> to vector<16xf32>
      %swap3A_224 = arith.constant 1856 : index
      %swap3A_225 = tpu.vector_load %arg5[%swap3A_224] {strides = array<i32>} : memref<21504xf32, #tpu.memory_space<vmem>>, vector<16xf32>,
      %swap3A_226 = vector.shape_cast %swap3A_225 : vector<16xf32> to vector<16xf32>
      %swap3A_227 = vector.shape_cast %get3A_223 : vector<16xf32> to vector<16xf32>
      tpu.vector_store %arg5[%swap3A_224], %swap3A_227 {strides = array<i32>} : memref<21504xf32, #tpu.memory_space<vmem>>, vector<16xf32>,
      %get3A_228 = arith.constant 1392 : index
      %get3A_229 = tpu.vector_load %arg6[%get3A_228] {strides = array<i32>} : memref<4320xf32, #tpu.memory_space<vmem>>, vector<16xf32>,
      %get3A_230 = vector.shape_cast %get3A_229 : vector<16xf32> to vector<16xf32>
      %swap3A_231 = arith.constant 2048 : index
      %swap3A_232 = tpu.vector_load %arg5[%swap3A_231] {strides = array<i32>} : memref<21504xf32, #tpu.memory_space<vmem>>, vector<16xf32>,
      %swap3A_233 = vector.shape_cast %swap3A_232 : vector<16xf32> to vector<16xf32>
      %swap3A_234 = vector.shape_cast %get3A_230 : vector<16xf32> to vector<16xf32>
      tpu.vector_store %arg5[%swap3A_231], %swap3A_234 {strides = array<i32>} : memref<21504xf32, #tpu.memory_space<vmem>>, vector<16xf32>,
      %get3A_235 = arith.constant 1408 : index
      %get3A_236 = tpu.vector_load %arg6[%get3A_235] {strides = array<i32>} : memref<4320xf32, #tpu.memory_space<vmem>>, vector<16xf32>,
      %get3A_237 = vector.shape_cast %get3A_236 : vector<16xf32> to vector<16xf32>
      %swap3A_238 = arith.constant 2064 : index
      %swap3A_239 = tpu.vector_load %arg5[%swap3A_238] {strides = array<i32>} : memref<21504xf32, #tpu.memory_space<vmem>>, vector<16xf32>,
      %swap3A_240 = vector.shape_cast %swap3A_239 : vector<16xf32> to vector<16xf32>
      %swap3A_241 = vector.shape_cast %get3A_237 : vector<16xf32> to vector<16xf32>
      tpu.vector_store %arg5[%swap3A_238], %swap3A_241 {strides = array<i32>} : memref<21504xf32, #tpu.memory_space<vmem>>, vector<16xf32>,
      %get3A_242 = arith.constant 1424 : index
      %get3A_243 = tpu.vector_load %arg6[%get3A_242] {strides = array<i32>} : memref<4320xf32, #tpu.memory_space<vmem>>, vector<16xf32>,
      %get3A_244 = vector.shape_cast %get3A_243 : vector<16xf32> to vector<16xf32>
      %swap3A_245 = arith.constant 2080 : index
      %swap3A_246 = tpu.vector_load %arg5[%swap3A_245] {strides = array<i32>} : memref<21504xf32, #tpu.memory_space<vmem>>, vector<16xf32>,
      %swap3A_247 = vector.shape_cast %swap3A_246 : vector<16xf32> to vector<16xf32>
      %swap3A_248 = vector.shape_cast %get3A_244 : vector<16xf32> to vector<16xf32>
      tpu.vector_store %arg5[%swap3A_245], %swap3A_248 {strides = array<i32>} : memref<21504xf32, #tpu.memory_space<vmem>>, vector<16xf32>,
      %dma_start3A_249 = arith.constant 2 : i32
      %dma_start3A_250 = arith.constant 43008 : i32
      %dma_start3A_251 = tpu.memref_slice %arg4[%dma_start3A_250] : memref<150528xf32, #tpu.memory_space<hbm>> -> memref<21504xf32, #tpu.memory_space<hbm>>
      %dma_start3A_252 = tpu.memref_slice %arg7[%dma_start3A_249] : memref<3x!tpu.dma_semaphore, #tpu.memory_space<semaphore_mem>> -> memref<1x!tpu.dma_semaphore, #tpu.memory_space<semaphore_mem>>
      %dma_start3A_253 = tpu.memref_squeeze %dma_start3A_252 : memref<1x!tpu.dma_semaphore, #tpu.memory_space<semaphore_mem>> -> memref<!tpu.dma_semaphore, #tpu.memory_space<semaphore_mem>>
      %dma_start3A_254 = arith.constant 43008 : i32
      %dma_start3A_255 = tpu.memref_slice %arg4[%dma_start3A_254] : memref<150528xf32, #tpu.memory_space<hbm>> -> memref<21504xf32, #tpu.memory_space<hbm>>
      tpu.enqueue_dma source(%arg5 : memref<21504xf32, #tpu.memory_space<vmem>>) target(%dma_start3A_255 : memref<21504xf32, #tpu.memory_space<hbm>>) target_semaphore(%dma_start3A_253 : memref<!tpu.dma_semaphore, #tpu.memory_space<semaphore_mem>>)
      %dma_wait3A_256 = arith.constant 2 : i32
      %dma_wait3A_257 = arith.constant 43008 : i32
      %dma_wait3A_258 = tpu.memref_slice %arg4[%dma_wait3A_257] : memref<150528xf32, #tpu.memory_space<hbm>> -> memref<21504xf32, #tpu.memory_space<hbm>>
      %dma_wait3A_259 = tpu.memref_slice %arg7[%dma_wait3A_256] : memref<3x!tpu.dma_semaphore, #tpu.memory_space<semaphore_mem>> -> memref<1x!tpu.dma_semaphore, #tpu.memory_space<semaphore_mem>>
      %dma_wait3A_260 = tpu.memref_squeeze %dma_wait3A_259 : memref<1x!tpu.dma_semaphore, #tpu.memory_space<semaphore_mem>> -> memref<!tpu.dma_semaphore, #tpu.memory_space<semaphore_mem>>
      %dma_wait3A_261 = arith.constant 43008 : i32
      %dma_wait3A_262 = tpu.memref_slice %arg4[%dma_wait3A_261] : memref<150528xf32, #tpu.memory_space<hbm>> -> memref<21504xf32, #tpu.memory_space<hbm>>
      tpu.wait_dma2 semaphore(%dma_wait3A_260 : memref<!tpu.dma_semaphore, #tpu.memory_space<semaphore_mem>>) src(%arg5 : memref<21504xf32, #tpu.memory_space<vmem>>) dst(%dma_wait3A_262 : memref<21504xf32, #tpu.memory_space<hbm>>)
    } else {
    }
    %eq3A_17 = arith.constant 3 : i32
    %eq3A_18 = arith.cmpi eq, %add3A, %eq3A_17 : i32
    %convert_element_type3A_19 = arith.extui %eq3A_18 : i1 to i32
    %cond3A_20 = arith.constant 0 : i32
    %cond3A_21 = arith.cmpi ne, %convert_element_type3A_19, %cond3A_20 : i32
    scf.if %cond3A_21 {
      %dma_start3A = arith.constant 1 : i32
      %dma_start3A_37 = tpu.memref_slice %arg7[%dma_start3A] : memref<3x!tpu.dma_semaphore, #tpu.memory_space<semaphore_mem>> -> memref<1x!tpu.dma_semaphore, #tpu.memory_space<semaphore_mem>>
      %dma_start3A_38 = tpu.memref_squeeze %dma_start3A_37 : memref<1x!tpu.dma_semaphore, #tpu.memory_space<semaphore_mem>> -> memref<!tpu.dma_semaphore, #tpu.memory_space<semaphore_mem>>
      tpu.enqueue_dma source(%arg3 : memref<21504xf32, #tpu.memory_space<hbm>>) target(%arg5 : memref<21504xf32, #tpu.memory_space<vmem>>) target_semaphore(%dma_start3A_38 : memref<!tpu.dma_semaphore, #tpu.memory_space<semaphore_mem>>)
      %dma_wait3A = arith.constant 1 : i32
      %dma_wait3A_39 = tpu.memref_slice %arg7[%dma_wait3A] : memref<3x!tpu.dma_semaphore, #tpu.memory_space<semaphore_mem>> -> memref<1x!tpu.dma_semaphore, #tpu.memory_space<semaphore_mem>>
      %dma_wait3A_40 = tpu.memref_squeeze %dma_wait3A_39 : memref<1x!tpu.dma_semaphore, #tpu.memory_space<semaphore_mem>> -> memref<!tpu.dma_semaphore, #tpu.memory_space<semaphore_mem>>
      tpu.wait_dma2 semaphore(%dma_wait3A_40 : memref<!tpu.dma_semaphore, #tpu.memory_space<semaphore_mem>>) src(%arg3 : memref<21504xf32, #tpu.memory_space<hbm>>) dst(%arg5 : memref<21504xf32, #tpu.memory_space<vmem>>)
      %dma_start3A_41 = arith.constant 2 : i32
      %dma_start3A_42 = arith.constant 64512 : i32
      %dma_start3A_43 = tpu.memref_slice %arg4[%dma_start3A_42] : memref<150528xf32, #tpu.memory_space<hbm>> -> memref<21504xf32, #tpu.memory_space<hbm>>
      %dma_start3A_44 = tpu.memref_slice %arg7[%dma_start3A_41] : memref<3x!tpu.dma_semaphore, #tpu.memory_space<semaphore_mem>> -> memref<1x!tpu.dma_semaphore, #tpu.memory_space<semaphore_mem>>
      %dma_start3A_45 = tpu.memref_squeeze %dma_start3A_44 : memref<1x!tpu.dma_semaphore, #tpu.memory_space<semaphore_mem>> -> memref<!tpu.dma_semaphore, #tpu.memory_space<semaphore_mem>>
      %dma_start3A_46 = arith.constant 64512 : i32
      %dma_start3A_47 = tpu.memref_slice %arg4[%dma_start3A_46] : memref<150528xf32, #tpu.memory_space<hbm>> -> memref<21504xf32, #tpu.memory_space<hbm>>
      tpu.enqueue_dma source(%arg5 : memref<21504xf32, #tpu.memory_space<vmem>>) target(%dma_start3A_47 : memref<21504xf32, #tpu.memory_space<hbm>>) target_semaphore(%dma_start3A_45 : memref<!tpu.dma_semaphore, #tpu.memory_space<semaphore_mem>>)
      %dma_wait3A_48 = arith.constant 2 : i32
      %dma_wait3A_49 = arith.constant 64512 : i32
      %dma_wait3A_50 = tpu.memref_slice %arg4[%dma_wait3A_49] : memref<150528xf32, #tpu.memory_space<hbm>> -> memref<21504xf32, #tpu.memory_space<hbm>>
      %dma_wait3A_51 = tpu.memref_slice %arg7[%dma_wait3A_48] : memref<3x!tpu.dma_semaphore, #tpu.memory_space<semaphore_mem>> -> memref<1x!tpu.dma_semaphore, #tpu.memory_space<semaphore_mem>>
      %dma_wait3A_52 = tpu.memref_squeeze %dma_wait3A_51 : memref<1x!tpu.dma_semaphore, #tpu.memory_space<semaphore_mem>> -> memref<!tpu.dma_semaphore, #tpu.memory_space<semaphore_mem>>
      %dma_wait3A_53 = arith.constant 64512 : i32
      %dma_wait3A_54 = tpu.memref_slice %arg4[%dma_wait3A_53] : memref<150528xf32, #tpu.memory_space<hbm>> -> memref<21504xf32, #tpu.memory_space<hbm>>
      tpu.wait_dma2 semaphore(%dma_wait3A_52 : memref<!tpu.dma_semaphore, #tpu.memory_space<semaphore_mem>>) src(%arg5 : memref<21504xf32, #tpu.memory_space<vmem>>) dst(%dma_wait3A_54 : memref<21504xf32, #tpu.memory_space<hbm>>)
    } else {
    }
    %eq3A_22 = arith.constant 4 : i32
    %eq3A_23 = arith.cmpi eq, %add3A, %eq3A_22 : i32
    %convert_element_type3A_24 = arith.extui %eq3A_23 : i1 to i32
    %cond3A_25 = arith.constant 0 : i32
    %cond3A_26 = arith.cmpi ne, %convert_element_type3A_24, %cond3A_25 : i32
    scf.if %cond3A_26 {
      %dma_start3A = arith.constant 1 : i32
      %dma_start3A_37 = tpu.memref_slice %arg7[%dma_start3A] : memref<3x!tpu.dma_semaphore, #tpu.memory_space<semaphore_mem>> -> memref<1x!tpu.dma_semaphore, #tpu.memory_space<semaphore_mem>>
      %dma_start3A_38 = tpu.memref_squeeze %dma_start3A_37 : memref<1x!tpu.dma_semaphore, #tpu.memory_space<semaphore_mem>> -> memref<!tpu.dma_semaphore, #tpu.memory_space<semaphore_mem>>
      tpu.enqueue_dma source(%arg3 : memref<21504xf32, #tpu.memory_space<hbm>>) target(%arg5 : memref<21504xf32, #tpu.memory_space<vmem>>) target_semaphore(%dma_start3A_38 : memref<!tpu.dma_semaphore, #tpu.memory_space<semaphore_mem>>)
      %dma_wait3A = arith.constant 1 : i32
      %dma_wait3A_39 = tpu.memref_slice %arg7[%dma_wait3A] : memref<3x!tpu.dma_semaphore, #tpu.memory_space<semaphore_mem>> -> memref<1x!tpu.dma_semaphore, #tpu.memory_space<semaphore_mem>>
      %dma_wait3A_40 = tpu.memref_squeeze %dma_wait3A_39 : memref<1x!tpu.dma_semaphore, #tpu.memory_space<semaphore_mem>> -> memref<!tpu.dma_semaphore, #tpu.memory_space<semaphore_mem>>
      tpu.wait_dma2 semaphore(%dma_wait3A_40 : memref<!tpu.dma_semaphore, #tpu.memory_space<semaphore_mem>>) src(%arg3 : memref<21504xf32, #tpu.memory_space<hbm>>) dst(%arg5 : memref<21504xf32, #tpu.memory_space<vmem>>)
      %get3A = arith.constant 1440 : index
      %get3A_41 = tpu.vector_load %arg6[%get3A] {strides = array<i32>} : memref<4320xf32, #tpu.memory_space<vmem>>, vector<16xf32>,
      %get3A_42 = vector.shape_cast %get3A_41 : vector<16xf32> to vector<16xf32>
      %swap3A = arith.constant 2720 : index
      %swap3A_43 = tpu.vector_load %arg5[%swap3A] {strides = array<i32>} : memref<21504xf32, #tpu.memory_space<vmem>>, vector<16xf32>,
      %swap3A_44 = vector.shape_cast %swap3A_43 : vector<16xf32> to vector<16xf32>
      %swap3A_45 = vector.shape_cast %get3A_42 : vector<16xf32> to vector<16xf32>
      tpu.vector_store %arg5[%swap3A], %swap3A_45 {strides = array<i32>} : memref<21504xf32, #tpu.memory_space<vmem>>, vector<16xf32>,
      %get3A_46 = arith.constant 1456 : index
      %get3A_47 = tpu.vector_load %arg6[%get3A_46] {strides = array<i32>} : memref<4320xf32, #tpu.memory_space<vmem>>, vector<16xf32>,
      %get3A_48 = vector.shape_cast %get3A_47 : vector<16xf32> to vector<16xf32>
      %swap3A_49 = arith.constant 2736 : index
      %swap3A_50 = tpu.vector_load %arg5[%swap3A_49] {strides = array<i32>} : memref<21504xf32, #tpu.memory_space<vmem>>, vector<16xf32>,
      %swap3A_51 = vector.shape_cast %swap3A_50 : vector<16xf32> to vector<16xf32>
      %swap3A_52 = vector.shape_cast %get3A_48 : vector<16xf32> to vector<16xf32>
      tpu.vector_store %arg5[%swap3A_49], %swap3A_52 {strides = array<i32>} : memref<21504xf32, #tpu.memory_space<vmem>>, vector<16xf32>,
      %get3A_53 = arith.constant 1472 : index
      %get3A_54 = tpu.vector_load %arg6[%get3A_53] {strides = array<i32>} : memref<4320xf32, #tpu.memory_space<vmem>>, vector<16xf32>,
      %get3A_55 = vector.shape_cast %get3A_54 : vector<16xf32> to vector<16xf32>
      %swap3A_56 = arith.constant 2752 : index
      %swap3A_57 = tpu.vector_load %arg5[%swap3A_56] {strides = array<i32>} : memref<21504xf32, #tpu.memory_space<vmem>>, vector<16xf32>,
      %swap3A_58 = vector.shape_cast %swap3A_57 : vector<16xf32> to vector<16xf32>
      %swap3A_59 = vector.shape_cast %get3A_55 : vector<16xf32> to vector<16xf32>
      tpu.vector_store %arg5[%swap3A_56], %swap3A_59 {strides = array<i32>} : memref<21504xf32, #tpu.memory_space<vmem>>, vector<16xf32>,
      %get3A_60 = arith.constant 1488 : index
      %get3A_61 = tpu.vector_load %arg6[%get3A_60] {strides = array<i32>} : memref<4320xf32, #tpu.memory_space<vmem>>, vector<16xf32>,
      %get3A_62 = vector.shape_cast %get3A_61 : vector<16xf32> to vector<16xf32>
      %swap3A_63 = arith.constant 2944 : index
      %swap3A_64 = tpu.vector_load %arg5[%swap3A_63] {strides = array<i32>} : memref<21504xf32, #tpu.memory_space<vmem>>, vector<16xf32>,
      %swap3A_65 = vector.shape_cast %swap3A_64 : vector<16xf32> to vector<16xf32>
      %swap3A_66 = vector.shape_cast %get3A_62 : vector<16xf32> to vector<16xf32>
      tpu.vector_store %arg5[%swap3A_63], %swap3A_66 {strides = array<i32>} : memref<21504xf32, #tpu.memory_space<vmem>>, vector<16xf32>,
      %get3A_67 = arith.constant 1504 : index
      %get3A_68 = tpu.vector_load %arg6[%get3A_67] {strides = array<i32>} : memref<4320xf32, #tpu.memory_space<vmem>>, vector<16xf32>,
      %get3A_69 = vector.shape_cast %get3A_68 : vector<16xf32> to vector<16xf32>
      %swap3A_70 = arith.constant 2960 : index
      %swap3A_71 = tpu.vector_load %arg5[%swap3A_70] {strides = array<i32>} : memref<21504xf32, #tpu.memory_space<vmem>>, vector<16xf32>,
      %swap3A_72 = vector.shape_cast %swap3A_71 : vector<16xf32> to vector<16xf32>
      %swap3A_73 = vector.shape_cast %get3A_69 : vector<16xf32> to vector<16xf32>
      tpu.vector_store %arg5[%swap3A_70], %swap3A_73 {strides = array<i32>} : memref<21504xf32, #tpu.memory_space<vmem>>, vector<16xf32>,
      %get3A_74 = arith.constant 1520 : index
      %get3A_75 = tpu.vector_load %arg6[%get3A_74] {strides = array<i32>} : memref<4320xf32, #tpu.memory_space<vmem>>, vector<16xf32>,
      %get3A_76 = vector.shape_cast %get3A_75 : vector<16xf32> to vector<16xf32>
      %swap3A_77 = arith.constant 2976 : index
      %swap3A_78 = tpu.vector_load %arg5[%swap3A_77] {strides = array<i32>} : memref<21504xf32, #tpu.memory_space<vmem>>, vector<16xf32>,
      %swap3A_79 = vector.shape_cast %swap3A_78 : vector<16xf32> to vector<16xf32>
      %swap3A_80 = vector.shape_cast %get3A_76 : vector<16xf32> to vector<16xf32>
      tpu.vector_store %arg5[%swap3A_77], %swap3A_80 {strides = array<i32>} : memref<21504xf32, #tpu.memory_space<vmem>>, vector<16xf32>,
      %get3A_81 = arith.constant 1536 : index
      %get3A_82 = tpu.vector_load %arg6[%get3A_81] {strides = array<i32>} : memref<4320xf32, #tpu.memory_space<vmem>>, vector<16xf32>,
      %get3A_83 = vector.shape_cast %get3A_82 : vector<16xf32> to vector<16xf32>
      %swap3A_84 = arith.constant 3168 : index
      %swap3A_85 = tpu.vector_load %arg5[%swap3A_84] {strides = array<i32>} : memref<21504xf32, #tpu.memory_space<vmem>>, vector<16xf32>,
      %swap3A_86 = vector.shape_cast %swap3A_85 : vector<16xf32> to vector<16xf32>
      %swap3A_87 = vector.shape_cast %get3A_83 : vector<16xf32> to vector<16xf32>
      tpu.vector_store %arg5[%swap3A_84], %swap3A_87 {strides = array<i32>} : memref<21504xf32, #tpu.memory_space<vmem>>, vector<16xf32>,
      %get3A_88 = arith.constant 1552 : index
      %get3A_89 = tpu.vector_load %arg6[%get3A_88] {strides = array<i32>} : memref<4320xf32, #tpu.memory_space<vmem>>, vector<16xf32>,
      %get3A_90 = vector.shape_cast %get3A_89 : vector<16xf32> to vector<16xf32>
      %swap3A_91 = arith.constant 3184 : index
      %swap3A_92 = tpu.vector_load %arg5[%swap3A_91] {strides = array<i32>} : memref<21504xf32, #tpu.memory_space<vmem>>, vector<16xf32>,
      %swap3A_93 = vector.shape_cast %swap3A_92 : vector<16xf32> to vector<16xf32>
      %swap3A_94 = vector.shape_cast %get3A_90 : vector<16xf32> to vector<16xf32>
      tpu.vector_store %arg5[%swap3A_91], %swap3A_94 {strides = array<i32>} : memref<21504xf32, #tpu.memory_space<vmem>>, vector<16xf32>,
      %get3A_95 = arith.constant 1568 : index
      %get3A_96 = tpu.vector_load %arg6[%get3A_95] {strides = array<i32>} : memref<4320xf32, #tpu.memory_space<vmem>>, vector<16xf32>,
      %get3A_97 = vector.shape_cast %get3A_96 : vector<16xf32> to vector<16xf32>
      %swap3A_98 = arith.constant 3200 : index
      %swap3A_99 = tpu.vector_load %arg5[%swap3A_98] {strides = array<i32>} : memref<21504xf32, #tpu.memory_space<vmem>>, vector<16xf32>,
      %swap3A_100 = vector.shape_cast %swap3A_99 : vector<16xf32> to vector<16xf32>
      %swap3A_101 = vector.shape_cast %get3A_97 : vector<16xf32> to vector<16xf32>
      tpu.vector_store %arg5[%swap3A_98], %swap3A_101 {strides = array<i32>} : memref<21504xf32, #tpu.memory_space<vmem>>, vector<16xf32>,
      %get3A_102 = arith.constant 1584 : index
      %get3A_103 = tpu.vector_load %arg6[%get3A_102] {strides = array<i32>} : memref<4320xf32, #tpu.memory_space<vmem>>, vector<16xf32>,
      %get3A_104 = vector.shape_cast %get3A_103 : vector<16xf32> to vector<16xf32>
      %swap3A_105 = arith.constant 3392 : index
      %swap3A_106 = tpu.vector_load %arg5[%swap3A_105] {strides = array<i32>} : memref<21504xf32, #tpu.memory_space<vmem>>, vector<16xf32>,
      %swap3A_107 = vector.shape_cast %swap3A_106 : vector<16xf32> to vector<16xf32>
      %swap3A_108 = vector.shape_cast %get3A_104 : vector<16xf32> to vector<16xf32>
      tpu.vector_store %arg5[%swap3A_105], %swap3A_108 {strides = array<i32>} : memref<21504xf32, #tpu.memory_space<vmem>>, vector<16xf32>,
      %get3A_109 = arith.constant 1600 : index
      %get3A_110 = tpu.vector_load %arg6[%get3A_109] {strides = array<i32>} : memref<4320xf32, #tpu.memory_space<vmem>>, vector<16xf32>,
      %get3A_111 = vector.shape_cast %get3A_110 : vector<16xf32> to vector<16xf32>
      %swap3A_112 = arith.constant 3408 : index
      %swap3A_113 = tpu.vector_load %arg5[%swap3A_112] {strides = array<i32>} : memref<21504xf32, #tpu.memory_space<vmem>>, vector<16xf32>,
      %swap3A_114 = vector.shape_cast %swap3A_113 : vector<16xf32> to vector<16xf32>
      %swap3A_115 = vector.shape_cast %get3A_111 : vector<16xf32> to vector<16xf32>
      tpu.vector_store %arg5[%swap3A_112], %swap3A_115 {strides = array<i32>} : memref<21504xf32, #tpu.memory_space<vmem>>, vector<16xf32>,
      %get3A_116 = arith.constant 1616 : index
      %get3A_117 = tpu.vector_load %arg6[%get3A_116] {strides = array<i32>} : memref<4320xf32, #tpu.memory_space<vmem>>, vector<16xf32>,
      %get3A_118 = vector.shape_cast %get3A_117 : vector<16xf32> to vector<16xf32>
      %swap3A_119 = arith.constant 3424 : index
      %swap3A_120 = tpu.vector_load %arg5[%swap3A_119] {strides = array<i32>} : memref<21504xf32, #tpu.memory_space<vmem>>, vector<16xf32>,
      %swap3A_121 = vector.shape_cast %swap3A_120 : vector<16xf32> to vector<16xf32>
      %swap3A_122 = vector.shape_cast %get3A_118 : vector<16xf32> to vector<16xf32>
      tpu.vector_store %arg5[%swap3A_119], %swap3A_122 {strides = array<i32>} : memref<21504xf32, #tpu.memory_space<vmem>>, vector<16xf32>,
      %get3A_123 = arith.constant 1632 : index
      %get3A_124 = tpu.vector_load %arg6[%get3A_123] {strides = array<i32>} : memref<4320xf32, #tpu.memory_space<vmem>>, vector<16xf32>,
      %get3A_125 = vector.shape_cast %get3A_124 : vector<16xf32> to vector<16xf32>
      %swap3A_126 = arith.constant 3616 : index
      %swap3A_127 = tpu.vector_load %arg5[%swap3A_126] {strides = array<i32>} : memref<21504xf32, #tpu.memory_space<vmem>>, vector<16xf32>,
      %swap3A_128 = vector.shape_cast %swap3A_127 : vector<16xf32> to vector<16xf32>
      %swap3A_129 = vector.shape_cast %get3A_125 : vector<16xf32> to vector<16xf32>
      tpu.vector_store %arg5[%swap3A_126], %swap3A_129 {strides = array<i32>} : memref<21504xf32, #tpu.memory_space<vmem>>, vector<16xf32>,
      %get3A_130 = arith.constant 1648 : index
      %get3A_131 = tpu.vector_load %arg6[%get3A_130] {strides = array<i32>} : memref<4320xf32, #tpu.memory_space<vmem>>, vector<16xf32>,
      %get3A_132 = vector.shape_cast %get3A_131 : vector<16xf32> to vector<16xf32>
      %swap3A_133 = arith.constant 3632 : index
      %swap3A_134 = tpu.vector_load %arg5[%swap3A_133] {strides = array<i32>} : memref<21504xf32, #tpu.memory_space<vmem>>, vector<16xf32>,
      %swap3A_135 = vector.shape_cast %swap3A_134 : vector<16xf32> to vector<16xf32>
      %swap3A_136 = vector.shape_cast %get3A_132 : vector<16xf32> to vector<16xf32>
      tpu.vector_store %arg5[%swap3A_133], %swap3A_136 {strides = array<i32>} : memref<21504xf32, #tpu.memory_space<vmem>>, vector<16xf32>,
      %get3A_137 = arith.constant 1664 : index
      %get3A_138 = tpu.vector_load %arg6[%get3A_137] {strides = array<i32>} : memref<4320xf32, #tpu.memory_space<vmem>>, vector<16xf32>,
      %get3A_139 = vector.shape_cast %get3A_138 : vector<16xf32> to vector<16xf32>
      %swap3A_140 = arith.constant 3648 : index
      %swap3A_141 = tpu.vector_load %arg5[%swap3A_140] {strides = array<i32>} : memref<21504xf32, #tpu.memory_space<vmem>>, vector<16xf32>,
      %swap3A_142 = vector.shape_cast %swap3A_141 : vector<16xf32> to vector<16xf32>
      %swap3A_143 = vector.shape_cast %get3A_139 : vector<16xf32> to vector<16xf32>
      tpu.vector_store %arg5[%swap3A_140], %swap3A_143 {strides = array<i32>} : memref<21504xf32, #tpu.memory_space<vmem>>, vector<16xf32>,
      %get3A_144 = arith.constant 1680 : index
      %get3A_145 = tpu.vector_load %arg6[%get3A_144] {strides = array<i32>} : memref<4320xf32, #tpu.memory_space<vmem>>, vector<16xf32>,
      %get3A_146 = vector.shape_cast %get3A_145 : vector<16xf32> to vector<16xf32>
      %swap3A_147 = arith.constant 3840 : index
      %swap3A_148 = tpu.vector_load %arg5[%swap3A_147] {strides = array<i32>} : memref<21504xf32, #tpu.memory_space<vmem>>, vector<16xf32>,
      %swap3A_149 = vector.shape_cast %swap3A_148 : vector<16xf32> to vector<16xf32>
      %swap3A_150 = vector.shape_cast %get3A_146 : vector<16xf32> to vector<16xf32>
      tpu.vector_store %arg5[%swap3A_147], %swap3A_150 {strides = array<i32>} : memref<21504xf32, #tpu.memory_space<vmem>>, vector<16xf32>,
      %get3A_151 = arith.constant 1696 : index
      %get3A_152 = tpu.vector_load %arg6[%get3A_151] {strides = array<i32>} : memref<4320xf32, #tpu.memory_space<vmem>>, vector<16xf32>,
      %get3A_153 = vector.shape_cast %get3A_152 : vector<16xf32> to vector<16xf32>
      %swap3A_154 = arith.constant 3856 : index
      %swap3A_155 = tpu.vector_load %arg5[%swap3A_154] {strides = array<i32>} : memref<21504xf32, #tpu.memory_space<vmem>>, vector<16xf32>,
      %swap3A_156 = vector.shape_cast %swap3A_155 : vector<16xf32> to vector<16xf32>
      %swap3A_157 = vector.shape_cast %get3A_153 : vector<16xf32> to vector<16xf32>
      tpu.vector_store %arg5[%swap3A_154], %swap3A_157 {strides = array<i32>} : memref<21504xf32, #tpu.memory_space<vmem>>, vector<16xf32>,
      %get3A_158 = arith.constant 1712 : index
      %get3A_159 = tpu.vector_load %arg6[%get3A_158] {strides = array<i32>} : memref<4320xf32, #tpu.memory_space<vmem>>, vector<16xf32>,
      %get3A_160 = vector.shape_cast %get3A_159 : vector<16xf32> to vector<16xf32>
      %swap3A_161 = arith.constant 3872 : index
      %swap3A_162 = tpu.vector_load %arg5[%swap3A_161] {strides = array<i32>} : memref<21504xf32, #tpu.memory_space<vmem>>, vector<16xf32>,
      %swap3A_163 = vector.shape_cast %swap3A_162 : vector<16xf32> to vector<16xf32>
      %swap3A_164 = vector.shape_cast %get3A_160 : vector<16xf32> to vector<16xf32>
      tpu.vector_store %arg5[%swap3A_161], %swap3A_164 {strides = array<i32>} : memref<21504xf32, #tpu.memory_space<vmem>>, vector<16xf32>,
      %get3A_165 = arith.constant 1728 : index
      %get3A_166 = tpu.vector_load %arg6[%get3A_165] {strides = array<i32>} : memref<4320xf32, #tpu.memory_space<vmem>>, vector<16xf32>,
      %get3A_167 = vector.shape_cast %get3A_166 : vector<16xf32> to vector<16xf32>
      %swap3A_168 = arith.constant 4064 : index
      %swap3A_169 = tpu.vector_load %arg5[%swap3A_168] {strides = array<i32>} : memref<21504xf32, #tpu.memory_space<vmem>>, vector<16xf32>,
      %swap3A_170 = vector.shape_cast %swap3A_169 : vector<16xf32> to vector<16xf32>
      %swap3A_171 = vector.shape_cast %get3A_167 : vector<16xf32> to vector<16xf32>
      tpu.vector_store %arg5[%swap3A_168], %swap3A_171 {strides = array<i32>} : memref<21504xf32, #tpu.memory_space<vmem>>, vector<16xf32>,
      %get3A_172 = arith.constant 1744 : index
      %get3A_173 = tpu.vector_load %arg6[%get3A_172] {strides = array<i32>} : memref<4320xf32, #tpu.memory_space<vmem>>, vector<16xf32>,
      %get3A_174 = vector.shape_cast %get3A_173 : vector<16xf32> to vector<16xf32>
      %swap3A_175 = arith.constant 4080 : index
      %swap3A_176 = tpu.vector_load %arg5[%swap3A_175] {strides = array<i32>} : memref<21504xf32, #tpu.memory_space<vmem>>, vector<16xf32>,
      %swap3A_177 = vector.shape_cast %swap3A_176 : vector<16xf32> to vector<16xf32>
      %swap3A_178 = vector.shape_cast %get3A_174 : vector<16xf32> to vector<16xf32>
      tpu.vector_store %arg5[%swap3A_175], %swap3A_178 {strides = array<i32>} : memref<21504xf32, #tpu.memory_space<vmem>>, vector<16xf32>,
      %get3A_179 = arith.constant 1760 : index
      %get3A_180 = tpu.vector_load %arg6[%get3A_179] {strides = array<i32>} : memref<4320xf32, #tpu.memory_space<vmem>>, vector<16xf32>,
      %get3A_181 = vector.shape_cast %get3A_180 : vector<16xf32> to vector<16xf32>
      %swap3A_182 = arith.constant 4096 : index
      %swap3A_183 = tpu.vector_load %arg5[%swap3A_182] {strides = array<i32>} : memref<21504xf32, #tpu.memory_space<vmem>>, vector<16xf32>,
      %swap3A_184 = vector.shape_cast %swap3A_183 : vector<16xf32> to vector<16xf32>
      %swap3A_185 = vector.shape_cast %get3A_181 : vector<16xf32> to vector<16xf32>
      tpu.vector_store %arg5[%swap3A_182], %swap3A_185 {strides = array<i32>} : memref<21504xf32, #tpu.memory_space<vmem>>, vector<16xf32>,
      %get3A_186 = arith.constant 1776 : index
      %get3A_187 = tpu.vector_load %arg6[%get3A_186] {strides = array<i32>} : memref<4320xf32, #tpu.memory_space<vmem>>, vector<16xf32>,
      %get3A_188 = vector.shape_cast %get3A_187 : vector<16xf32> to vector<16xf32>
      %swap3A_189 = arith.constant 4288 : index
      %swap3A_190 = tpu.vector_load %arg5[%swap3A_189] {strides = array<i32>} : memref<21504xf32, #tpu.memory_space<vmem>>, vector<16xf32>,
      %swap3A_191 = vector.shape_cast %swap3A_190 : vector<16xf32> to vector<16xf32>
      %swap3A_192 = vector.shape_cast %get3A_188 : vector<16xf32> to vector<16xf32>
      tpu.vector_store %arg5[%swap3A_189], %swap3A_192 {strides = array<i32>} : memref<21504xf32, #tpu.memory_space<vmem>>, vector<16xf32>,
      %get3A_193 = arith.constant 1792 : index
      %get3A_194 = tpu.vector_load %arg6[%get3A_193] {strides = array<i32>} : memref<4320xf32, #tpu.memory_space<vmem>>, vector<16xf32>,
      %get3A_195 = vector.shape_cast %get3A_194 : vector<16xf32> to vector<16xf32>
      %swap3A_196 = arith.constant 4304 : index
      %swap3A_197 = tpu.vector_load %arg5[%swap3A_196] {strides = array<i32>} : memref<21504xf32, #tpu.memory_space<vmem>>, vector<16xf32>,
      %swap3A_198 = vector.shape_cast %swap3A_197 : vector<16xf32> to vector<16xf32>
      %swap3A_199 = vector.shape_cast %get3A_195 : vector<16xf32> to vector<16xf32>
      tpu.vector_store %arg5[%swap3A_196], %swap3A_199 {strides = array<i32>} : memref<21504xf32, #tpu.memory_space<vmem>>, vector<16xf32>,
      %get3A_200 = arith.constant 1808 : index
      %get3A_201 = tpu.vector_load %arg6[%get3A_200] {strides = array<i32>} : memref<4320xf32, #tpu.memory_space<vmem>>, vector<16xf32>,
      %get3A_202 = vector.shape_cast %get3A_201 : vector<16xf32> to vector<16xf32>
      %swap3A_203 = arith.constant 4320 : index
      %swap3A_204 = tpu.vector_load %arg5[%swap3A_203] {strides = array<i32>} : memref<21504xf32, #tpu.memory_space<vmem>>, vector<16xf32>,
      %swap3A_205 = vector.shape_cast %swap3A_204 : vector<16xf32> to vector<16xf32>
      %swap3A_206 = vector.shape_cast %get3A_202 : vector<16xf32> to vector<16xf32>
      tpu.vector_store %arg5[%swap3A_203], %swap3A_206 {strides = array<i32>} : memref<21504xf32, #tpu.memory_space<vmem>>, vector<16xf32>,
      %get3A_207 = arith.constant 1824 : index
      %get3A_208 = tpu.vector_load %arg6[%get3A_207] {strides = array<i32>} : memref<4320xf32, #tpu.memory_space<vmem>>, vector<16xf32>,
      %get3A_209 = vector.shape_cast %get3A_208 : vector<16xf32> to vector<16xf32>
      %swap3A_210 = arith.constant 4512 : index
      %swap3A_211 = tpu.vector_load %arg5[%swap3A_210] {strides = array<i32>} : memref<21504xf32, #tpu.memory_space<vmem>>, vector<16xf32>,
      %swap3A_212 = vector.shape_cast %swap3A_211 : vector<16xf32> to vector<16xf32>
      %swap3A_213 = vector.shape_cast %get3A_209 : vector<16xf32> to vector<16xf32>
      tpu.vector_store %arg5[%swap3A_210], %swap3A_213 {strides = array<i32>} : memref<21504xf32, #tpu.memory_space<vmem>>, vector<16xf32>,
      %get3A_214 = arith.constant 1840 : index
      %get3A_215 = tpu.vector_load %arg6[%get3A_214] {strides = array<i32>} : memref<4320xf32, #tpu.memory_space<vmem>>, vector<16xf32>,
      %get3A_216 = vector.shape_cast %get3A_215 : vector<16xf32> to vector<16xf32>
      %swap3A_217 = arith.constant 4528 : index
      %swap3A_218 = tpu.vector_load %arg5[%swap3A_217] {strides = array<i32>} : memref<21504xf32, #tpu.memory_space<vmem>>, vector<16xf32>,
      %swap3A_219 = vector.shape_cast %swap3A_218 : vector<16xf32> to vector<16xf32>
      %swap3A_220 = vector.shape_cast %get3A_216 : vector<16xf32> to vector<16xf32>
      tpu.vector_store %arg5[%swap3A_217], %swap3A_220 {strides = array<i32>} : memref<21504xf32, #tpu.memory_space<vmem>>, vector<16xf32>,
      %get3A_221 = arith.constant 1856 : index
      %get3A_222 = tpu.vector_load %arg6[%get3A_221] {strides = array<i32>} : memref<4320xf32, #tpu.memory_space<vmem>>, vector<16xf32>,
      %get3A_223 = vector.shape_cast %get3A_222 : vector<16xf32> to vector<16xf32>
      %swap3A_224 = arith.constant 4544 : index
      %swap3A_225 = tpu.vector_load %arg5[%swap3A_224] {strides = array<i32>} : memref<21504xf32, #tpu.memory_space<vmem>>, vector<16xf32>,
      %swap3A_226 = vector.shape_cast %swap3A_225 : vector<16xf32> to vector<16xf32>
      %swap3A_227 = vector.shape_cast %get3A_223 : vector<16xf32> to vector<16xf32>
      tpu.vector_store %arg5[%swap3A_224], %swap3A_227 {strides = array<i32>} : memref<21504xf32, #tpu.memory_space<vmem>>, vector<16xf32>,
      %get3A_228 = arith.constant 1872 : index
      %get3A_229 = tpu.vector_load %arg6[%get3A_228] {strides = array<i32>} : memref<4320xf32, #tpu.memory_space<vmem>>, vector<16xf32>,
      %get3A_230 = vector.shape_cast %get3A_229 : vector<16xf32> to vector<16xf32>
      %swap3A_231 = arith.constant 4736 : index
      %swap3A_232 = tpu.vector_load %arg5[%swap3A_231] {strides = array<i32>} : memref<21504xf32, #tpu.memory_space<vmem>>, vector<16xf32>,
      %swap3A_233 = vector.shape_cast %swap3A_232 : vector<16xf32> to vector<16xf32>
      %swap3A_234 = vector.shape_cast %get3A_230 : vector<16xf32> to vector<16xf32>
      tpu.vector_store %arg5[%swap3A_231], %swap3A_234 {strides = array<i32>} : memref<21504xf32, #tpu.memory_space<vmem>>, vector<16xf32>,
      %get3A_235 = arith.constant 1888 : index
      %get3A_236 = tpu.vector_load %arg6[%get3A_235] {strides = array<i32>} : memref<4320xf32, #tpu.memory_space<vmem>>, vector<16xf32>,
      %get3A_237 = vector.shape_cast %get3A_236 : vector<16xf32> to vector<16xf32>
      %swap3A_238 = arith.constant 4752 : index
      %swap3A_239 = tpu.vector_load %arg5[%swap3A_238] {strides = array<i32>} : memref<21504xf32, #tpu.memory_space<vmem>>, vector<16xf32>,
      %swap3A_240 = vector.shape_cast %swap3A_239 : vector<16xf32> to vector<16xf32>
      %swap3A_241 = vector.shape_cast %get3A_237 : vector<16xf32> to vector<16xf32>
      tpu.vector_store %arg5[%swap3A_238], %swap3A_241 {strides = array<i32>} : memref<21504xf32, #tpu.memory_space<vmem>>, vector<16xf32>,
      %get3A_242 = arith.constant 1904 : index
      %get3A_243 = tpu.vector_load %arg6[%get3A_242] {strides = array<i32>} : memref<4320xf32, #tpu.memory_space<vmem>>, vector<16xf32>,
      %get3A_244 = vector.shape_cast %get3A_243 : vector<16xf32> to vector<16xf32>
      %swap3A_245 = arith.constant 4768 : index
      %swap3A_246 = tpu.vector_load %arg5[%swap3A_245] {strides = array<i32>} : memref<21504xf32, #tpu.memory_space<vmem>>, vector<16xf32>,
      %swap3A_247 = vector.shape_cast %swap3A_246 : vector<16xf32> to vector<16xf32>
      %swap3A_248 = vector.shape_cast %get3A_244 : vector<16xf32> to vector<16xf32>
      tpu.vector_store %arg5[%swap3A_245], %swap3A_248 {strides = array<i32>} : memref<21504xf32, #tpu.memory_space<vmem>>, vector<16xf32>,
      %get3A_249 = arith.constant 1920 : index
      %get3A_250 = tpu.vector_load %arg6[%get3A_249] {strides = array<i32>} : memref<4320xf32, #tpu.memory_space<vmem>>, vector<16xf32>,
      %get3A_251 = vector.shape_cast %get3A_250 : vector<16xf32> to vector<16xf32>
      %swap3A_252 = arith.constant 4960 : index
      %swap3A_253 = tpu.vector_load %arg5[%swap3A_252] {strides = array<i32>} : memref<21504xf32, #tpu.memory_space<vmem>>, vector<16xf32>,
      %swap3A_254 = vector.shape_cast %swap3A_253 : vector<16xf32> to vector<16xf32>
      %swap3A_255 = vector.shape_cast %get3A_251 : vector<16xf32> to vector<16xf32>
      tpu.vector_store %arg5[%swap3A_252], %swap3A_255 {strides = array<i32>} : memref<21504xf32, #tpu.memory_space<vmem>>, vector<16xf32>,
      %get3A_256 = arith.constant 1936 : index
      %get3A_257 = tpu.vector_load %arg6[%get3A_256] {strides = array<i32>} : memref<4320xf32, #tpu.memory_space<vmem>>, vector<16xf32>,
      %get3A_258 = vector.shape_cast %get3A_257 : vector<16xf32> to vector<16xf32>
      %swap3A_259 = arith.constant 4976 : index
      %swap3A_260 = tpu.vector_load %arg5[%swap3A_259] {strides = array<i32>} : memref<21504xf32, #tpu.memory_space<vmem>>, vector<16xf32>,
      %swap3A_261 = vector.shape_cast %swap3A_260 : vector<16xf32> to vector<16xf32>
      %swap3A_262 = vector.shape_cast %get3A_258 : vector<16xf32> to vector<16xf32>
      tpu.vector_store %arg5[%swap3A_259], %swap3A_262 {strides = array<i32>} : memref<21504xf32, #tpu.memory_space<vmem>>, vector<16xf32>,
      %get3A_263 = arith.constant 1952 : index
      %get3A_264 = tpu.vector_load %arg6[%get3A_263] {strides = array<i32>} : memref<4320xf32, #tpu.memory_space<vmem>>, vector<16xf32>,
      %get3A_265 = vector.shape_cast %get3A_264 : vector<16xf32> to vector<16xf32>
      %swap3A_266 = arith.constant 4992 : index
      %swap3A_267 = tpu.vector_load %arg5[%swap3A_266] {strides = array<i32>} : memref<21504xf32, #tpu.memory_space<vmem>>, vector<16xf32>,
      %swap3A_268 = vector.shape_cast %swap3A_267 : vector<16xf32> to vector<16xf32>
      %swap3A_269 = vector.shape_cast %get3A_265 : vector<16xf32> to vector<16xf32>
      tpu.vector_store %arg5[%swap3A_266], %swap3A_269 {strides = array<i32>} : memref<21504xf32, #tpu.memory_space<vmem>>, vector<16xf32>,
      %get3A_270 = arith.constant 1968 : index
      %get3A_271 = tpu.vector_load %arg6[%get3A_270] {strides = array<i32>} : memref<4320xf32, #tpu.memory_space<vmem>>, vector<16xf32>,
      %get3A_272 = vector.shape_cast %get3A_271 : vector<16xf32> to vector<16xf32>
      %swap3A_273 = arith.constant 5184 : index
      %swap3A_274 = tpu.vector_load %arg5[%swap3A_273] {strides = array<i32>} : memref<21504xf32, #tpu.memory_space<vmem>>, vector<16xf32>,
      %swap3A_275 = vector.shape_cast %swap3A_274 : vector<16xf32> to vector<16xf32>
      %swap3A_276 = vector.shape_cast %get3A_272 : vector<16xf32> to vector<16xf32>
      tpu.vector_store %arg5[%swap3A_273], %swap3A_276 {strides = array<i32>} : memref<21504xf32, #tpu.memory_space<vmem>>, vector<16xf32>,
      %get3A_277 = arith.constant 1984 : index
      %get3A_278 = tpu.vector_load %arg6[%get3A_277] {strides = array<i32>} : memref<4320xf32, #tpu.memory_space<vmem>>, vector<16xf32>,
      %get3A_279 = vector.shape_cast %get3A_278 : vector<16xf32> to vector<16xf32>
      %swap3A_280 = arith.constant 5200 : index
      %swap3A_281 = tpu.vector_load %arg5[%swap3A_280] {strides = array<i32>} : memref<21504xf32, #tpu.memory_space<vmem>>, vector<16xf32>,
      %swap3A_282 = vector.shape_cast %swap3A_281 : vector<16xf32> to vector<16xf32>
      %swap3A_283 = vector.shape_cast %get3A_279 : vector<16xf32> to vector<16xf32>
      tpu.vector_store %arg5[%swap3A_280], %swap3A_283 {strides = array<i32>} : memref<21504xf32, #tpu.memory_space<vmem>>, vector<16xf32>,
      %get3A_284 = arith.constant 2000 : index
      %get3A_285 = tpu.vector_load %arg6[%get3A_284] {strides = array<i32>} : memref<4320xf32, #tpu.memory_space<vmem>>, vector<16xf32>,
      %get3A_286 = vector.shape_cast %get3A_285 : vector<16xf32> to vector<16xf32>
      %swap3A_287 = arith.constant 5216 : index
      %swap3A_288 = tpu.vector_load %arg5[%swap3A_287] {strides = array<i32>} : memref<21504xf32, #tpu.memory_space<vmem>>, vector<16xf32>,
      %swap3A_289 = vector.shape_cast %swap3A_288 : vector<16xf32> to vector<16xf32>
      %swap3A_290 = vector.shape_cast %get3A_286 : vector<16xf32> to vector<16xf32>
      tpu.vector_store %arg5[%swap3A_287], %swap3A_290 {strides = array<i32>} : memref<21504xf32, #tpu.memory_space<vmem>>, vector<16xf32>,
      %get3A_291 = arith.constant 2016 : index
      %get3A_292 = tpu.vector_load %arg6[%get3A_291] {strides = array<i32>} : memref<4320xf32, #tpu.memory_space<vmem>>, vector<16xf32>,
      %get3A_293 = vector.shape_cast %get3A_292 : vector<16xf32> to vector<16xf32>
      %swap3A_294 = arith.constant 5408 : index
      %swap3A_295 = tpu.vector_load %arg5[%swap3A_294] {strides = array<i32>} : memref<21504xf32, #tpu.memory_space<vmem>>, vector<16xf32>,
      %swap3A_296 = vector.shape_cast %swap3A_295 : vector<16xf32> to vector<16xf32>
      %swap3A_297 = vector.shape_cast %get3A_293 : vector<16xf32> to vector<16xf32>
      tpu.vector_store %arg5[%swap3A_294], %swap3A_297 {strides = array<i32>} : memref<21504xf32, #tpu.memory_space<vmem>>, vector<16xf32>,
      %get3A_298 = arith.constant 2032 : index
      %get3A_299 = tpu.vector_load %arg6[%get3A_298] {strides = array<i32>} : memref<4320xf32, #tpu.memory_space<vmem>>, vector<16xf32>,
      %get3A_300 = vector.shape_cast %get3A_299 : vector<16xf32> to vector<16xf32>
      %swap3A_301 = arith.constant 5424 : index
      %swap3A_302 = tpu.vector_load %arg5[%swap3A_301] {strides = array<i32>} : memref<21504xf32, #tpu.memory_space<vmem>>, vector<16xf32>,
      %swap3A_303 = vector.shape_cast %swap3A_302 : vector<16xf32> to vector<16xf32>
      %swap3A_304 = vector.shape_cast %get3A_300 : vector<16xf32> to vector<16xf32>
      tpu.vector_store %arg5[%swap3A_301], %swap3A_304 {strides = array<i32>} : memref<21504xf32, #tpu.memory_space<vmem>>, vector<16xf32>,
      %get3A_305 = arith.constant 2048 : index
      %get3A_306 = tpu.vector_load %arg6[%get3A_305] {strides = array<i32>} : memref<4320xf32, #tpu.memory_space<vmem>>, vector<16xf32>,
      %get3A_307 = vector.shape_cast %get3A_306 : vector<16xf32> to vector<16xf32>
      %swap3A_308 = arith.constant 5440 : index
      %swap3A_309 = tpu.vector_load %arg5[%swap3A_308] {strides = array<i32>} : memref<21504xf32, #tpu.memory_space<vmem>>, vector<16xf32>,
      %swap3A_310 = vector.shape_cast %swap3A_309 : vector<16xf32> to vector<16xf32>
      %swap3A_311 = vector.shape_cast %get3A_307 : vector<16xf32> to vector<16xf32>
      tpu.vector_store %arg5[%swap3A_308], %swap3A_311 {strides = array<i32>} : memref<21504xf32, #tpu.memory_space<vmem>>, vector<16xf32>,
      %get3A_312 = arith.constant 2064 : index
      %get3A_313 = tpu.vector_load %arg6[%get3A_312] {strides = array<i32>} : memref<4320xf32, #tpu.memory_space<vmem>>, vector<16xf32>,
      %get3A_314 = vector.shape_cast %get3A_313 : vector<16xf32> to vector<16xf32>
      %swap3A_315 = arith.constant 5632 : index
      %swap3A_316 = tpu.vector_load %arg5[%swap3A_315] {strides = array<i32>} : memref<21504xf32, #tpu.memory_space<vmem>>, vector<16xf32>,
      %swap3A_317 = vector.shape_cast %swap3A_316 : vector<16xf32> to vector<16xf32>
      %swap3A_318 = vector.shape_cast %get3A_314 : vector<16xf32> to vector<16xf32>
      tpu.vector_store %arg5[%swap3A_315], %swap3A_318 {strides = array<i32>} : memref<21504xf32, #tpu.memory_space<vmem>>, vector<16xf32>,
      %get3A_319 = arith.constant 2080 : index
      %get3A_320 = tpu.vector_load %arg6[%get3A_319] {strides = array<i32>} : memref<4320xf32, #tpu.memory_space<vmem>>, vector<16xf32>,
      %get3A_321 = vector.shape_cast %get3A_320 : vector<16xf32> to vector<16xf32>
      %swap3A_322 = arith.constant 5648 : index
      %swap3A_323 = tpu.vector_load %arg5[%swap3A_322] {strides = array<i32>} : memref<21504xf32, #tpu.memory_space<vmem>>, vector<16xf32>,
      %swap3A_324 = vector.shape_cast %swap3A_323 : vector<16xf32> to vector<16xf32>
      %swap3A_325 = vector.shape_cast %get3A_321 : vector<16xf32> to vector<16xf32>
      tpu.vector_store %arg5[%swap3A_322], %swap3A_325 {strides = array<i32>} : memref<21504xf32, #tpu.memory_space<vmem>>, vector<16xf32>,
      %get3A_326 = arith.constant 2096 : index
      %get3A_327 = tpu.vector_load %arg6[%get3A_326] {strides = array<i32>} : memref<4320xf32, #tpu.memory_space<vmem>>, vector<16xf32>,
      %get3A_328 = vector.shape_cast %get3A_327 : vector<16xf32> to vector<16xf32>
      %swap3A_329 = arith.constant 5664 : index
      %swap3A_330 = tpu.vector_load %arg5[%swap3A_329] {strides = array<i32>} : memref<21504xf32, #tpu.memory_space<vmem>>, vector<16xf32>,
      %swap3A_331 = vector.shape_cast %swap3A_330 : vector<16xf32> to vector<16xf32>
      %swap3A_332 = vector.shape_cast %get3A_328 : vector<16xf32> to vector<16xf32>
      tpu.vector_store %arg5[%swap3A_329], %swap3A_332 {strides = array<i32>} : memref<21504xf32, #tpu.memory_space<vmem>>, vector<16xf32>,
      %get3A_333 = arith.constant 2112 : index
      %get3A_334 = tpu.vector_load %arg6[%get3A_333] {strides = array<i32>} : memref<4320xf32, #tpu.memory_space<vmem>>, vector<16xf32>,
      %get3A_335 = vector.shape_cast %get3A_334 : vector<16xf32> to vector<16xf32>
      %swap3A_336 = arith.constant 5856 : index
      %swap3A_337 = tpu.vector_load %arg5[%swap3A_336] {strides = array<i32>} : memref<21504xf32, #tpu.memory_space<vmem>>, vector<16xf32>,
      %swap3A_338 = vector.shape_cast %swap3A_337 : vector<16xf32> to vector<16xf32>
      %swap3A_339 = vector.shape_cast %get3A_335 : vector<16xf32> to vector<16xf32>
      tpu.vector_store %arg5[%swap3A_336], %swap3A_339 {strides = array<i32>} : memref<21504xf32, #tpu.memory_space<vmem>>, vector<16xf32>,
      %get3A_340 = arith.constant 2128 : index
      %get3A_341 = tpu.vector_load %arg6[%get3A_340] {strides = array<i32>} : memref<4320xf32, #tpu.memory_space<vmem>>, vector<16xf32>,
      %get3A_342 = vector.shape_cast %get3A_341 : vector<16xf32> to vector<16xf32>
      %swap3A_343 = arith.constant 5872 : index
      %swap3A_344 = tpu.vector_load %arg5[%swap3A_343] {strides = array<i32>} : memref<21504xf32, #tpu.memory_space<vmem>>, vector<16xf32>,
      %swap3A_345 = vector.shape_cast %swap3A_344 : vector<16xf32> to vector<16xf32>
      %swap3A_346 = vector.shape_cast %get3A_342 : vector<16xf32> to vector<16xf32>
      tpu.vector_store %arg5[%swap3A_343], %swap3A_346 {strides = array<i32>} : memref<21504xf32, #tpu.memory_space<vmem>>, vector<16xf32>,
      %get3A_347 = arith.constant 2144 : index
      %get3A_348 = tpu.vector_load %arg6[%get3A_347] {strides = array<i32>} : memref<4320xf32, #tpu.memory_space<vmem>>, vector<16xf32>,
      %get3A_349 = vector.shape_cast %get3A_348 : vector<16xf32> to vector<16xf32>
      %swap3A_350 = arith.constant 5888 : index
      %swap3A_351 = tpu.vector_load %arg5[%swap3A_350] {strides = array<i32>} : memref<21504xf32, #tpu.memory_space<vmem>>, vector<16xf32>,
      %swap3A_352 = vector.shape_cast %swap3A_351 : vector<16xf32> to vector<16xf32>
      %swap3A_353 = vector.shape_cast %get3A_349 : vector<16xf32> to vector<16xf32>
      tpu.vector_store %arg5[%swap3A_350], %swap3A_353 {strides = array<i32>} : memref<21504xf32, #tpu.memory_space<vmem>>, vector<16xf32>,
      %get3A_354 = arith.constant 2160 : index
      %get3A_355 = tpu.vector_load %arg6[%get3A_354] {strides = array<i32>} : memref<4320xf32, #tpu.memory_space<vmem>>, vector<16xf32>,
      %get3A_356 = vector.shape_cast %get3A_355 : vector<16xf32> to vector<16xf32>
      %swap3A_357 = arith.constant 6080 : index
      %swap3A_358 = tpu.vector_load %arg5[%swap3A_357] {strides = array<i32>} : memref<21504xf32, #tpu.memory_space<vmem>>, vector<16xf32>,
      %swap3A_359 = vector.shape_cast %swap3A_358 : vector<16xf32> to vector<16xf32>
      %swap3A_360 = vector.shape_cast %get3A_356 : vector<16xf32> to vector<16xf32>
      tpu.vector_store %arg5[%swap3A_357], %swap3A_360 {strides = array<i32>} : memref<21504xf32, #tpu.memory_space<vmem>>, vector<16xf32>,
      %get3A_361 = arith.constant 2176 : index
      %get3A_362 = tpu.vector_load %arg6[%get3A_361] {strides = array<i32>} : memref<4320xf32, #tpu.memory_space<vmem>>, vector<16xf32>,
      %get3A_363 = vector.shape_cast %get3A_362 : vector<16xf32> to vector<16xf32>
      %swap3A_364 = arith.constant 6096 : index
      %swap3A_365 = tpu.vector_load %arg5[%swap3A_364] {strides = array<i32>} : memref<21504xf32, #tpu.memory_space<vmem>>, vector<16xf32>,
      %swap3A_366 = vector.shape_cast %swap3A_365 : vector<16xf32> to vector<16xf32>
      %swap3A_367 = vector.shape_cast %get3A_363 : vector<16xf32> to vector<16xf32>
      tpu.vector_store %arg5[%swap3A_364], %swap3A_367 {strides = array<i32>} : memref<21504xf32, #tpu.memory_space<vmem>>, vector<16xf32>,
      %get3A_368 = arith.constant 2192 : index
      %get3A_369 = tpu.vector_load %arg6[%get3A_368] {strides = array<i32>} : memref<4320xf32, #tpu.memory_space<vmem>>, vector<16xf32>,
      %get3A_370 = vector.shape_cast %get3A_369 : vector<16xf32> to vector<16xf32>
      %swap3A_371 = arith.constant 6112 : index
      %swap3A_372 = tpu.vector_load %arg5[%swap3A_371] {strides = array<i32>} : memref<21504xf32, #tpu.memory_space<vmem>>, vector<16xf32>,
      %swap3A_373 = vector.shape_cast %swap3A_372 : vector<16xf32> to vector<16xf32>
      %swap3A_374 = vector.shape_cast %get3A_370 : vector<16xf32> to vector<16xf32>
      tpu.vector_store %arg5[%swap3A_371], %swap3A_374 {strides = array<i32>} : memref<21504xf32, #tpu.memory_space<vmem>>, vector<16xf32>,
      %get3A_375 = arith.constant 2208 : index
      %get3A_376 = tpu.vector_load %arg6[%get3A_375] {strides = array<i32>} : memref<4320xf32, #tpu.memory_space<vmem>>, vector<16xf32>,
      %get3A_377 = vector.shape_cast %get3A_376 : vector<16xf32> to vector<16xf32>
      %swap3A_378 = arith.constant 6304 : index
      %swap3A_379 = tpu.vector_load %arg5[%swap3A_378] {strides = array<i32>} : memref<21504xf32, #tpu.memory_space<vmem>>, vector<16xf32>,
      %swap3A_380 = vector.shape_cast %swap3A_379 : vector<16xf32> to vector<16xf32>
      %swap3A_381 = vector.shape_cast %get3A_377 : vector<16xf32> to vector<16xf32>
      tpu.vector_store %arg5[%swap3A_378], %swap3A_381 {strides = array<i32>} : memref<21504xf32, #tpu.memory_space<vmem>>, vector<16xf32>,
      %get3A_382 = arith.constant 2224 : index
      %get3A_383 = tpu.vector_load %arg6[%get3A_382] {strides = array<i32>} : memref<4320xf32, #tpu.memory_space<vmem>>, vector<16xf32>,
      %get3A_384 = vector.shape_cast %get3A_383 : vector<16xf32> to vector<16xf32>
      %swap3A_385 = arith.constant 6320 : index
      %swap3A_386 = tpu.vector_load %arg5[%swap3A_385] {strides = array<i32>} : memref<21504xf32, #tpu.memory_space<vmem>>, vector<16xf32>,
      %swap3A_387 = vector.shape_cast %swap3A_386 : vector<16xf32> to vector<16xf32>
      %swap3A_388 = vector.shape_cast %get3A_384 : vector<16xf32> to vector<16xf32>
      tpu.vector_store %arg5[%swap3A_385], %swap3A_388 {strides = array<i32>} : memref<21504xf32, #tpu.memory_space<vmem>>, vector<16xf32>,
      %get3A_389 = arith.constant 2240 : index
      %get3A_390 = tpu.vector_load %arg6[%get3A_389] {strides = array<i32>} : memref<4320xf32, #tpu.memory_space<vmem>>, vector<16xf32>,
      %get3A_391 = vector.shape_cast %get3A_390 : vector<16xf32> to vector<16xf32>
      %swap3A_392 = arith.constant 6336 : index
      %swap3A_393 = tpu.vector_load %arg5[%swap3A_392] {strides = array<i32>} : memref<21504xf32, #tpu.memory_space<vmem>>, vector<16xf32>,
      %swap3A_394 = vector.shape_cast %swap3A_393 : vector<16xf32> to vector<16xf32>
      %swap3A_395 = vector.shape_cast %get3A_391 : vector<16xf32> to vector<16xf32>
      tpu.vector_store %arg5[%swap3A_392], %swap3A_395 {strides = array<i32>} : memref<21504xf32, #tpu.memory_space<vmem>>, vector<16xf32>,
      %get3A_396 = arith.constant 2256 : index
      %get3A_397 = tpu.vector_load %arg6[%get3A_396] {strides = array<i32>} : memref<4320xf32, #tpu.memory_space<vmem>>, vector<16xf32>,
      %get3A_398 = vector.shape_cast %get3A_397 : vector<16xf32> to vector<16xf32>
      %swap3A_399 = arith.constant 6528 : index
      %swap3A_400 = tpu.vector_load %arg5[%swap3A_399] {strides = array<i32>} : memref<21504xf32, #tpu.memory_space<vmem>>, vector<16xf32>,
      %swap3A_401 = vector.shape_cast %swap3A_400 : vector<16xf32> to vector<16xf32>
      %swap3A_402 = vector.shape_cast %get3A_398 : vector<16xf32> to vector<16xf32>
      tpu.vector_store %arg5[%swap3A_399], %swap3A_402 {strides = array<i32>} : memref<21504xf32, #tpu.memory_space<vmem>>, vector<16xf32>,
      %get3A_403 = arith.constant 2272 : index
      %get3A_404 = tpu.vector_load %arg6[%get3A_403] {strides = array<i32>} : memref<4320xf32, #tpu.memory_space<vmem>>, vector<16xf32>,
      %get3A_405 = vector.shape_cast %get3A_404 : vector<16xf32> to vector<16xf32>
      %swap3A_406 = arith.constant 6544 : index
      %swap3A_407 = tpu.vector_load %arg5[%swap3A_406] {strides = array<i32>} : memref<21504xf32, #tpu.memory_space<vmem>>, vector<16xf32>,
      %swap3A_408 = vector.shape_cast %swap3A_407 : vector<16xf32> to vector<16xf32>
      %swap3A_409 = vector.shape_cast %get3A_405 : vector<16xf32> to vector<16xf32>
      tpu.vector_store %arg5[%swap3A_406], %swap3A_409 {strides = array<i32>} : memref<21504xf32, #tpu.memory_space<vmem>>, vector<16xf32>,
      %get3A_410 = arith.constant 2288 : index
      %get3A_411 = tpu.vector_load %arg6[%get3A_410] {strides = array<i32>} : memref<4320xf32, #tpu.memory_space<vmem>>, vector<16xf32>,
      %get3A_412 = vector.shape_cast %get3A_411 : vector<16xf32> to vector<16xf32>
      %swap3A_413 = arith.constant 6560 : index
      %swap3A_414 = tpu.vector_load %arg5[%swap3A_413] {strides = array<i32>} : memref<21504xf32, #tpu.memory_space<vmem>>, vector<16xf32>,
      %swap3A_415 = vector.shape_cast %swap3A_414 : vector<16xf32> to vector<16xf32>
      %swap3A_416 = vector.shape_cast %get3A_412 : vector<16xf32> to vector<16xf32>
      tpu.vector_store %arg5[%swap3A_413], %swap3A_416 {strides = array<i32>} : memref<21504xf32, #tpu.memory_space<vmem>>, vector<16xf32>,
      %get3A_417 = arith.constant 2304 : index
      %get3A_418 = tpu.vector_load %arg6[%get3A_417] {strides = array<i32>} : memref<4320xf32, #tpu.memory_space<vmem>>, vector<16xf32>,
      %get3A_419 = vector.shape_cast %get3A_418 : vector<16xf32> to vector<16xf32>
      %swap3A_420 = arith.constant 6752 : index
      %swap3A_421 = tpu.vector_load %arg5[%swap3A_420] {strides = array<i32>} : memref<21504xf32, #tpu.memory_space<vmem>>, vector<16xf32>,
      %swap3A_422 = vector.shape_cast %swap3A_421 : vector<16xf32> to vector<16xf32>
      %swap3A_423 = vector.shape_cast %get3A_419 : vector<16xf32> to vector<16xf32>
      tpu.vector_store %arg5[%swap3A_420], %swap3A_423 {strides = array<i32>} : memref<21504xf32, #tpu.memory_space<vmem>>, vector<16xf32>,
      %get3A_424 = arith.constant 2320 : index
      %get3A_425 = tpu.vector_load %arg6[%get3A_424] {strides = array<i32>} : memref<4320xf32, #tpu.memory_space<vmem>>, vector<16xf32>,
      %get3A_426 = vector.shape_cast %get3A_425 : vector<16xf32> to vector<16xf32>
      %swap3A_427 = arith.constant 6768 : index
      %swap3A_428 = tpu.vector_load %arg5[%swap3A_427] {strides = array<i32>} : memref<21504xf32, #tpu.memory_space<vmem>>, vector<16xf32>,
      %swap3A_429 = vector.shape_cast %swap3A_428 : vector<16xf32> to vector<16xf32>
      %swap3A_430 = vector.shape_cast %get3A_426 : vector<16xf32> to vector<16xf32>
      tpu.vector_store %arg5[%swap3A_427], %swap3A_430 {strides = array<i32>} : memref<21504xf32, #tpu.memory_space<vmem>>, vector<16xf32>,
      %get3A_431 = arith.constant 2336 : index
      %get3A_432 = tpu.vector_load %arg6[%get3A_431] {strides = array<i32>} : memref<4320xf32, #tpu.memory_space<vmem>>, vector<16xf32>,
      %get3A_433 = vector.shape_cast %get3A_432 : vector<16xf32> to vector<16xf32>
      %swap3A_434 = arith.constant 6784 : index
      %swap3A_435 = tpu.vector_load %arg5[%swap3A_434] {strides = array<i32>} : memref<21504xf32, #tpu.memory_space<vmem>>, vector<16xf32>,
      %swap3A_436 = vector.shape_cast %swap3A_435 : vector<16xf32> to vector<16xf32>
      %swap3A_437 = vector.shape_cast %get3A_433 : vector<16xf32> to vector<16xf32>
      tpu.vector_store %arg5[%swap3A_434], %swap3A_437 {strides = array<i32>} : memref<21504xf32, #tpu.memory_space<vmem>>, vector<16xf32>,
      %get3A_438 = arith.constant 2352 : index
      %get3A_439 = tpu.vector_load %arg6[%get3A_438] {strides = array<i32>} : memref<4320xf32, #tpu.memory_space<vmem>>, vector<16xf32>,
      %get3A_440 = vector.shape_cast %get3A_439 : vector<16xf32> to vector<16xf32>
      %swap3A_441 = arith.constant 6976 : index
      %swap3A_442 = tpu.vector_load %arg5[%swap3A_441] {strides = array<i32>} : memref<21504xf32, #tpu.memory_space<vmem>>, vector<16xf32>,
      %swap3A_443 = vector.shape_cast %swap3A_442 : vector<16xf32> to vector<16xf32>
      %swap3A_444 = vector.shape_cast %get3A_440 : vector<16xf32> to vector<16xf32>
      tpu.vector_store %arg5[%swap3A_441], %swap3A_444 {strides = array<i32>} : memref<21504xf32, #tpu.memory_space<vmem>>, vector<16xf32>,
      %get3A_445 = arith.constant 2368 : index
      %get3A_446 = tpu.vector_load %arg6[%get3A_445] {strides = array<i32>} : memref<4320xf32, #tpu.memory_space<vmem>>, vector<16xf32>,
      %get3A_447 = vector.shape_cast %get3A_446 : vector<16xf32> to vector<16xf32>
      %swap3A_448 = arith.constant 6992 : index
      %swap3A_449 = tpu.vector_load %arg5[%swap3A_448] {strides = array<i32>} : memref<21504xf32, #tpu.memory_space<vmem>>, vector<16xf32>,
      %swap3A_450 = vector.shape_cast %swap3A_449 : vector<16xf32> to vector<16xf32>
      %swap3A_451 = vector.shape_cast %get3A_447 : vector<16xf32> to vector<16xf32>
      tpu.vector_store %arg5[%swap3A_448], %swap3A_451 {strides = array<i32>} : memref<21504xf32, #tpu.memory_space<vmem>>, vector<16xf32>,
      %get3A_452 = arith.constant 2384 : index
      %get3A_453 = tpu.vector_load %arg6[%get3A_452] {strides = array<i32>} : memref<4320xf32, #tpu.memory_space<vmem>>, vector<16xf32>,
      %get3A_454 = vector.shape_cast %get3A_453 : vector<16xf32> to vector<16xf32>
      %swap3A_455 = arith.constant 7008 : index
      %swap3A_456 = tpu.vector_load %arg5[%swap3A_455] {strides = array<i32>} : memref<21504xf32, #tpu.memory_space<vmem>>, vector<16xf32>,
      %swap3A_457 = vector.shape_cast %swap3A_456 : vector<16xf32> to vector<16xf32>
      %swap3A_458 = vector.shape_cast %get3A_454 : vector<16xf32> to vector<16xf32>
      tpu.vector_store %arg5[%swap3A_455], %swap3A_458 {strides = array<i32>} : memref<21504xf32, #tpu.memory_space<vmem>>, vector<16xf32>,
      %get3A_459 = arith.constant 2400 : index
      %get3A_460 = tpu.vector_load %arg6[%get3A_459] {strides = array<i32>} : memref<4320xf32, #tpu.memory_space<vmem>>, vector<16xf32>,
      %get3A_461 = vector.shape_cast %get3A_460 : vector<16xf32> to vector<16xf32>
      %swap3A_462 = arith.constant 7200 : index
      %swap3A_463 = tpu.vector_load %arg5[%swap3A_462] {strides = array<i32>} : memref<21504xf32, #tpu.memory_space<vmem>>, vector<16xf32>,
      %swap3A_464 = vector.shape_cast %swap3A_463 : vector<16xf32> to vector<16xf32>
      %swap3A_465 = vector.shape_cast %get3A_461 : vector<16xf32> to vector<16xf32>
      tpu.vector_store %arg5[%swap3A_462], %swap3A_465 {strides = array<i32>} : memref<21504xf32, #tpu.memory_space<vmem>>, vector<16xf32>,
      %get3A_466 = arith.constant 2416 : index
      %get3A_467 = tpu.vector_load %arg6[%get3A_466] {strides = array<i32>} : memref<4320xf32, #tpu.memory_space<vmem>>, vector<16xf32>,
      %get3A_468 = vector.shape_cast %get3A_467 : vector<16xf32> to vector<16xf32>
      %swap3A_469 = arith.constant 7216 : index
      %swap3A_470 = tpu.vector_load %arg5[%swap3A_469] {strides = array<i32>} : memref<21504xf32, #tpu.memory_space<vmem>>, vector<16xf32>,
      %swap3A_471 = vector.shape_cast %swap3A_470 : vector<16xf32> to vector<16xf32>
      %swap3A_472 = vector.shape_cast %get3A_468 : vector<16xf32> to vector<16xf32>
      tpu.vector_store %arg5[%swap3A_469], %swap3A_472 {strides = array<i32>} : memref<21504xf32, #tpu.memory_space<vmem>>, vector<16xf32>,
      %get3A_473 = arith.constant 2432 : index
      %get3A_474 = tpu.vector_load %arg6[%get3A_473] {strides = array<i32>} : memref<4320xf32, #tpu.memory_space<vmem>>, vector<16xf32>,
      %get3A_475 = vector.shape_cast %get3A_474 : vector<16xf32> to vector<16xf32>
      %swap3A_476 = arith.constant 7232 : index
      %swap3A_477 = tpu.vector_load %arg5[%swap3A_476] {strides = array<i32>} : memref<21504xf32, #tpu.memory_space<vmem>>, vector<16xf32>,
      %swap3A_478 = vector.shape_cast %swap3A_477 : vector<16xf32> to vector<16xf32>
      %swap3A_479 = vector.shape_cast %get3A_475 : vector<16xf32> to vector<16xf32>
      tpu.vector_store %arg5[%swap3A_476], %swap3A_479 {strides = array<i32>} : memref<21504xf32, #tpu.memory_space<vmem>>, vector<16xf32>,
      %get3A_480 = arith.constant 2448 : index
      %get3A_481 = tpu.vector_load %arg6[%get3A_480] {strides = array<i32>} : memref<4320xf32, #tpu.memory_space<vmem>>, vector<16xf32>,
      %get3A_482 = vector.shape_cast %get3A_481 : vector<16xf32> to vector<16xf32>
      %swap3A_483 = arith.constant 7424 : index
      %swap3A_484 = tpu.vector_load %arg5[%swap3A_483] {strides = array<i32>} : memref<21504xf32, #tpu.memory_space<vmem>>, vector<16xf32>,
      %swap3A_485 = vector.shape_cast %swap3A_484 : vector<16xf32> to vector<16xf32>
      %swap3A_486 = vector.shape_cast %get3A_482 : vector<16xf32> to vector<16xf32>
      tpu.vector_store %arg5[%swap3A_483], %swap3A_486 {strides = array<i32>} : memref<21504xf32, #tpu.memory_space<vmem>>, vector<16xf32>,
      %get3A_487 = arith.constant 2464 : index
      %get3A_488 = tpu.vector_load %arg6[%get3A_487] {strides = array<i32>} : memref<4320xf32, #tpu.memory_space<vmem>>, vector<16xf32>,
      %get3A_489 = vector.shape_cast %get3A_488 : vector<16xf32> to vector<16xf32>
      %swap3A_490 = arith.constant 7440 : index
      %swap3A_491 = tpu.vector_load %arg5[%swap3A_490] {strides = array<i32>} : memref<21504xf32, #tpu.memory_space<vmem>>, vector<16xf32>,
      %swap3A_492 = vector.shape_cast %swap3A_491 : vector<16xf32> to vector<16xf32>
      %swap3A_493 = vector.shape_cast %get3A_489 : vector<16xf32> to vector<16xf32>
      tpu.vector_store %arg5[%swap3A_490], %swap3A_493 {strides = array<i32>} : memref<21504xf32, #tpu.memory_space<vmem>>, vector<16xf32>,
      %get3A_494 = arith.constant 2480 : index
      %get3A_495 = tpu.vector_load %arg6[%get3A_494] {strides = array<i32>} : memref<4320xf32, #tpu.memory_space<vmem>>, vector<16xf32>,
      %get3A_496 = vector.shape_cast %get3A_495 : vector<16xf32> to vector<16xf32>
      %swap3A_497 = arith.constant 7456 : index
      %swap3A_498 = tpu.vector_load %arg5[%swap3A_497] {strides = array<i32>} : memref<21504xf32, #tpu.memory_space<vmem>>, vector<16xf32>,
      %swap3A_499 = vector.shape_cast %swap3A_498 : vector<16xf32> to vector<16xf32>
      %swap3A_500 = vector.shape_cast %get3A_496 : vector<16xf32> to vector<16xf32>
      tpu.vector_store %arg5[%swap3A_497], %swap3A_500 {strides = array<i32>} : memref<21504xf32, #tpu.memory_space<vmem>>, vector<16xf32>,
      %get3A_501 = arith.constant 2496 : index
      %get3A_502 = tpu.vector_load %arg6[%get3A_501] {strides = array<i32>} : memref<4320xf32, #tpu.memory_space<vmem>>, vector<16xf32>,
      %get3A_503 = vector.shape_cast %get3A_502 : vector<16xf32> to vector<16xf32>
      %swap3A_504 = arith.constant 7648 : index
      %swap3A_505 = tpu.vector_load %arg5[%swap3A_504] {strides = array<i32>} : memref<21504xf32, #tpu.memory_space<vmem>>, vector<16xf32>,
      %swap3A_506 = vector.shape_cast %swap3A_505 : vector<16xf32> to vector<16xf32>
      %swap3A_507 = vector.shape_cast %get3A_503 : vector<16xf32> to vector<16xf32>
      tpu.vector_store %arg5[%swap3A_504], %swap3A_507 {strides = array<i32>} : memref<21504xf32, #tpu.memory_space<vmem>>, vector<16xf32>,
      %get3A_508 = arith.constant 2512 : index
      %get3A_509 = tpu.vector_load %arg6[%get3A_508] {strides = array<i32>} : memref<4320xf32, #tpu.memory_space<vmem>>, vector<16xf32>,
      %get3A_510 = vector.shape_cast %get3A_509 : vector<16xf32> to vector<16xf32>
      %swap3A_511 = arith.constant 7664 : index
      %swap3A_512 = tpu.vector_load %arg5[%swap3A_511] {strides = array<i32>} : memref<21504xf32, #tpu.memory_space<vmem>>, vector<16xf32>,
      %swap3A_513 = vector.shape_cast %swap3A_512 : vector<16xf32> to vector<16xf32>
      %swap3A_514 = vector.shape_cast %get3A_510 : vector<16xf32> to vector<16xf32>
      tpu.vector_store %arg5[%swap3A_511], %swap3A_514 {strides = array<i32>} : memref<21504xf32, #tpu.memory_space<vmem>>, vector<16xf32>,
      %get3A_515 = arith.constant 2528 : index
      %get3A_516 = tpu.vector_load %arg6[%get3A_515] {strides = array<i32>} : memref<4320xf32, #tpu.memory_space<vmem>>, vector<16xf32>,
      %get3A_517 = vector.shape_cast %get3A_516 : vector<16xf32> to vector<16xf32>
      %swap3A_518 = arith.constant 7680 : index
      %swap3A_519 = tpu.vector_load %arg5[%swap3A_518] {strides = array<i32>} : memref<21504xf32, #tpu.memory_space<vmem>>, vector<16xf32>,
      %swap3A_520 = vector.shape_cast %swap3A_519 : vector<16xf32> to vector<16xf32>
      %swap3A_521 = vector.shape_cast %get3A_517 : vector<16xf32> to vector<16xf32>
      tpu.vector_store %arg5[%swap3A_518], %swap3A_521 {strides = array<i32>} : memref<21504xf32, #tpu.memory_space<vmem>>, vector<16xf32>,
      %get3A_522 = arith.constant 2544 : index
      %get3A_523 = tpu.vector_load %arg6[%get3A_522] {strides = array<i32>} : memref<4320xf32, #tpu.memory_space<vmem>>, vector<16xf32>,
      %get3A_524 = vector.shape_cast %get3A_523 : vector<16xf32> to vector<16xf32>
      %swap3A_525 = arith.constant 7872 : index
      %swap3A_526 = tpu.vector_load %arg5[%swap3A_525] {strides = array<i32>} : memref<21504xf32, #tpu.memory_space<vmem>>, vector<16xf32>,
      %swap3A_527 = vector.shape_cast %swap3A_526 : vector<16xf32> to vector<16xf32>
      %swap3A_528 = vector.shape_cast %get3A_524 : vector<16xf32> to vector<16xf32>
      tpu.vector_store %arg5[%swap3A_525], %swap3A_528 {strides = array<i32>} : memref<21504xf32, #tpu.memory_space<vmem>>, vector<16xf32>,
      %get3A_529 = arith.constant 2560 : index
      %get3A_530 = tpu.vector_load %arg6[%get3A_529] {strides = array<i32>} : memref<4320xf32, #tpu.memory_space<vmem>>, vector<16xf32>,
      %get3A_531 = vector.shape_cast %get3A_530 : vector<16xf32> to vector<16xf32>
      %swap3A_532 = arith.constant 7888 : index
      %swap3A_533 = tpu.vector_load %arg5[%swap3A_532] {strides = array<i32>} : memref<21504xf32, #tpu.memory_space<vmem>>, vector<16xf32>,
      %swap3A_534 = vector.shape_cast %swap3A_533 : vector<16xf32> to vector<16xf32>
      %swap3A_535 = vector.shape_cast %get3A_531 : vector<16xf32> to vector<16xf32>
      tpu.vector_store %arg5[%swap3A_532], %swap3A_535 {strides = array<i32>} : memref<21504xf32, #tpu.memory_space<vmem>>, vector<16xf32>,
      %get3A_536 = arith.constant 2576 : index
      %get3A_537 = tpu.vector_load %arg6[%get3A_536] {strides = array<i32>} : memref<4320xf32, #tpu.memory_space<vmem>>, vector<16xf32>,
      %get3A_538 = vector.shape_cast %get3A_537 : vector<16xf32> to vector<16xf32>
      %swap3A_539 = arith.constant 7904 : index
      %swap3A_540 = tpu.vector_load %arg5[%swap3A_539] {strides = array<i32>} : memref<21504xf32, #tpu.memory_space<vmem>>, vector<16xf32>,
      %swap3A_541 = vector.shape_cast %swap3A_540 : vector<16xf32> to vector<16xf32>
      %swap3A_542 = vector.shape_cast %get3A_538 : vector<16xf32> to vector<16xf32>
      tpu.vector_store %arg5[%swap3A_539], %swap3A_542 {strides = array<i32>} : memref<21504xf32, #tpu.memory_space<vmem>>, vector<16xf32>,
      %get3A_543 = arith.constant 2592 : index
      %get3A_544 = tpu.vector_load %arg6[%get3A_543] {strides = array<i32>} : memref<4320xf32, #tpu.memory_space<vmem>>, vector<16xf32>,
      %get3A_545 = vector.shape_cast %get3A_544 : vector<16xf32> to vector<16xf32>
      %swap3A_546 = arith.constant 8096 : index
      %swap3A_547 = tpu.vector_load %arg5[%swap3A_546] {strides = array<i32>} : memref<21504xf32, #tpu.memory_space<vmem>>, vector<16xf32>,
      %swap3A_548 = vector.shape_cast %swap3A_547 : vector<16xf32> to vector<16xf32>
      %swap3A_549 = vector.shape_cast %get3A_545 : vector<16xf32> to vector<16xf32>
      tpu.vector_store %arg5[%swap3A_546], %swap3A_549 {strides = array<i32>} : memref<21504xf32, #tpu.memory_space<vmem>>, vector<16xf32>,
      %get3A_550 = arith.constant 2608 : index
      %get3A_551 = tpu.vector_load %arg6[%get3A_550] {strides = array<i32>} : memref<4320xf32, #tpu.memory_space<vmem>>, vector<16xf32>,
      %get3A_552 = vector.shape_cast %get3A_551 : vector<16xf32> to vector<16xf32>
      %swap3A_553 = arith.constant 8112 : index
      %swap3A_554 = tpu.vector_load %arg5[%swap3A_553] {strides = array<i32>} : memref<21504xf32, #tpu.memory_space<vmem>>, vector<16xf32>,
      %swap3A_555 = vector.shape_cast %swap3A_554 : vector<16xf32> to vector<16xf32>
      %swap3A_556 = vector.shape_cast %get3A_552 : vector<16xf32> to vector<16xf32>
      tpu.vector_store %arg5[%swap3A_553], %swap3A_556 {strides = array<i32>} : memref<21504xf32, #tpu.memory_space<vmem>>, vector<16xf32>,
      %get3A_557 = arith.constant 2624 : index
      %get3A_558 = tpu.vector_load %arg6[%get3A_557] {strides = array<i32>} : memref<4320xf32, #tpu.memory_space<vmem>>, vector<16xf32>,
      %get3A_559 = vector.shape_cast %get3A_558 : vector<16xf32> to vector<16xf32>
      %swap3A_560 = arith.constant 8128 : index
      %swap3A_561 = tpu.vector_load %arg5[%swap3A_560] {strides = array<i32>} : memref<21504xf32, #tpu.memory_space<vmem>>, vector<16xf32>,
      %swap3A_562 = vector.shape_cast %swap3A_561 : vector<16xf32> to vector<16xf32>
      %swap3A_563 = vector.shape_cast %get3A_559 : vector<16xf32> to vector<16xf32>
      tpu.vector_store %arg5[%swap3A_560], %swap3A_563 {strides = array<i32>} : memref<21504xf32, #tpu.memory_space<vmem>>, vector<16xf32>,
      %get3A_564 = arith.constant 2640 : index
      %get3A_565 = tpu.vector_load %arg6[%get3A_564] {strides = array<i32>} : memref<4320xf32, #tpu.memory_space<vmem>>, vector<16xf32>,
      %get3A_566 = vector.shape_cast %get3A_565 : vector<16xf32> to vector<16xf32>
      %swap3A_567 = arith.constant 8320 : index
      %swap3A_568 = tpu.vector_load %arg5[%swap3A_567] {strides = array<i32>} : memref<21504xf32, #tpu.memory_space<vmem>>, vector<16xf32>,
      %swap3A_569 = vector.shape_cast %swap3A_568 : vector<16xf32> to vector<16xf32>
      %swap3A_570 = vector.shape_cast %get3A_566 : vector<16xf32> to vector<16xf32>
      tpu.vector_store %arg5[%swap3A_567], %swap3A_570 {strides = array<i32>} : memref<21504xf32, #tpu.memory_space<vmem>>, vector<16xf32>,
      %get3A_571 = arith.constant 2656 : index
      %get3A_572 = tpu.vector_load %arg6[%get3A_571] {strides = array<i32>} : memref<4320xf32, #tpu.memory_space<vmem>>, vector<16xf32>,
      %get3A_573 = vector.shape_cast %get3A_572 : vector<16xf32> to vector<16xf32>
      %swap3A_574 = arith.constant 8336 : index
      %swap3A_575 = tpu.vector_load %arg5[%swap3A_574] {strides = array<i32>} : memref<21504xf32, #tpu.memory_space<vmem>>, vector<16xf32>,
      %swap3A_576 = vector.shape_cast %swap3A_575 : vector<16xf32> to vector<16xf32>
      %swap3A_577 = vector.shape_cast %get3A_573 : vector<16xf32> to vector<16xf32>
      tpu.vector_store %arg5[%swap3A_574], %swap3A_577 {strides = array<i32>} : memref<21504xf32, #tpu.memory_space<vmem>>, vector<16xf32>,
      %get3A_578 = arith.constant 2672 : index
      %get3A_579 = tpu.vector_load %arg6[%get3A_578] {strides = array<i32>} : memref<4320xf32, #tpu.memory_space<vmem>>, vector<16xf32>,
      %get3A_580 = vector.shape_cast %get3A_579 : vector<16xf32> to vector<16xf32>
      %swap3A_581 = arith.constant 8352 : index
      %swap3A_582 = tpu.vector_load %arg5[%swap3A_581] {strides = array<i32>} : memref<21504xf32, #tpu.memory_space<vmem>>, vector<16xf32>,
      %swap3A_583 = vector.shape_cast %swap3A_582 : vector<16xf32> to vector<16xf32>
      %swap3A_584 = vector.shape_cast %get3A_580 : vector<16xf32> to vector<16xf32>
      tpu.vector_store %arg5[%swap3A_581], %swap3A_584 {strides = array<i32>} : memref<21504xf32, #tpu.memory_space<vmem>>, vector<16xf32>,
      %get3A_585 = arith.constant 2688 : index
      %get3A_586 = tpu.vector_load %arg6[%get3A_585] {strides = array<i32>} : memref<4320xf32, #tpu.memory_space<vmem>>, vector<16xf32>,
      %get3A_587 = vector.shape_cast %get3A_586 : vector<16xf32> to vector<16xf32>
      %swap3A_588 = arith.constant 8544 : index
      %swap3A_589 = tpu.vector_load %arg5[%swap3A_588] {strides = array<i32>} : memref<21504xf32, #tpu.memory_space<vmem>>, vector<16xf32>,
      %swap3A_590 = vector.shape_cast %swap3A_589 : vector<16xf32> to vector<16xf32>
      %swap3A_591 = vector.shape_cast %get3A_587 : vector<16xf32> to vector<16xf32>
      tpu.vector_store %arg5[%swap3A_588], %swap3A_591 {strides = array<i32>} : memref<21504xf32, #tpu.memory_space<vmem>>, vector<16xf32>,
      %get3A_592 = arith.constant 2704 : index
      %get3A_593 = tpu.vector_load %arg6[%get3A_592] {strides = array<i32>} : memref<4320xf32, #tpu.memory_space<vmem>>, vector<16xf32>,
      %get3A_594 = vector.shape_cast %get3A_593 : vector<16xf32> to vector<16xf32>
      %swap3A_595 = arith.constant 8560 : index
      %swap3A_596 = tpu.vector_load %arg5[%swap3A_595] {strides = array<i32>} : memref<21504xf32, #tpu.memory_space<vmem>>, vector<16xf32>,
      %swap3A_597 = vector.shape_cast %swap3A_596 : vector<16xf32> to vector<16xf32>
      %swap3A_598 = vector.shape_cast %get3A_594 : vector<16xf32> to vector<16xf32>
      tpu.vector_store %arg5[%swap3A_595], %swap3A_598 {strides = array<i32>} : memref<21504xf32, #tpu.memory_space<vmem>>, vector<16xf32>,
      %get3A_599 = arith.constant 2720 : index
      %get3A_600 = tpu.vector_load %arg6[%get3A_599] {strides = array<i32>} : memref<4320xf32, #tpu.memory_space<vmem>>, vector<16xf32>,
      %get3A_601 = vector.shape_cast %get3A_600 : vector<16xf32> to vector<16xf32>
      %swap3A_602 = arith.constant 8576 : index
      %swap3A_603 = tpu.vector_load %arg5[%swap3A_602] {strides = array<i32>} : memref<21504xf32, #tpu.memory_space<vmem>>, vector<16xf32>,
      %swap3A_604 = vector.shape_cast %swap3A_603 : vector<16xf32> to vector<16xf32>
      %swap3A_605 = vector.shape_cast %get3A_601 : vector<16xf32> to vector<16xf32>
      tpu.vector_store %arg5[%swap3A_602], %swap3A_605 {strides = array<i32>} : memref<21504xf32, #tpu.memory_space<vmem>>, vector<16xf32>,
      %get3A_606 = arith.constant 2736 : index
      %get3A_607 = tpu.vector_load %arg6[%get3A_606] {strides = array<i32>} : memref<4320xf32, #tpu.memory_space<vmem>>, vector<16xf32>,
      %get3A_608 = vector.shape_cast %get3A_607 : vector<16xf32> to vector<16xf32>
      %swap3A_609 = arith.constant 8768 : index
      %swap3A_610 = tpu.vector_load %arg5[%swap3A_609] {strides = array<i32>} : memref<21504xf32, #tpu.memory_space<vmem>>, vector<16xf32>,
      %swap3A_611 = vector.shape_cast %swap3A_610 : vector<16xf32> to vector<16xf32>
      %swap3A_612 = vector.shape_cast %get3A_608 : vector<16xf32> to vector<16xf32>
      tpu.vector_store %arg5[%swap3A_609], %swap3A_612 {strides = array<i32>} : memref<21504xf32, #tpu.memory_space<vmem>>, vector<16xf32>,
      %get3A_613 = arith.constant 2752 : index
      %get3A_614 = tpu.vector_load %arg6[%get3A_613] {strides = array<i32>} : memref<4320xf32, #tpu.memory_space<vmem>>, vector<16xf32>,
      %get3A_615 = vector.shape_cast %get3A_614 : vector<16xf32> to vector<16xf32>
      %swap3A_616 = arith.constant 8784 : index
      %swap3A_617 = tpu.vector_load %arg5[%swap3A_616] {strides = array<i32>} : memref<21504xf32, #tpu.memory_space<vmem>>, vector<16xf32>,
      %swap3A_618 = vector.shape_cast %swap3A_617 : vector<16xf32> to vector<16xf32>
      %swap3A_619 = vector.shape_cast %get3A_615 : vector<16xf32> to vector<16xf32>
      tpu.vector_store %arg5[%swap3A_616], %swap3A_619 {strides = array<i32>} : memref<21504xf32, #tpu.memory_space<vmem>>, vector<16xf32>,
      %get3A_620 = arith.constant 2768 : index
      %get3A_621 = tpu.vector_load %arg6[%get3A_620] {strides = array<i32>} : memref<4320xf32, #tpu.memory_space<vmem>>, vector<16xf32>,
      %get3A_622 = vector.shape_cast %get3A_621 : vector<16xf32> to vector<16xf32>
      %swap3A_623 = arith.constant 8800 : index
      %swap3A_624 = tpu.vector_load %arg5[%swap3A_623] {strides = array<i32>} : memref<21504xf32, #tpu.memory_space<vmem>>, vector<16xf32>,
      %swap3A_625 = vector.shape_cast %swap3A_624 : vector<16xf32> to vector<16xf32>
      %swap3A_626 = vector.shape_cast %get3A_622 : vector<16xf32> to vector<16xf32>
      tpu.vector_store %arg5[%swap3A_623], %swap3A_626 {strides = array<i32>} : memref<21504xf32, #tpu.memory_space<vmem>>, vector<16xf32>,
      %get3A_627 = arith.constant 2784 : index
      %get3A_628 = tpu.vector_load %arg6[%get3A_627] {strides = array<i32>} : memref<4320xf32, #tpu.memory_space<vmem>>, vector<16xf32>,
      %get3A_629 = vector.shape_cast %get3A_628 : vector<16xf32> to vector<16xf32>
      %swap3A_630 = arith.constant 8992 : index
      %swap3A_631 = tpu.vector_load %arg5[%swap3A_630] {strides = array<i32>} : memref<21504xf32, #tpu.memory_space<vmem>>, vector<16xf32>,
      %swap3A_632 = vector.shape_cast %swap3A_631 : vector<16xf32> to vector<16xf32>
      %swap3A_633 = vector.shape_cast %get3A_629 : vector<16xf32> to vector<16xf32>
      tpu.vector_store %arg5[%swap3A_630], %swap3A_633 {strides = array<i32>} : memref<21504xf32, #tpu.memory_space<vmem>>, vector<16xf32>,
      %get3A_634 = arith.constant 2800 : index
      %get3A_635 = tpu.vector_load %arg6[%get3A_634] {strides = array<i32>} : memref<4320xf32, #tpu.memory_space<vmem>>, vector<16xf32>,
      %get3A_636 = vector.shape_cast %get3A_635 : vector<16xf32> to vector<16xf32>
      %swap3A_637 = arith.constant 9008 : index
      %swap3A_638 = tpu.vector_load %arg5[%swap3A_637] {strides = array<i32>} : memref<21504xf32, #tpu.memory_space<vmem>>, vector<16xf32>,
      %swap3A_639 = vector.shape_cast %swap3A_638 : vector<16xf32> to vector<16xf32>
      %swap3A_640 = vector.shape_cast %get3A_636 : vector<16xf32> to vector<16xf32>
      tpu.vector_store %arg5[%swap3A_637], %swap3A_640 {strides = array<i32>} : memref<21504xf32, #tpu.memory_space<vmem>>, vector<16xf32>,
      %get3A_641 = arith.constant 2816 : index
      %get3A_642 = tpu.vector_load %arg6[%get3A_641] {strides = array<i32>} : memref<4320xf32, #tpu.memory_space<vmem>>, vector<16xf32>,
      %get3A_643 = vector.shape_cast %get3A_642 : vector<16xf32> to vector<16xf32>
      %swap3A_644 = arith.constant 9024 : index
      %swap3A_645 = tpu.vector_load %arg5[%swap3A_644] {strides = array<i32>} : memref<21504xf32, #tpu.memory_space<vmem>>, vector<16xf32>,
      %swap3A_646 = vector.shape_cast %swap3A_645 : vector<16xf32> to vector<16xf32>
      %swap3A_647 = vector.shape_cast %get3A_643 : vector<16xf32> to vector<16xf32>
      tpu.vector_store %arg5[%swap3A_644], %swap3A_647 {strides = array<i32>} : memref<21504xf32, #tpu.memory_space<vmem>>, vector<16xf32>,
      %get3A_648 = arith.constant 2832 : index
      %get3A_649 = tpu.vector_load %arg6[%get3A_648] {strides = array<i32>} : memref<4320xf32, #tpu.memory_space<vmem>>, vector<16xf32>,
      %get3A_650 = vector.shape_cast %get3A_649 : vector<16xf32> to vector<16xf32>
      %swap3A_651 = arith.constant 9216 : index
      %swap3A_652 = tpu.vector_load %arg5[%swap3A_651] {strides = array<i32>} : memref<21504xf32, #tpu.memory_space<vmem>>, vector<16xf32>,
      %swap3A_653 = vector.shape_cast %swap3A_652 : vector<16xf32> to vector<16xf32>
      %swap3A_654 = vector.shape_cast %get3A_650 : vector<16xf32> to vector<16xf32>
      tpu.vector_store %arg5[%swap3A_651], %swap3A_654 {strides = array<i32>} : memref<21504xf32, #tpu.memory_space<vmem>>, vector<16xf32>,
      %get3A_655 = arith.constant 2848 : index
      %get3A_656 = tpu.vector_load %arg6[%get3A_655] {strides = array<i32>} : memref<4320xf32, #tpu.memory_space<vmem>>, vector<16xf32>,
      %get3A_657 = vector.shape_cast %get3A_656 : vector<16xf32> to vector<16xf32>
      %swap3A_658 = arith.constant 9232 : index
      %swap3A_659 = tpu.vector_load %arg5[%swap3A_658] {strides = array<i32>} : memref<21504xf32, #tpu.memory_space<vmem>>, vector<16xf32>,
      %swap3A_660 = vector.shape_cast %swap3A_659 : vector<16xf32> to vector<16xf32>
      %swap3A_661 = vector.shape_cast %get3A_657 : vector<16xf32> to vector<16xf32>
      tpu.vector_store %arg5[%swap3A_658], %swap3A_661 {strides = array<i32>} : memref<21504xf32, #tpu.memory_space<vmem>>, vector<16xf32>,
      %get3A_662 = arith.constant 2864 : index
      %get3A_663 = tpu.vector_load %arg6[%get3A_662] {strides = array<i32>} : memref<4320xf32, #tpu.memory_space<vmem>>, vector<16xf32>,
      %get3A_664 = vector.shape_cast %get3A_663 : vector<16xf32> to vector<16xf32>
      %swap3A_665 = arith.constant 9248 : index
      %swap3A_666 = tpu.vector_load %arg5[%swap3A_665] {strides = array<i32>} : memref<21504xf32, #tpu.memory_space<vmem>>, vector<16xf32>,
      %swap3A_667 = vector.shape_cast %swap3A_666 : vector<16xf32> to vector<16xf32>
      %swap3A_668 = vector.shape_cast %get3A_664 : vector<16xf32> to vector<16xf32>
      tpu.vector_store %arg5[%swap3A_665], %swap3A_668 {strides = array<i32>} : memref<21504xf32, #tpu.memory_space<vmem>>, vector<16xf32>,
      %dma_start3A_669 = arith.constant 2 : i32
      %dma_start3A_670 = arith.constant 86016 : i32
      %dma_start3A_671 = tpu.memref_slice %arg4[%dma_start3A_670] : memref<150528xf32, #tpu.memory_space<hbm>> -> memref<21504xf32, #tpu.memory_space<hbm>>
      %dma_start3A_672 = tpu.memref_slice %arg7[%dma_start3A_669] : memref<3x!tpu.dma_semaphore, #tpu.memory_space<semaphore_mem>> -> memref<1x!tpu.dma_semaphore, #tpu.memory_space<semaphore_mem>>
      %dma_start3A_673 = tpu.memref_squeeze %dma_start3A_672 : memref<1x!tpu.dma_semaphore, #tpu.memory_space<semaphore_mem>> -> memref<!tpu.dma_semaphore, #tpu.memory_space<semaphore_mem>>
      %dma_start3A_674 = arith.constant 86016 : i32
      %dma_start3A_675 = tpu.memref_slice %arg4[%dma_start3A_674] : memref<150528xf32, #tpu.memory_space<hbm>> -> memref<21504xf32, #tpu.memory_space<hbm>>
      tpu.enqueue_dma source(%arg5 : memref<21504xf32, #tpu.memory_space<vmem>>) target(%dma_start3A_675 : memref<21504xf32, #tpu.memory_space<hbm>>) target_semaphore(%dma_start3A_673 : memref<!tpu.dma_semaphore, #tpu.memory_space<semaphore_mem>>)
      %dma_wait3A_676 = arith.constant 2 : i32
      %dma_wait3A_677 = arith.constant 86016 : i32
      %dma_wait3A_678 = tpu.memref_slice %arg4[%dma_wait3A_677] : memref<150528xf32, #tpu.memory_space<hbm>> -> memref<21504xf32, #tpu.memory_space<hbm>>
      %dma_wait3A_679 = tpu.memref_slice %arg7[%dma_wait3A_676] : memref<3x!tpu.dma_semaphore, #tpu.memory_space<semaphore_mem>> -> memref<1x!tpu.dma_semaphore, #tpu.memory_space<semaphore_mem>>
      %dma_wait3A_680 = tpu.memref_squeeze %dma_wait3A_679 : memref<1x!tpu.dma_semaphore, #tpu.memory_space<semaphore_mem>> -> memref<!tpu.dma_semaphore, #tpu.memory_space<semaphore_mem>>
      %dma_wait3A_681 = arith.constant 86016 : i32
      %dma_wait3A_682 = tpu.memref_slice %arg4[%dma_wait3A_681] : memref<150528xf32, #tpu.memory_space<hbm>> -> memref<21504xf32, #tpu.memory_space<hbm>>
      tpu.wait_dma2 semaphore(%dma_wait3A_680 : memref<!tpu.dma_semaphore, #tpu.memory_space<semaphore_mem>>) src(%arg5 : memref<21504xf32, #tpu.memory_space<vmem>>) dst(%dma_wait3A_682 : memref<21504xf32, #tpu.memory_space<hbm>>)
    } else {
    }
    %eq3A_27 = arith.constant 5 : i32
    %eq3A_28 = arith.cmpi eq, %add3A, %eq3A_27 : i32
    %convert_element_type3A_29 = arith.extui %eq3A_28 : i1 to i32
    %cond3A_30 = arith.constant 0 : i32
    %cond3A_31 = arith.cmpi ne, %convert_element_type3A_29, %cond3A_30 : i32
    scf.if %cond3A_31 {
      %dma_start3A = arith.constant 1 : i32
      %dma_start3A_37 = tpu.memref_slice %arg7[%dma_start3A] : memref<3x!tpu.dma_semaphore, #tpu.memory_space<semaphore_mem>> -> memref<1x!tpu.dma_semaphore, #tpu.memory_space<semaphore_mem>>
      %dma_start3A_38 = tpu.memref_squeeze %dma_start3A_37 : memref<1x!tpu.dma_semaphore, #tpu.memory_space<semaphore_mem>> -> memref<!tpu.dma_semaphore, #tpu.memory_space<semaphore_mem>>
      tpu.enqueue_dma source(%arg3 : memref<21504xf32, #tpu.memory_space<hbm>>) target(%arg5 : memref<21504xf32, #tpu.memory_space<vmem>>) target_semaphore(%dma_start3A_38 : memref<!tpu.dma_semaphore, #tpu.memory_space<semaphore_mem>>)
      %dma_wait3A = arith.constant 1 : i32
      %dma_wait3A_39 = tpu.memref_slice %arg7[%dma_wait3A] : memref<3x!tpu.dma_semaphore, #tpu.memory_space<semaphore_mem>> -> memref<1x!tpu.dma_semaphore, #tpu.memory_space<semaphore_mem>>
      %dma_wait3A_40 = tpu.memref_squeeze %dma_wait3A_39 : memref<1x!tpu.dma_semaphore, #tpu.memory_space<semaphore_mem>> -> memref<!tpu.dma_semaphore, #tpu.memory_space<semaphore_mem>>
      tpu.wait_dma2 semaphore(%dma_wait3A_40 : memref<!tpu.dma_semaphore, #tpu.memory_space<semaphore_mem>>) src(%arg3 : memref<21504xf32, #tpu.memory_space<hbm>>) dst(%arg5 : memref<21504xf32, #tpu.memory_space<vmem>>)
      %dma_start3A_41 = arith.constant 2 : i32
      %dma_start3A_42 = arith.constant 107520 : i32
      %dma_start3A_43 = tpu.memref_slice %arg4[%dma_start3A_42] : memref<150528xf32, #tpu.memory_space<hbm>> -> memref<21504xf32, #tpu.memory_space<hbm>>
      %dma_start3A_44 = tpu.memref_slice %arg7[%dma_start3A_41] : memref<3x!tpu.dma_semaphore, #tpu.memory_space<semaphore_mem>> -> memref<1x!tpu.dma_semaphore, #tpu.memory_space<semaphore_mem>>
      %dma_start3A_45 = tpu.memref_squeeze %dma_start3A_44 : memref<1x!tpu.dma_semaphore, #tpu.memory_space<semaphore_mem>> -> memref<!tpu.dma_semaphore, #tpu.memory_space<semaphore_mem>>
      %dma_start3A_46 = arith.constant 107520 : i32
      %dma_start3A_47 = tpu.memref_slice %arg4[%dma_start3A_46] : memref<150528xf32, #tpu.memory_space<hbm>> -> memref<21504xf32, #tpu.memory_space<hbm>>
      tpu.enqueue_dma source(%arg5 : memref<21504xf32, #tpu.memory_space<vmem>>) target(%dma_start3A_47 : memref<21504xf32, #tpu.memory_space<hbm>>) target_semaphore(%dma_start3A_45 : memref<!tpu.dma_semaphore, #tpu.memory_space<semaphore_mem>>)
      %dma_wait3A_48 = arith.constant 2 : i32
      %dma_wait3A_49 = arith.constant 107520 : i32
      %dma_wait3A_50 = tpu.memref_slice %arg4[%dma_wait3A_49] : memref<150528xf32, #tpu.memory_space<hbm>> -> memref<21504xf32, #tpu.memory_space<hbm>>
      %dma_wait3A_51 = tpu.memref_slice %arg7[%dma_wait3A_48] : memref<3x!tpu.dma_semaphore, #tpu.memory_space<semaphore_mem>> -> memref<1x!tpu.dma_semaphore, #tpu.memory_space<semaphore_mem>>
      %dma_wait3A_52 = tpu.memref_squeeze %dma_wait3A_51 : memref<1x!tpu.dma_semaphore, #tpu.memory_space<semaphore_mem>> -> memref<!tpu.dma_semaphore, #tpu.memory_space<semaphore_mem>>
      %dma_wait3A_53 = arith.constant 107520 : i32
      %dma_wait3A_54 = tpu.memref_slice %arg4[%dma_wait3A_53] : memref<150528xf32, #tpu.memory_space<hbm>> -> memref<21504xf32, #tpu.memory_space<hbm>>
      tpu.wait_dma2 semaphore(%dma_wait3A_52 : memref<!tpu.dma_semaphore, #tpu.memory_space<semaphore_mem>>) src(%arg5 : memref<21504xf32, #tpu.memory_space<vmem>>) dst(%dma_wait3A_54 : memref<21504xf32, #tpu.memory_space<hbm>>)
    } else {
    }
    %eq3A_32 = arith.constant 6 : i32
    %eq3A_33 = arith.cmpi eq, %add3A, %eq3A_32 : i32
    %convert_element_type3A_34 = arith.extui %eq3A_33 : i1 to i32
    %cond3A_35 = arith.constant 0 : i32
    %cond3A_36 = arith.cmpi ne, %convert_element_type3A_34, %cond3A_35 : i32
    scf.if %cond3A_36 {
      %dma_start3A = arith.constant 1 : i32
      %dma_start3A_37 = tpu.memref_slice %arg7[%dma_start3A] : memref<3x!tpu.dma_semaphore, #tpu.memory_space<semaphore_mem>> -> memref<1x!tpu.dma_semaphore, #tpu.memory_space<semaphore_mem>>
      %dma_start3A_38 = tpu.memref_squeeze %dma_start3A_37 : memref<1x!tpu.dma_semaphore, #tpu.memory_space<semaphore_mem>> -> memref<!tpu.dma_semaphore, #tpu.memory_space<semaphore_mem>>
      tpu.enqueue_dma source(%arg3 : memref<21504xf32, #tpu.memory_space<hbm>>) target(%arg5 : memref<21504xf32, #tpu.memory_space<vmem>>) target_semaphore(%dma_start3A_38 : memref<!tpu.dma_semaphore, #tpu.memory_space<semaphore_mem>>)
      %dma_wait3A = arith.constant 1 : i32
      %dma_wait3A_39 = tpu.memref_slice %arg7[%dma_wait3A] : memref<3x!tpu.dma_semaphore, #tpu.memory_space<semaphore_mem>> -> memref<1x!tpu.dma_semaphore, #tpu.memory_space<semaphore_mem>>
      %dma_wait3A_40 = tpu.memref_squeeze %dma_wait3A_39 : memref<1x!tpu.dma_semaphore, #tpu.memory_space<semaphore_mem>> -> memref<!tpu.dma_semaphore, #tpu.memory_space<semaphore_mem>>
      tpu.wait_dma2 semaphore(%dma_wait3A_40 : memref<!tpu.dma_semaphore, #tpu.memory_space<semaphore_mem>>) src(%arg3 : memref<21504xf32, #tpu.memory_space<hbm>>) dst(%arg5 : memref<21504xf32, #tpu.memory_space<vmem>>)
      %get3A = arith.constant 2880 : index
      %get3A_41 = tpu.vector_load %arg6[%get3A] {strides = array<i32>} : memref<4320xf32, #tpu.memory_space<vmem>>, vector<16xf32>,
      %get3A_42 = vector.shape_cast %get3A_41 : vector<16xf32> to vector<16xf32>
      %swap3A = arith.constant 9888 : index
      %swap3A_43 = tpu.vector_load %arg5[%swap3A] {strides = array<i32>} : memref<21504xf32, #tpu.memory_space<vmem>>, vector<16xf32>,
      %swap3A_44 = vector.shape_cast %swap3A_43 : vector<16xf32> to vector<16xf32>
      %swap3A_45 = vector.shape_cast %get3A_42 : vector<16xf32> to vector<16xf32>
      tpu.vector_store %arg5[%swap3A], %swap3A_45 {strides = array<i32>} : memref<21504xf32, #tpu.memory_space<vmem>>, vector<16xf32>,
      %get3A_46 = arith.constant 2896 : index
      %get3A_47 = tpu.vector_load %arg6[%get3A_46] {strides = array<i32>} : memref<4320xf32, #tpu.memory_space<vmem>>, vector<16xf32>,
      %get3A_48 = vector.shape_cast %get3A_47 : vector<16xf32> to vector<16xf32>
      %swap3A_49 = arith.constant 9904 : index
      %swap3A_50 = tpu.vector_load %arg5[%swap3A_49] {strides = array<i32>} : memref<21504xf32, #tpu.memory_space<vmem>>, vector<16xf32>,
      %swap3A_51 = vector.shape_cast %swap3A_50 : vector<16xf32> to vector<16xf32>
      %swap3A_52 = vector.shape_cast %get3A_48 : vector<16xf32> to vector<16xf32>
      tpu.vector_store %arg5[%swap3A_49], %swap3A_52 {strides = array<i32>} : memref<21504xf32, #tpu.memory_space<vmem>>, vector<16xf32>,
      %get3A_53 = arith.constant 2912 : index
      %get3A_54 = tpu.vector_load %arg6[%get3A_53] {strides = array<i32>} : memref<4320xf32, #tpu.memory_space<vmem>>, vector<16xf32>,
      %get3A_55 = vector.shape_cast %get3A_54 : vector<16xf32> to vector<16xf32>
      %swap3A_56 = arith.constant 9920 : index
      %swap3A_57 = tpu.vector_load %arg5[%swap3A_56] {strides = array<i32>} : memref<21504xf32, #tpu.memory_space<vmem>>, vector<16xf32>,
      %swap3A_58 = vector.shape_cast %swap3A_57 : vector<16xf32> to vector<16xf32>
      %swap3A_59 = vector.shape_cast %get3A_55 : vector<16xf32> to vector<16xf32>
      tpu.vector_store %arg5[%swap3A_56], %swap3A_59 {strides = array<i32>} : memref<21504xf32, #tpu.memory_space<vmem>>, vector<16xf32>,
      %get3A_60 = arith.constant 2928 : index
      %get3A_61 = tpu.vector_load %arg6[%get3A_60] {strides = array<i32>} : memref<4320xf32, #tpu.memory_space<vmem>>, vector<16xf32>,
      %get3A_62 = vector.shape_cast %get3A_61 : vector<16xf32> to vector<16xf32>
      %swap3A_63 = arith.constant 10112 : index
      %swap3A_64 = tpu.vector_load %arg5[%swap3A_63] {strides = array<i32>} : memref<21504xf32, #tpu.memory_space<vmem>>, vector<16xf32>,
      %swap3A_65 = vector.shape_cast %swap3A_64 : vector<16xf32> to vector<16xf32>
      %swap3A_66 = vector.shape_cast %get3A_62 : vector<16xf32> to vector<16xf32>
      tpu.vector_store %arg5[%swap3A_63], %swap3A_66 {strides = array<i32>} : memref<21504xf32, #tpu.memory_space<vmem>>, vector<16xf32>,
      %get3A_67 = arith.constant 2944 : index
      %get3A_68 = tpu.vector_load %arg6[%get3A_67] {strides = array<i32>} : memref<4320xf32, #tpu.memory_space<vmem>>, vector<16xf32>,
      %get3A_69 = vector.shape_cast %get3A_68 : vector<16xf32> to vector<16xf32>
      %swap3A_70 = arith.constant 10128 : index
      %swap3A_71 = tpu.vector_load %arg5[%swap3A_70] {strides = array<i32>} : memref<21504xf32, #tpu.memory_space<vmem>>, vector<16xf32>,
      %swap3A_72 = vector.shape_cast %swap3A_71 : vector<16xf32> to vector<16xf32>
      %swap3A_73 = vector.shape_cast %get3A_69 : vector<16xf32> to vector<16xf32>
      tpu.vector_store %arg5[%swap3A_70], %swap3A_73 {strides = array<i32>} : memref<21504xf32, #tpu.memory_space<vmem>>, vector<16xf32>,
      %get3A_74 = arith.constant 2960 : index
      %get3A_75 = tpu.vector_load %arg6[%get3A_74] {strides = array<i32>} : memref<4320xf32, #tpu.memory_space<vmem>>, vector<16xf32>,
      %get3A_76 = vector.shape_cast %get3A_75 : vector<16xf32> to vector<16xf32>
      %swap3A_77 = arith.constant 10144 : index
      %swap3A_78 = tpu.vector_load %arg5[%swap3A_77] {strides = array<i32>} : memref<21504xf32, #tpu.memory_space<vmem>>, vector<16xf32>,
      %swap3A_79 = vector.shape_cast %swap3A_78 : vector<16xf32> to vector<16xf32>
      %swap3A_80 = vector.shape_cast %get3A_76 : vector<16xf32> to vector<16xf32>
      tpu.vector_store %arg5[%swap3A_77], %swap3A_80 {strides = array<i32>} : memref<21504xf32, #tpu.memory_space<vmem>>, vector<16xf32>,
      %get3A_81 = arith.constant 2976 : index
      %get3A_82 = tpu.vector_load %arg6[%get3A_81] {strides = array<i32>} : memref<4320xf32, #tpu.memory_space<vmem>>, vector<16xf32>,
      %get3A_83 = vector.shape_cast %get3A_82 : vector<16xf32> to vector<16xf32>
      %swap3A_84 = arith.constant 10336 : index
      %swap3A_85 = tpu.vector_load %arg5[%swap3A_84] {strides = array<i32>} : memref<21504xf32, #tpu.memory_space<vmem>>, vector<16xf32>,
      %swap3A_86 = vector.shape_cast %swap3A_85 : vector<16xf32> to vector<16xf32>
      %swap3A_87 = vector.shape_cast %get3A_83 : vector<16xf32> to vector<16xf32>
      tpu.vector_store %arg5[%swap3A_84], %swap3A_87 {strides = array<i32>} : memref<21504xf32, #tpu.memory_space<vmem>>, vector<16xf32>,
      %get3A_88 = arith.constant 2992 : index
      %get3A_89 = tpu.vector_load %arg6[%get3A_88] {strides = array<i32>} : memref<4320xf32, #tpu.memory_space<vmem>>, vector<16xf32>,
      %get3A_90 = vector.shape_cast %get3A_89 : vector<16xf32> to vector<16xf32>
      %swap3A_91 = arith.constant 10352 : index
      %swap3A_92 = tpu.vector_load %arg5[%swap3A_91] {strides = array<i32>} : memref<21504xf32, #tpu.memory_space<vmem>>, vector<16xf32>,
      %swap3A_93 = vector.shape_cast %swap3A_92 : vector<16xf32> to vector<16xf32>
      %swap3A_94 = vector.shape_cast %get3A_90 : vector<16xf32> to vector<16xf32>
      tpu.vector_store %arg5[%swap3A_91], %swap3A_94 {strides = array<i32>} : memref<21504xf32, #tpu.memory_space<vmem>>, vector<16xf32>,
      %get3A_95 = arith.constant 3008 : index
      %get3A_96 = tpu.vector_load %arg6[%get3A_95] {strides = array<i32>} : memref<4320xf32, #tpu.memory_space<vmem>>, vector<16xf32>,
      %get3A_97 = vector.shape_cast %get3A_96 : vector<16xf32> to vector<16xf32>
      %swap3A_98 = arith.constant 10368 : index
      %swap3A_99 = tpu.vector_load %arg5[%swap3A_98] {strides = array<i32>} : memref<21504xf32, #tpu.memory_space<vmem>>, vector<16xf32>,
      %swap3A_100 = vector.shape_cast %swap3A_99 : vector<16xf32> to vector<16xf32>
      %swap3A_101 = vector.shape_cast %get3A_97 : vector<16xf32> to vector<16xf32>
      tpu.vector_store %arg5[%swap3A_98], %swap3A_101 {strides = array<i32>} : memref<21504xf32, #tpu.memory_space<vmem>>, vector<16xf32>,
      %get3A_102 = arith.constant 3024 : index
      %get3A_103 = tpu.vector_load %arg6[%get3A_102] {strides = array<i32>} : memref<4320xf32, #tpu.memory_space<vmem>>, vector<16xf32>,
      %get3A_104 = vector.shape_cast %get3A_103 : vector<16xf32> to vector<16xf32>
      %swap3A_105 = arith.constant 10560 : index
      %swap3A_106 = tpu.vector_load %arg5[%swap3A_105] {strides = array<i32>} : memref<21504xf32, #tpu.memory_space<vmem>>, vector<16xf32>,
      %swap3A_107 = vector.shape_cast %swap3A_106 : vector<16xf32> to vector<16xf32>
      %swap3A_108 = vector.shape_cast %get3A_104 : vector<16xf32> to vector<16xf32>
      tpu.vector_store %arg5[%swap3A_105], %swap3A_108 {strides = array<i32>} : memref<21504xf32, #tpu.memory_space<vmem>>, vector<16xf32>,
      %get3A_109 = arith.constant 3040 : index
      %get3A_110 = tpu.vector_load %arg6[%get3A_109] {strides = array<i32>} : memref<4320xf32, #tpu.memory_space<vmem>>, vector<16xf32>,
      %get3A_111 = vector.shape_cast %get3A_110 : vector<16xf32> to vector<16xf32>
      %swap3A_112 = arith.constant 10576 : index
      %swap3A_113 = tpu.vector_load %arg5[%swap3A_112] {strides = array<i32>} : memref<21504xf32, #tpu.memory_space<vmem>>, vector<16xf32>,
      %swap3A_114 = vector.shape_cast %swap3A_113 : vector<16xf32> to vector<16xf32>
      %swap3A_115 = vector.shape_cast %get3A_111 : vector<16xf32> to vector<16xf32>
      tpu.vector_store %arg5[%swap3A_112], %swap3A_115 {strides = array<i32>} : memref<21504xf32, #tpu.memory_space<vmem>>, vector<16xf32>,
      %get3A_116 = arith.constant 3056 : index
      %get3A_117 = tpu.vector_load %arg6[%get3A_116] {strides = array<i32>} : memref<4320xf32, #tpu.memory_space<vmem>>, vector<16xf32>,
      %get3A_118 = vector.shape_cast %get3A_117 : vector<16xf32> to vector<16xf32>
      %swap3A_119 = arith.constant 10592 : index
      %swap3A_120 = tpu.vector_load %arg5[%swap3A_119] {strides = array<i32>} : memref<21504xf32, #tpu.memory_space<vmem>>, vector<16xf32>,
      %swap3A_121 = vector.shape_cast %swap3A_120 : vector<16xf32> to vector<16xf32>
      %swap3A_122 = vector.shape_cast %get3A_118 : vector<16xf32> to vector<16xf32>
      tpu.vector_store %arg5[%swap3A_119], %swap3A_122 {strides = array<i32>} : memref<21504xf32, #tpu.memory_space<vmem>>, vector<16xf32>,
      %get3A_123 = arith.constant 3072 : index
      %get3A_124 = tpu.vector_load %arg6[%get3A_123] {strides = array<i32>} : memref<4320xf32, #tpu.memory_space<vmem>>, vector<16xf32>,
      %get3A_125 = vector.shape_cast %get3A_124 : vector<16xf32> to vector<16xf32>
      %swap3A_126 = arith.constant 10784 : index
      %swap3A_127 = tpu.vector_load %arg5[%swap3A_126] {strides = array<i32>} : memref<21504xf32, #tpu.memory_space<vmem>>, vector<16xf32>,
      %swap3A_128 = vector.shape_cast %swap3A_127 : vector<16xf32> to vector<16xf32>
      %swap3A_129 = vector.shape_cast %get3A_125 : vector<16xf32> to vector<16xf32>
      tpu.vector_store %arg5[%swap3A_126], %swap3A_129 {strides = array<i32>} : memref<21504xf32, #tpu.memory_space<vmem>>, vector<16xf32>,
      %get3A_130 = arith.constant 3088 : index
      %get3A_131 = tpu.vector_load %arg6[%get3A_130] {strides = array<i32>} : memref<4320xf32, #tpu.memory_space<vmem>>, vector<16xf32>,
      %get3A_132 = vector.shape_cast %get3A_131 : vector<16xf32> to vector<16xf32>
      %swap3A_133 = arith.constant 10800 : index
      %swap3A_134 = tpu.vector_load %arg5[%swap3A_133] {strides = array<i32>} : memref<21504xf32, #tpu.memory_space<vmem>>, vector<16xf32>,
      %swap3A_135 = vector.shape_cast %swap3A_134 : vector<16xf32> to vector<16xf32>
      %swap3A_136 = vector.shape_cast %get3A_132 : vector<16xf32> to vector<16xf32>
      tpu.vector_store %arg5[%swap3A_133], %swap3A_136 {strides = array<i32>} : memref<21504xf32, #tpu.memory_space<vmem>>, vector<16xf32>,
      %get3A_137 = arith.constant 3104 : index
      %get3A_138 = tpu.vector_load %arg6[%get3A_137] {strides = array<i32>} : memref<4320xf32, #tpu.memory_space<vmem>>, vector<16xf32>,
      %get3A_139 = vector.shape_cast %get3A_138 : vector<16xf32> to vector<16xf32>
      %swap3A_140 = arith.constant 10816 : index
      %swap3A_141 = tpu.vector_load %arg5[%swap3A_140] {strides = array<i32>} : memref<21504xf32, #tpu.memory_space<vmem>>, vector<16xf32>,
      %swap3A_142 = vector.shape_cast %swap3A_141 : vector<16xf32> to vector<16xf32>
      %swap3A_143 = vector.shape_cast %get3A_139 : vector<16xf32> to vector<16xf32>
      tpu.vector_store %arg5[%swap3A_140], %swap3A_143 {strides = array<i32>} : memref<21504xf32, #tpu.memory_space<vmem>>, vector<16xf32>,
      %get3A_144 = arith.constant 3120 : index
      %get3A_145 = tpu.vector_load %arg6[%get3A_144] {strides = array<i32>} : memref<4320xf32, #tpu.memory_space<vmem>>, vector<16xf32>,
      %get3A_146 = vector.shape_cast %get3A_145 : vector<16xf32> to vector<16xf32>
      %swap3A_147 = arith.constant 11008 : index
      %swap3A_148 = tpu.vector_load %arg5[%swap3A_147] {strides = array<i32>} : memref<21504xf32, #tpu.memory_space<vmem>>, vector<16xf32>,
      %swap3A_149 = vector.shape_cast %swap3A_148 : vector<16xf32> to vector<16xf32>
      %swap3A_150 = vector.shape_cast %get3A_146 : vector<16xf32> to vector<16xf32>
      tpu.vector_store %arg5[%swap3A_147], %swap3A_150 {strides = array<i32>} : memref<21504xf32, #tpu.memory_space<vmem>>, vector<16xf32>,
      %get3A_151 = arith.constant 3136 : index
      %get3A_152 = tpu.vector_load %arg6[%get3A_151] {strides = array<i32>} : memref<4320xf32, #tpu.memory_space<vmem>>, vector<16xf32>,
      %get3A_153 = vector.shape_cast %get3A_152 : vector<16xf32> to vector<16xf32>
      %swap3A_154 = arith.constant 11024 : index
      %swap3A_155 = tpu.vector_load %arg5[%swap3A_154] {strides = array<i32>} : memref<21504xf32, #tpu.memory_space<vmem>>, vector<16xf32>,
      %swap3A_156 = vector.shape_cast %swap3A_155 : vector<16xf32> to vector<16xf32>
      %swap3A_157 = vector.shape_cast %get3A_153 : vector<16xf32> to vector<16xf32>
      tpu.vector_store %arg5[%swap3A_154], %swap3A_157 {strides = array<i32>} : memref<21504xf32, #tpu.memory_space<vmem>>, vector<16xf32>,
      %get3A_158 = arith.constant 3152 : index
      %get3A_159 = tpu.vector_load %arg6[%get3A_158] {strides = array<i32>} : memref<4320xf32, #tpu.memory_space<vmem>>, vector<16xf32>,
      %get3A_160 = vector.shape_cast %get3A_159 : vector<16xf32> to vector<16xf32>
      %swap3A_161 = arith.constant 11040 : index
      %swap3A_162 = tpu.vector_load %arg5[%swap3A_161] {strides = array<i32>} : memref<21504xf32, #tpu.memory_space<vmem>>, vector<16xf32>,
      %swap3A_163 = vector.shape_cast %swap3A_162 : vector<16xf32> to vector<16xf32>
      %swap3A_164 = vector.shape_cast %get3A_160 : vector<16xf32> to vector<16xf32>
      tpu.vector_store %arg5[%swap3A_161], %swap3A_164 {strides = array<i32>} : memref<21504xf32, #tpu.memory_space<vmem>>, vector<16xf32>,
      %get3A_165 = arith.constant 3168 : index
      %get3A_166 = tpu.vector_load %arg6[%get3A_165] {strides = array<i32>} : memref<4320xf32, #tpu.memory_space<vmem>>, vector<16xf32>,
      %get3A_167 = vector.shape_cast %get3A_166 : vector<16xf32> to vector<16xf32>
      %swap3A_168 = arith.constant 11232 : index
      %swap3A_169 = tpu.vector_load %arg5[%swap3A_168] {strides = array<i32>} : memref<21504xf32, #tpu.memory_space<vmem>>, vector<16xf32>,
      %swap3A_170 = vector.shape_cast %swap3A_169 : vector<16xf32> to vector<16xf32>
      %swap3A_171 = vector.shape_cast %get3A_167 : vector<16xf32> to vector<16xf32>
      tpu.vector_store %arg5[%swap3A_168], %swap3A_171 {strides = array<i32>} : memref<21504xf32, #tpu.memory_space<vmem>>, vector<16xf32>,
      %get3A_172 = arith.constant 3184 : index
      %get3A_173 = tpu.vector_load %arg6[%get3A_172] {strides = array<i32>} : memref<4320xf32, #tpu.memory_space<vmem>>, vector<16xf32>,
      %get3A_174 = vector.shape_cast %get3A_173 : vector<16xf32> to vector<16xf32>
      %swap3A_175 = arith.constant 11248 : index
      %swap3A_176 = tpu.vector_load %arg5[%swap3A_175] {strides = array<i32>} : memref<21504xf32, #tpu.memory_space<vmem>>, vector<16xf32>,
      %swap3A_177 = vector.shape_cast %swap3A_176 : vector<16xf32> to vector<16xf32>
      %swap3A_178 = vector.shape_cast %get3A_174 : vector<16xf32> to vector<16xf32>
      tpu.vector_store %arg5[%swap3A_175], %swap3A_178 {strides = array<i32>} : memref<21504xf32, #tpu.memory_space<vmem>>, vector<16xf32>,
      %get3A_179 = arith.constant 3200 : index
      %get3A_180 = tpu.vector_load %arg6[%get3A_179] {strides = array<i32>} : memref<4320xf32, #tpu.memory_space<vmem>>, vector<16xf32>,
      %get3A_181 = vector.shape_cast %get3A_180 : vector<16xf32> to vector<16xf32>
      %swap3A_182 = arith.constant 11264 : index
      %swap3A_183 = tpu.vector_load %arg5[%swap3A_182] {strides = array<i32>} : memref<21504xf32, #tpu.memory_space<vmem>>, vector<16xf32>,
      %swap3A_184 = vector.shape_cast %swap3A_183 : vector<16xf32> to vector<16xf32>
      %swap3A_185 = vector.shape_cast %get3A_181 : vector<16xf32> to vector<16xf32>
      tpu.vector_store %arg5[%swap3A_182], %swap3A_185 {strides = array<i32>} : memref<21504xf32, #tpu.memory_space<vmem>>, vector<16xf32>,
      %get3A_186 = arith.constant 3216 : index
      %get3A_187 = tpu.vector_load %arg6[%get3A_186] {strides = array<i32>} : memref<4320xf32, #tpu.memory_space<vmem>>, vector<16xf32>,
      %get3A_188 = vector.shape_cast %get3A_187 : vector<16xf32> to vector<16xf32>
      %swap3A_189 = arith.constant 11456 : index
      %swap3A_190 = tpu.vector_load %arg5[%swap3A_189] {strides = array<i32>} : memref<21504xf32, #tpu.memory_space<vmem>>, vector<16xf32>,
      %swap3A_191 = vector.shape_cast %swap3A_190 : vector<16xf32> to vector<16xf32>
      %swap3A_192 = vector.shape_cast %get3A_188 : vector<16xf32> to vector<16xf32>
      tpu.vector_store %arg5[%swap3A_189], %swap3A_192 {strides = array<i32>} : memref<21504xf32, #tpu.memory_space<vmem>>, vector<16xf32>,
      %get3A_193 = arith.constant 3232 : index
      %get3A_194 = tpu.vector_load %arg6[%get3A_193] {strides = array<i32>} : memref<4320xf32, #tpu.memory_space<vmem>>, vector<16xf32>,
      %get3A_195 = vector.shape_cast %get3A_194 : vector<16xf32> to vector<16xf32>
      %swap3A_196 = arith.constant 11472 : index
      %swap3A_197 = tpu.vector_load %arg5[%swap3A_196] {strides = array<i32>} : memref<21504xf32, #tpu.memory_space<vmem>>, vector<16xf32>,
      %swap3A_198 = vector.shape_cast %swap3A_197 : vector<16xf32> to vector<16xf32>
      %swap3A_199 = vector.shape_cast %get3A_195 : vector<16xf32> to vector<16xf32>
      tpu.vector_store %arg5[%swap3A_196], %swap3A_199 {strides = array<i32>} : memref<21504xf32, #tpu.memory_space<vmem>>, vector<16xf32>,
      %get3A_200 = arith.constant 3248 : index
      %get3A_201 = tpu.vector_load %arg6[%get3A_200] {strides = array<i32>} : memref<4320xf32, #tpu.memory_space<vmem>>, vector<16xf32>,
      %get3A_202 = vector.shape_cast %get3A_201 : vector<16xf32> to vector<16xf32>
      %swap3A_203 = arith.constant 11488 : index
      %swap3A_204 = tpu.vector_load %arg5[%swap3A_203] {strides = array<i32>} : memref<21504xf32, #tpu.memory_space<vmem>>, vector<16xf32>,
      %swap3A_205 = vector.shape_cast %swap3A_204 : vector<16xf32> to vector<16xf32>
      %swap3A_206 = vector.shape_cast %get3A_202 : vector<16xf32> to vector<16xf32>
      tpu.vector_store %arg5[%swap3A_203], %swap3A_206 {strides = array<i32>} : memref<21504xf32, #tpu.memory_space<vmem>>, vector<16xf32>,
      %get3A_207 = arith.constant 3264 : index
      %get3A_208 = tpu.vector_load %arg6[%get3A_207] {strides = array<i32>} : memref<4320xf32, #tpu.memory_space<vmem>>, vector<16xf32>,
      %get3A_209 = vector.shape_cast %get3A_208 : vector<16xf32> to vector<16xf32>
      %swap3A_210 = arith.constant 11680 : index
      %swap3A_211 = tpu.vector_load %arg5[%swap3A_210] {strides = array<i32>} : memref<21504xf32, #tpu.memory_space<vmem>>, vector<16xf32>,
      %swap3A_212 = vector.shape_cast %swap3A_211 : vector<16xf32> to vector<16xf32>
      %swap3A_213 = vector.shape_cast %get3A_209 : vector<16xf32> to vector<16xf32>
      tpu.vector_store %arg5[%swap3A_210], %swap3A_213 {strides = array<i32>} : memref<21504xf32, #tpu.memory_space<vmem>>, vector<16xf32>,
      %get3A_214 = arith.constant 3280 : index
      %get3A_215 = tpu.vector_load %arg6[%get3A_214] {strides = array<i32>} : memref<4320xf32, #tpu.memory_space<vmem>>, vector<16xf32>,
      %get3A_216 = vector.shape_cast %get3A_215 : vector<16xf32> to vector<16xf32>
      %swap3A_217 = arith.constant 11696 : index
      %swap3A_218 = tpu.vector_load %arg5[%swap3A_217] {strides = array<i32>} : memref<21504xf32, #tpu.memory_space<vmem>>, vector<16xf32>,
      %swap3A_219 = vector.shape_cast %swap3A_218 : vector<16xf32> to vector<16xf32>
      %swap3A_220 = vector.shape_cast %get3A_216 : vector<16xf32> to vector<16xf32>
      tpu.vector_store %arg5[%swap3A_217], %swap3A_220 {strides = array<i32>} : memref<21504xf32, #tpu.memory_space<vmem>>, vector<16xf32>,
      %get3A_221 = arith.constant 3296 : index
      %get3A_222 = tpu.vector_load %arg6[%get3A_221] {strides = array<i32>} : memref<4320xf32, #tpu.memory_space<vmem>>, vector<16xf32>,
      %get3A_223 = vector.shape_cast %get3A_222 : vector<16xf32> to vector<16xf32>
      %swap3A_224 = arith.constant 11712 : index
      %swap3A_225 = tpu.vector_load %arg5[%swap3A_224] {strides = array<i32>} : memref<21504xf32, #tpu.memory_space<vmem>>, vector<16xf32>,
      %swap3A_226 = vector.shape_cast %swap3A_225 : vector<16xf32> to vector<16xf32>
      %swap3A_227 = vector.shape_cast %get3A_223 : vector<16xf32> to vector<16xf32>
      tpu.vector_store %arg5[%swap3A_224], %swap3A_227 {strides = array<i32>} : memref<21504xf32, #tpu.memory_space<vmem>>, vector<16xf32>,
      %get3A_228 = arith.constant 3312 : index
      %get3A_229 = tpu.vector_load %arg6[%get3A_228] {strides = array<i32>} : memref<4320xf32, #tpu.memory_space<vmem>>, vector<16xf32>,
      %get3A_230 = vector.shape_cast %get3A_229 : vector<16xf32> to vector<16xf32>
      %swap3A_231 = arith.constant 11904 : index
      %swap3A_232 = tpu.vector_load %arg5[%swap3A_231] {strides = array<i32>} : memref<21504xf32, #tpu.memory_space<vmem>>, vector<16xf32>,
      %swap3A_233 = vector.shape_cast %swap3A_232 : vector<16xf32> to vector<16xf32>
      %swap3A_234 = vector.shape_cast %get3A_230 : vector<16xf32> to vector<16xf32>
      tpu.vector_store %arg5[%swap3A_231], %swap3A_234 {strides = array<i32>} : memref<21504xf32, #tpu.memory_space<vmem>>, vector<16xf32>,
      %get3A_235 = arith.constant 3328 : index
      %get3A_236 = tpu.vector_load %arg6[%get3A_235] {strides = array<i32>} : memref<4320xf32, #tpu.memory_space<vmem>>, vector<16xf32>,
      %get3A_237 = vector.shape_cast %get3A_236 : vector<16xf32> to vector<16xf32>
      %swap3A_238 = arith.constant 11920 : index
      %swap3A_239 = tpu.vector_load %arg5[%swap3A_238] {strides = array<i32>} : memref<21504xf32, #tpu.memory_space<vmem>>, vector<16xf32>,
      %swap3A_240 = vector.shape_cast %swap3A_239 : vector<16xf32> to vector<16xf32>
      %swap3A_241 = vector.shape_cast %get3A_237 : vector<16xf32> to vector<16xf32>
      tpu.vector_store %arg5[%swap3A_238], %swap3A_241 {strides = array<i32>} : memref<21504xf32, #tpu.memory_space<vmem>>, vector<16xf32>,
      %get3A_242 = arith.constant 3344 : index
      %get3A_243 = tpu.vector_load %arg6[%get3A_242] {strides = array<i32>} : memref<4320xf32, #tpu.memory_space<vmem>>, vector<16xf32>,
      %get3A_244 = vector.shape_cast %get3A_243 : vector<16xf32> to vector<16xf32>
      %swap3A_245 = arith.constant 11936 : index
      %swap3A_246 = tpu.vector_load %arg5[%swap3A_245] {strides = array<i32>} : memref<21504xf32, #tpu.memory_space<vmem>>, vector<16xf32>,
      %swap3A_247 = vector.shape_cast %swap3A_246 : vector<16xf32> to vector<16xf32>
      %swap3A_248 = vector.shape_cast %get3A_244 : vector<16xf32> to vector<16xf32>
      tpu.vector_store %arg5[%swap3A_245], %swap3A_248 {strides = array<i32>} : memref<21504xf32, #tpu.memory_space<vmem>>, vector<16xf32>,
      %get3A_249 = arith.constant 3360 : index
      %get3A_250 = tpu.vector_load %arg6[%get3A_249] {strides = array<i32>} : memref<4320xf32, #tpu.memory_space<vmem>>, vector<16xf32>,
      %get3A_251 = vector.shape_cast %get3A_250 : vector<16xf32> to vector<16xf32>
      %swap3A_252 = arith.constant 12128 : index
      %swap3A_253 = tpu.vector_load %arg5[%swap3A_252] {strides = array<i32>} : memref<21504xf32, #tpu.memory_space<vmem>>, vector<16xf32>,
      %swap3A_254 = vector.shape_cast %swap3A_253 : vector<16xf32> to vector<16xf32>
      %swap3A_255 = vector.shape_cast %get3A_251 : vector<16xf32> to vector<16xf32>
      tpu.vector_store %arg5[%swap3A_252], %swap3A_255 {strides = array<i32>} : memref<21504xf32, #tpu.memory_space<vmem>>, vector<16xf32>,
      %get3A_256 = arith.constant 3376 : index
      %get3A_257 = tpu.vector_load %arg6[%get3A_256] {strides = array<i32>} : memref<4320xf32, #tpu.memory_space<vmem>>, vector<16xf32>,
      %get3A_258 = vector.shape_cast %get3A_257 : vector<16xf32> to vector<16xf32>
      %swap3A_259 = arith.constant 12144 : index
      %swap3A_260 = tpu.vector_load %arg5[%swap3A_259] {strides = array<i32>} : memref<21504xf32, #tpu.memory_space<vmem>>, vector<16xf32>,
      %swap3A_261 = vector.shape_cast %swap3A_260 : vector<16xf32> to vector<16xf32>
      %swap3A_262 = vector.shape_cast %get3A_258 : vector<16xf32> to vector<16xf32>
      tpu.vector_store %arg5[%swap3A_259], %swap3A_262 {strides = array<i32>} : memref<21504xf32, #tpu.memory_space<vmem>>, vector<16xf32>,
      %get3A_263 = arith.constant 3392 : index
      %get3A_264 = tpu.vector_load %arg6[%get3A_263] {strides = array<i32>} : memref<4320xf32, #tpu.memory_space<vmem>>, vector<16xf32>,
      %get3A_265 = vector.shape_cast %get3A_264 : vector<16xf32> to vector<16xf32>
      %swap3A_266 = arith.constant 12160 : index
      %swap3A_267 = tpu.vector_load %arg5[%swap3A_266] {strides = array<i32>} : memref<21504xf32, #tpu.memory_space<vmem>>, vector<16xf32>,
      %swap3A_268 = vector.shape_cast %swap3A_267 : vector<16xf32> to vector<16xf32>
      %swap3A_269 = vector.shape_cast %get3A_265 : vector<16xf32> to vector<16xf32>
      tpu.vector_store %arg5[%swap3A_266], %swap3A_269 {strides = array<i32>} : memref<21504xf32, #tpu.memory_space<vmem>>, vector<16xf32>,
      %get3A_270 = arith.constant 3408 : index
      %get3A_271 = tpu.vector_load %arg6[%get3A_270] {strides = array<i32>} : memref<4320xf32, #tpu.memory_space<vmem>>, vector<16xf32>,
      %get3A_272 = vector.shape_cast %get3A_271 : vector<16xf32> to vector<16xf32>
      %swap3A_273 = arith.constant 12352 : index
      %swap3A_274 = tpu.vector_load %arg5[%swap3A_273] {strides = array<i32>} : memref<21504xf32, #tpu.memory_space<vmem>>, vector<16xf32>,
      %swap3A_275 = vector.shape_cast %swap3A_274 : vector<16xf32> to vector<16xf32>
      %swap3A_276 = vector.shape_cast %get3A_272 : vector<16xf32> to vector<16xf32>
      tpu.vector_store %arg5[%swap3A_273], %swap3A_276 {strides = array<i32>} : memref<21504xf32, #tpu.memory_space<vmem>>, vector<16xf32>,
      %get3A_277 = arith.constant 3424 : index
      %get3A_278 = tpu.vector_load %arg6[%get3A_277] {strides = array<i32>} : memref<4320xf32, #tpu.memory_space<vmem>>, vector<16xf32>,
      %get3A_279 = vector.shape_cast %get3A_278 : vector<16xf32> to vector<16xf32>
      %swap3A_280 = arith.constant 12368 : index
      %swap3A_281 = tpu.vector_load %arg5[%swap3A_280] {strides = array<i32>} : memref<21504xf32, #tpu.memory_space<vmem>>, vector<16xf32>,
      %swap3A_282 = vector.shape_cast %swap3A_281 : vector<16xf32> to vector<16xf32>
      %swap3A_283 = vector.shape_cast %get3A_279 : vector<16xf32> to vector<16xf32>
      tpu.vector_store %arg5[%swap3A_280], %swap3A_283 {strides = array<i32>} : memref<21504xf32, #tpu.memory_space<vmem>>, vector<16xf32>,
      %get3A_284 = arith.constant 3440 : index
      %get3A_285 = tpu.vector_load %arg6[%get3A_284] {strides = array<i32>} : memref<4320xf32, #tpu.memory_space<vmem>>, vector<16xf32>,
      %get3A_286 = vector.shape_cast %get3A_285 : vector<16xf32> to vector<16xf32>
      %swap3A_287 = arith.constant 12384 : index
      %swap3A_288 = tpu.vector_load %arg5[%swap3A_287] {strides = array<i32>} : memref<21504xf32, #tpu.memory_space<vmem>>, vector<16xf32>,
      %swap3A_289 = vector.shape_cast %swap3A_288 : vector<16xf32> to vector<16xf32>
      %swap3A_290 = vector.shape_cast %get3A_286 : vector<16xf32> to vector<16xf32>
      tpu.vector_store %arg5[%swap3A_287], %swap3A_290 {strides = array<i32>} : memref<21504xf32, #tpu.memory_space<vmem>>, vector<16xf32>,
      %get3A_291 = arith.constant 3456 : index
      %get3A_292 = tpu.vector_load %arg6[%get3A_291] {strides = array<i32>} : memref<4320xf32, #tpu.memory_space<vmem>>, vector<16xf32>,
      %get3A_293 = vector.shape_cast %get3A_292 : vector<16xf32> to vector<16xf32>
      %swap3A_294 = arith.constant 12576 : index
      %swap3A_295 = tpu.vector_load %arg5[%swap3A_294] {strides = array<i32>} : memref<21504xf32, #tpu.memory_space<vmem>>, vector<16xf32>,
      %swap3A_296 = vector.shape_cast %swap3A_295 : vector<16xf32> to vector<16xf32>
      %swap3A_297 = vector.shape_cast %get3A_293 : vector<16xf32> to vector<16xf32>
      tpu.vector_store %arg5[%swap3A_294], %swap3A_297 {strides = array<i32>} : memref<21504xf32, #tpu.memory_space<vmem>>, vector<16xf32>,
      %get3A_298 = arith.constant 3472 : index
      %get3A_299 = tpu.vector_load %arg6[%get3A_298] {strides = array<i32>} : memref<4320xf32, #tpu.memory_space<vmem>>, vector<16xf32>,
      %get3A_300 = vector.shape_cast %get3A_299 : vector<16xf32> to vector<16xf32>
      %swap3A_301 = arith.constant 12592 : index
      %swap3A_302 = tpu.vector_load %arg5[%swap3A_301] {strides = array<i32>} : memref<21504xf32, #tpu.memory_space<vmem>>, vector<16xf32>,
      %swap3A_303 = vector.shape_cast %swap3A_302 : vector<16xf32> to vector<16xf32>
      %swap3A_304 = vector.shape_cast %get3A_300 : vector<16xf32> to vector<16xf32>
      tpu.vector_store %arg5[%swap3A_301], %swap3A_304 {strides = array<i32>} : memref<21504xf32, #tpu.memory_space<vmem>>, vector<16xf32>,
      %get3A_305 = arith.constant 3488 : index
      %get3A_306 = tpu.vector_load %arg6[%get3A_305] {strides = array<i32>} : memref<4320xf32, #tpu.memory_space<vmem>>, vector<16xf32>,
      %get3A_307 = vector.shape_cast %get3A_306 : vector<16xf32> to vector<16xf32>
      %swap3A_308 = arith.constant 12608 : index
      %swap3A_309 = tpu.vector_load %arg5[%swap3A_308] {strides = array<i32>} : memref<21504xf32, #tpu.memory_space<vmem>>, vector<16xf32>,
      %swap3A_310 = vector.shape_cast %swap3A_309 : vector<16xf32> to vector<16xf32>
      %swap3A_311 = vector.shape_cast %get3A_307 : vector<16xf32> to vector<16xf32>
      tpu.vector_store %arg5[%swap3A_308], %swap3A_311 {strides = array<i32>} : memref<21504xf32, #tpu.memory_space<vmem>>, vector<16xf32>,
      %get3A_312 = arith.constant 3504 : index
      %get3A_313 = tpu.vector_load %arg6[%get3A_312] {strides = array<i32>} : memref<4320xf32, #tpu.memory_space<vmem>>, vector<16xf32>,
      %get3A_314 = vector.shape_cast %get3A_313 : vector<16xf32> to vector<16xf32>
      %swap3A_315 = arith.constant 12800 : index
      %swap3A_316 = tpu.vector_load %arg5[%swap3A_315] {strides = array<i32>} : memref<21504xf32, #tpu.memory_space<vmem>>, vector<16xf32>,
      %swap3A_317 = vector.shape_cast %swap3A_316 : vector<16xf32> to vector<16xf32>
      %swap3A_318 = vector.shape_cast %get3A_314 : vector<16xf32> to vector<16xf32>
      tpu.vector_store %arg5[%swap3A_315], %swap3A_318 {strides = array<i32>} : memref<21504xf32, #tpu.memory_space<vmem>>, vector<16xf32>,
      %get3A_319 = arith.constant 3520 : index
      %get3A_320 = tpu.vector_load %arg6[%get3A_319] {strides = array<i32>} : memref<4320xf32, #tpu.memory_space<vmem>>, vector<16xf32>,
      %get3A_321 = vector.shape_cast %get3A_320 : vector<16xf32> to vector<16xf32>
      %swap3A_322 = arith.constant 12816 : index
      %swap3A_323 = tpu.vector_load %arg5[%swap3A_322] {strides = array<i32>} : memref<21504xf32, #tpu.memory_space<vmem>>, vector<16xf32>,
      %swap3A_324 = vector.shape_cast %swap3A_323 : vector<16xf32> to vector<16xf32>
      %swap3A_325 = vector.shape_cast %get3A_321 : vector<16xf32> to vector<16xf32>
      tpu.vector_store %arg5[%swap3A_322], %swap3A_325 {strides = array<i32>} : memref<21504xf32, #tpu.memory_space<vmem>>, vector<16xf32>,
      %get3A_326 = arith.constant 3536 : index
      %get3A_327 = tpu.vector_load %arg6[%get3A_326] {strides = array<i32>} : memref<4320xf32, #tpu.memory_space<vmem>>, vector<16xf32>,
      %get3A_328 = vector.shape_cast %get3A_327 : vector<16xf32> to vector<16xf32>
      %swap3A_329 = arith.constant 12832 : index
      %swap3A_330 = tpu.vector_load %arg5[%swap3A_329] {strides = array<i32>} : memref<21504xf32, #tpu.memory_space<vmem>>, vector<16xf32>,
      %swap3A_331 = vector.shape_cast %swap3A_330 : vector<16xf32> to vector<16xf32>
      %swap3A_332 = vector.shape_cast %get3A_328 : vector<16xf32> to vector<16xf32>
      tpu.vector_store %arg5[%swap3A_329], %swap3A_332 {strides = array<i32>} : memref<21504xf32, #tpu.memory_space<vmem>>, vector<16xf32>,
      %get3A_333 = arith.constant 3552 : index
      %get3A_334 = tpu.vector_load %arg6[%get3A_333] {strides = array<i32>} : memref<4320xf32, #tpu.memory_space<vmem>>, vector<16xf32>,
      %get3A_335 = vector.shape_cast %get3A_334 : vector<16xf32> to vector<16xf32>
      %swap3A_336 = arith.constant 13024 : index
      %swap3A_337 = tpu.vector_load %arg5[%swap3A_336] {strides = array<i32>} : memref<21504xf32, #tpu.memory_space<vmem>>, vector<16xf32>,
      %swap3A_338 = vector.shape_cast %swap3A_337 : vector<16xf32> to vector<16xf32>
      %swap3A_339 = vector.shape_cast %get3A_335 : vector<16xf32> to vector<16xf32>
      tpu.vector_store %arg5[%swap3A_336], %swap3A_339 {strides = array<i32>} : memref<21504xf32, #tpu.memory_space<vmem>>, vector<16xf32>,
      %get3A_340 = arith.constant 3568 : index
      %get3A_341 = tpu.vector_load %arg6[%get3A_340] {strides = array<i32>} : memref<4320xf32, #tpu.memory_space<vmem>>, vector<16xf32>,
      %get3A_342 = vector.shape_cast %get3A_341 : vector<16xf32> to vector<16xf32>
      %swap3A_343 = arith.constant 13040 : index
      %swap3A_344 = tpu.vector_load %arg5[%swap3A_343] {strides = array<i32>} : memref<21504xf32, #tpu.memory_space<vmem>>, vector<16xf32>,
      %swap3A_345 = vector.shape_cast %swap3A_344 : vector<16xf32> to vector<16xf32>
      %swap3A_346 = vector.shape_cast %get3A_342 : vector<16xf32> to vector<16xf32>
      tpu.vector_store %arg5[%swap3A_343], %swap3A_346 {strides = array<i32>} : memref<21504xf32, #tpu.memory_space<vmem>>, vector<16xf32>,
      %get3A_347 = arith.constant 3584 : index
      %get3A_348 = tpu.vector_load %arg6[%get3A_347] {strides = array<i32>} : memref<4320xf32, #tpu.memory_space<vmem>>, vector<16xf32>,
      %get3A_349 = vector.shape_cast %get3A_348 : vector<16xf32> to vector<16xf32>
      %swap3A_350 = arith.constant 13056 : index
      %swap3A_351 = tpu.vector_load %arg5[%swap3A_350] {strides = array<i32>} : memref<21504xf32, #tpu.memory_space<vmem>>, vector<16xf32>,
      %swap3A_352 = vector.shape_cast %swap3A_351 : vector<16xf32> to vector<16xf32>
      %swap3A_353 = vector.shape_cast %get3A_349 : vector<16xf32> to vector<16xf32>
      tpu.vector_store %arg5[%swap3A_350], %swap3A_353 {strides = array<i32>} : memref<21504xf32, #tpu.memory_space<vmem>>, vector<16xf32>,
      %get3A_354 = arith.constant 3600 : index
      %get3A_355 = tpu.vector_load %arg6[%get3A_354] {strides = array<i32>} : memref<4320xf32, #tpu.memory_space<vmem>>, vector<16xf32>,
      %get3A_356 = vector.shape_cast %get3A_355 : vector<16xf32> to vector<16xf32>
      %swap3A_357 = arith.constant 13248 : index
      %swap3A_358 = tpu.vector_load %arg5[%swap3A_357] {strides = array<i32>} : memref<21504xf32, #tpu.memory_space<vmem>>, vector<16xf32>,
      %swap3A_359 = vector.shape_cast %swap3A_358 : vector<16xf32> to vector<16xf32>
      %swap3A_360 = vector.shape_cast %get3A_356 : vector<16xf32> to vector<16xf32>
      tpu.vector_store %arg5[%swap3A_357], %swap3A_360 {strides = array<i32>} : memref<21504xf32, #tpu.memory_space<vmem>>, vector<16xf32>,
      %get3A_361 = arith.constant 3616 : index
      %get3A_362 = tpu.vector_load %arg6[%get3A_361] {strides = array<i32>} : memref<4320xf32, #tpu.memory_space<vmem>>, vector<16xf32>,
      %get3A_363 = vector.shape_cast %get3A_362 : vector<16xf32> to vector<16xf32>
      %swap3A_364 = arith.constant 13264 : index
      %swap3A_365 = tpu.vector_load %arg5[%swap3A_364] {strides = array<i32>} : memref<21504xf32, #tpu.memory_space<vmem>>, vector<16xf32>,
      %swap3A_366 = vector.shape_cast %swap3A_365 : vector<16xf32> to vector<16xf32>
      %swap3A_367 = vector.shape_cast %get3A_363 : vector<16xf32> to vector<16xf32>
      tpu.vector_store %arg5[%swap3A_364], %swap3A_367 {strides = array<i32>} : memref<21504xf32, #tpu.memory_space<vmem>>, vector<16xf32>,
      %get3A_368 = arith.constant 3632 : index
      %get3A_369 = tpu.vector_load %arg6[%get3A_368] {strides = array<i32>} : memref<4320xf32, #tpu.memory_space<vmem>>, vector<16xf32>,
      %get3A_370 = vector.shape_cast %get3A_369 : vector<16xf32> to vector<16xf32>
      %swap3A_371 = arith.constant 13280 : index
      %swap3A_372 = tpu.vector_load %arg5[%swap3A_371] {strides = array<i32>} : memref<21504xf32, #tpu.memory_space<vmem>>, vector<16xf32>,
      %swap3A_373 = vector.shape_cast %swap3A_372 : vector<16xf32> to vector<16xf32>
      %swap3A_374 = vector.shape_cast %get3A_370 : vector<16xf32> to vector<16xf32>
      tpu.vector_store %arg5[%swap3A_371], %swap3A_374 {strides = array<i32>} : memref<21504xf32, #tpu.memory_space<vmem>>, vector<16xf32>,
      %get3A_375 = arith.constant 3648 : index
      %get3A_376 = tpu.vector_load %arg6[%get3A_375] {strides = array<i32>} : memref<4320xf32, #tpu.memory_space<vmem>>, vector<16xf32>,
      %get3A_377 = vector.shape_cast %get3A_376 : vector<16xf32> to vector<16xf32>
      %swap3A_378 = arith.constant 13472 : index
      %swap3A_379 = tpu.vector_load %arg5[%swap3A_378] {strides = array<i32>} : memref<21504xf32, #tpu.memory_space<vmem>>, vector<16xf32>,
      %swap3A_380 = vector.shape_cast %swap3A_379 : vector<16xf32> to vector<16xf32>
      %swap3A_381 = vector.shape_cast %get3A_377 : vector<16xf32> to vector<16xf32>
      tpu.vector_store %arg5[%swap3A_378], %swap3A_381 {strides = array<i32>} : memref<21504xf32, #tpu.memory_space<vmem>>, vector<16xf32>,
      %get3A_382 = arith.constant 3664 : index
      %get3A_383 = tpu.vector_load %arg6[%get3A_382] {strides = array<i32>} : memref<4320xf32, #tpu.memory_space<vmem>>, vector<16xf32>,
      %get3A_384 = vector.shape_cast %get3A_383 : vector<16xf32> to vector<16xf32>
      %swap3A_385 = arith.constant 13488 : index
      %swap3A_386 = tpu.vector_load %arg5[%swap3A_385] {strides = array<i32>} : memref<21504xf32, #tpu.memory_space<vmem>>, vector<16xf32>,
      %swap3A_387 = vector.shape_cast %swap3A_386 : vector<16xf32> to vector<16xf32>
      %swap3A_388 = vector.shape_cast %get3A_384 : vector<16xf32> to vector<16xf32>
      tpu.vector_store %arg5[%swap3A_385], %swap3A_388 {strides = array<i32>} : memref<21504xf32, #tpu.memory_space<vmem>>, vector<16xf32>,
      %get3A_389 = arith.constant 3680 : index
      %get3A_390 = tpu.vector_load %arg6[%get3A_389] {strides = array<i32>} : memref<4320xf32, #tpu.memory_space<vmem>>, vector<16xf32>,
      %get3A_391 = vector.shape_cast %get3A_390 : vector<16xf32> to vector<16xf32>
      %swap3A_392 = arith.constant 13504 : index
      %swap3A_393 = tpu.vector_load %arg5[%swap3A_392] {strides = array<i32>} : memref<21504xf32, #tpu.memory_space<vmem>>, vector<16xf32>,
      %swap3A_394 = vector.shape_cast %swap3A_393 : vector<16xf32> to vector<16xf32>
      %swap3A_395 = vector.shape_cast %get3A_391 : vector<16xf32> to vector<16xf32>
      tpu.vector_store %arg5[%swap3A_392], %swap3A_395 {strides = array<i32>} : memref<21504xf32, #tpu.memory_space<vmem>>, vector<16xf32>,
      %get3A_396 = arith.constant 3696 : index
      %get3A_397 = tpu.vector_load %arg6[%get3A_396] {strides = array<i32>} : memref<4320xf32, #tpu.memory_space<vmem>>, vector<16xf32>,
      %get3A_398 = vector.shape_cast %get3A_397 : vector<16xf32> to vector<16xf32>
      %swap3A_399 = arith.constant 13696 : index
      %swap3A_400 = tpu.vector_load %arg5[%swap3A_399] {strides = array<i32>} : memref<21504xf32, #tpu.memory_space<vmem>>, vector<16xf32>,
      %swap3A_401 = vector.shape_cast %swap3A_400 : vector<16xf32> to vector<16xf32>
      %swap3A_402 = vector.shape_cast %get3A_398 : vector<16xf32> to vector<16xf32>
      tpu.vector_store %arg5[%swap3A_399], %swap3A_402 {strides = array<i32>} : memref<21504xf32, #tpu.memory_space<vmem>>, vector<16xf32>,
      %get3A_403 = arith.constant 3712 : index
      %get3A_404 = tpu.vector_load %arg6[%get3A_403] {strides = array<i32>} : memref<4320xf32, #tpu.memory_space<vmem>>, vector<16xf32>,
      %get3A_405 = vector.shape_cast %get3A_404 : vector<16xf32> to vector<16xf32>
      %swap3A_406 = arith.constant 13712 : index
      %swap3A_407 = tpu.vector_load %arg5[%swap3A_406] {strides = array<i32>} : memref<21504xf32, #tpu.memory_space<vmem>>, vector<16xf32>,
      %swap3A_408 = vector.shape_cast %swap3A_407 : vector<16xf32> to vector<16xf32>
      %swap3A_409 = vector.shape_cast %get3A_405 : vector<16xf32> to vector<16xf32>
      tpu.vector_store %arg5[%swap3A_406], %swap3A_409 {strides = array<i32>} : memref<21504xf32, #tpu.memory_space<vmem>>, vector<16xf32>,
      %get3A_410 = arith.constant 3728 : index
      %get3A_411 = tpu.vector_load %arg6[%get3A_410] {strides = array<i32>} : memref<4320xf32, #tpu.memory_space<vmem>>, vector<16xf32>,
      %get3A_412 = vector.shape_cast %get3A_411 : vector<16xf32> to vector<16xf32>
      %swap3A_413 = arith.constant 13728 : index
      %swap3A_414 = tpu.vector_load %arg5[%swap3A_413] {strides = array<i32>} : memref<21504xf32, #tpu.memory_space<vmem>>, vector<16xf32>,
      %swap3A_415 = vector.shape_cast %swap3A_414 : vector<16xf32> to vector<16xf32>
      %swap3A_416 = vector.shape_cast %get3A_412 : vector<16xf32> to vector<16xf32>
      tpu.vector_store %arg5[%swap3A_413], %swap3A_416 {strides = array<i32>} : memref<21504xf32, #tpu.memory_space<vmem>>, vector<16xf32>,
      %get3A_417 = arith.constant 3744 : index
      %get3A_418 = tpu.vector_load %arg6[%get3A_417] {strides = array<i32>} : memref<4320xf32, #tpu.memory_space<vmem>>, vector<16xf32>,
      %get3A_419 = vector.shape_cast %get3A_418 : vector<16xf32> to vector<16xf32>
      %swap3A_420 = arith.constant 13920 : index
      %swap3A_421 = tpu.vector_load %arg5[%swap3A_420] {strides = array<i32>} : memref<21504xf32, #tpu.memory_space<vmem>>, vector<16xf32>,
      %swap3A_422 = vector.shape_cast %swap3A_421 : vector<16xf32> to vector<16xf32>
      %swap3A_423 = vector.shape_cast %get3A_419 : vector<16xf32> to vector<16xf32>
      tpu.vector_store %arg5[%swap3A_420], %swap3A_423 {strides = array<i32>} : memref<21504xf32, #tpu.memory_space<vmem>>, vector<16xf32>,
      %get3A_424 = arith.constant 3760 : index
      %get3A_425 = tpu.vector_load %arg6[%get3A_424] {strides = array<i32>} : memref<4320xf32, #tpu.memory_space<vmem>>, vector<16xf32>,
      %get3A_426 = vector.shape_cast %get3A_425 : vector<16xf32> to vector<16xf32>
      %swap3A_427 = arith.constant 13936 : index
      %swap3A_428 = tpu.vector_load %arg5[%swap3A_427] {strides = array<i32>} : memref<21504xf32, #tpu.memory_space<vmem>>, vector<16xf32>,
      %swap3A_429 = vector.shape_cast %swap3A_428 : vector<16xf32> to vector<16xf32>
      %swap3A_430 = vector.shape_cast %get3A_426 : vector<16xf32> to vector<16xf32>
      tpu.vector_store %arg5[%swap3A_427], %swap3A_430 {strides = array<i32>} : memref<21504xf32, #tpu.memory_space<vmem>>, vector<16xf32>,
      %get3A_431 = arith.constant 3776 : index
      %get3A_432 = tpu.vector_load %arg6[%get3A_431] {strides = array<i32>} : memref<4320xf32, #tpu.memory_space<vmem>>, vector<16xf32>,
      %get3A_433 = vector.shape_cast %get3A_432 : vector<16xf32> to vector<16xf32>
      %swap3A_434 = arith.constant 13952 : index
      %swap3A_435 = tpu.vector_load %arg5[%swap3A_434] {strides = array<i32>} : memref<21504xf32, #tpu.memory_space<vmem>>, vector<16xf32>,
      %swap3A_436 = vector.shape_cast %swap3A_435 : vector<16xf32> to vector<16xf32>
      %swap3A_437 = vector.shape_cast %get3A_433 : vector<16xf32> to vector<16xf32>
      tpu.vector_store %arg5[%swap3A_434], %swap3A_437 {strides = array<i32>} : memref<21504xf32, #tpu.memory_space<vmem>>, vector<16xf32>,
      %get3A_438 = arith.constant 3792 : index
      %get3A_439 = tpu.vector_load %arg6[%get3A_438] {strides = array<i32>} : memref<4320xf32, #tpu.memory_space<vmem>>, vector<16xf32>,
      %get3A_440 = vector.shape_cast %get3A_439 : vector<16xf32> to vector<16xf32>
      %swap3A_441 = arith.constant 14144 : index
      %swap3A_442 = tpu.vector_load %arg5[%swap3A_441] {strides = array<i32>} : memref<21504xf32, #tpu.memory_space<vmem>>, vector<16xf32>,
      %swap3A_443 = vector.shape_cast %swap3A_442 : vector<16xf32> to vector<16xf32>
      %swap3A_444 = vector.shape_cast %get3A_440 : vector<16xf32> to vector<16xf32>
      tpu.vector_store %arg5[%swap3A_441], %swap3A_444 {strides = array<i32>} : memref<21504xf32, #tpu.memory_space<vmem>>, vector<16xf32>,
      %get3A_445 = arith.constant 3808 : index
      %get3A_446 = tpu.vector_load %arg6[%get3A_445] {strides = array<i32>} : memref<4320xf32, #tpu.memory_space<vmem>>, vector<16xf32>,
      %get3A_447 = vector.shape_cast %get3A_446 : vector<16xf32> to vector<16xf32>
      %swap3A_448 = arith.constant 14160 : index
      %swap3A_449 = tpu.vector_load %arg5[%swap3A_448] {strides = array<i32>} : memref<21504xf32, #tpu.memory_space<vmem>>, vector<16xf32>,
      %swap3A_450 = vector.shape_cast %swap3A_449 : vector<16xf32> to vector<16xf32>
      %swap3A_451 = vector.shape_cast %get3A_447 : vector<16xf32> to vector<16xf32>
      tpu.vector_store %arg5[%swap3A_448], %swap3A_451 {strides = array<i32>} : memref<21504xf32, #tpu.memory_space<vmem>>, vector<16xf32>,
      %get3A_452 = arith.constant 3824 : index
      %get3A_453 = tpu.vector_load %arg6[%get3A_452] {strides = array<i32>} : memref<4320xf32, #tpu.memory_space<vmem>>, vector<16xf32>,
      %get3A_454 = vector.shape_cast %get3A_453 : vector<16xf32> to vector<16xf32>
      %swap3A_455 = arith.constant 14176 : index
      %swap3A_456 = tpu.vector_load %arg5[%swap3A_455] {strides = array<i32>} : memref<21504xf32, #tpu.memory_space<vmem>>, vector<16xf32>,
      %swap3A_457 = vector.shape_cast %swap3A_456 : vector<16xf32> to vector<16xf32>
      %swap3A_458 = vector.shape_cast %get3A_454 : vector<16xf32> to vector<16xf32>
      tpu.vector_store %arg5[%swap3A_455], %swap3A_458 {strides = array<i32>} : memref<21504xf32, #tpu.memory_space<vmem>>, vector<16xf32>,
      %get3A_459 = arith.constant 3840 : index
      %get3A_460 = tpu.vector_load %arg6[%get3A_459] {strides = array<i32>} : memref<4320xf32, #tpu.memory_space<vmem>>, vector<16xf32>,
      %get3A_461 = vector.shape_cast %get3A_460 : vector<16xf32> to vector<16xf32>
      %swap3A_462 = arith.constant 14368 : index
      %swap3A_463 = tpu.vector_load %arg5[%swap3A_462] {strides = array<i32>} : memref<21504xf32, #tpu.memory_space<vmem>>, vector<16xf32>,
      %swap3A_464 = vector.shape_cast %swap3A_463 : vector<16xf32> to vector<16xf32>
      %swap3A_465 = vector.shape_cast %get3A_461 : vector<16xf32> to vector<16xf32>
      tpu.vector_store %arg5[%swap3A_462], %swap3A_465 {strides = array<i32>} : memref<21504xf32, #tpu.memory_space<vmem>>, vector<16xf32>,
      %get3A_466 = arith.constant 3856 : index
      %get3A_467 = tpu.vector_load %arg6[%get3A_466] {strides = array<i32>} : memref<4320xf32, #tpu.memory_space<vmem>>, vector<16xf32>,
      %get3A_468 = vector.shape_cast %get3A_467 : vector<16xf32> to vector<16xf32>
      %swap3A_469 = arith.constant 14384 : index
      %swap3A_470 = tpu.vector_load %arg5[%swap3A_469] {strides = array<i32>} : memref<21504xf32, #tpu.memory_space<vmem>>, vector<16xf32>,
      %swap3A_471 = vector.shape_cast %swap3A_470 : vector<16xf32> to vector<16xf32>
      %swap3A_472 = vector.shape_cast %get3A_468 : vector<16xf32> to vector<16xf32>
      tpu.vector_store %arg5[%swap3A_469], %swap3A_472 {strides = array<i32>} : memref<21504xf32, #tpu.memory_space<vmem>>, vector<16xf32>,
      %get3A_473 = arith.constant 3872 : index
      %get3A_474 = tpu.vector_load %arg6[%get3A_473] {strides = array<i32>} : memref<4320xf32, #tpu.memory_space<vmem>>, vector<16xf32>,
      %get3A_475 = vector.shape_cast %get3A_474 : vector<16xf32> to vector<16xf32>
      %swap3A_476 = arith.constant 14400 : index
      %swap3A_477 = tpu.vector_load %arg5[%swap3A_476] {strides = array<i32>} : memref<21504xf32, #tpu.memory_space<vmem>>, vector<16xf32>,
      %swap3A_478 = vector.shape_cast %swap3A_477 : vector<16xf32> to vector<16xf32>
      %swap3A_479 = vector.shape_cast %get3A_475 : vector<16xf32> to vector<16xf32>
      tpu.vector_store %arg5[%swap3A_476], %swap3A_479 {strides = array<i32>} : memref<21504xf32, #tpu.memory_space<vmem>>, vector<16xf32>,
      %get3A_480 = arith.constant 3888 : index
      %get3A_481 = tpu.vector_load %arg6[%get3A_480] {strides = array<i32>} : memref<4320xf32, #tpu.memory_space<vmem>>, vector<16xf32>,
      %get3A_482 = vector.shape_cast %get3A_481 : vector<16xf32> to vector<16xf32>
      %swap3A_483 = arith.constant 14592 : index
      %swap3A_484 = tpu.vector_load %arg5[%swap3A_483] {strides = array<i32>} : memref<21504xf32, #tpu.memory_space<vmem>>, vector<16xf32>,
      %swap3A_485 = vector.shape_cast %swap3A_484 : vector<16xf32> to vector<16xf32>
      %swap3A_486 = vector.shape_cast %get3A_482 : vector<16xf32> to vector<16xf32>
      tpu.vector_store %arg5[%swap3A_483], %swap3A_486 {strides = array<i32>} : memref<21504xf32, #tpu.memory_space<vmem>>, vector<16xf32>,
      %get3A_487 = arith.constant 3904 : index
      %get3A_488 = tpu.vector_load %arg6[%get3A_487] {strides = array<i32>} : memref<4320xf32, #tpu.memory_space<vmem>>, vector<16xf32>,
      %get3A_489 = vector.shape_cast %get3A_488 : vector<16xf32> to vector<16xf32>
      %swap3A_490 = arith.constant 14608 : index
      %swap3A_491 = tpu.vector_load %arg5[%swap3A_490] {strides = array<i32>} : memref<21504xf32, #tpu.memory_space<vmem>>, vector<16xf32>,
      %swap3A_492 = vector.shape_cast %swap3A_491 : vector<16xf32> to vector<16xf32>
      %swap3A_493 = vector.shape_cast %get3A_489 : vector<16xf32> to vector<16xf32>
      tpu.vector_store %arg5[%swap3A_490], %swap3A_493 {strides = array<i32>} : memref<21504xf32, #tpu.memory_space<vmem>>, vector<16xf32>,
      %get3A_494 = arith.constant 3920 : index
      %get3A_495 = tpu.vector_load %arg6[%get3A_494] {strides = array<i32>} : memref<4320xf32, #tpu.memory_space<vmem>>, vector<16xf32>,
      %get3A_496 = vector.shape_cast %get3A_495 : vector<16xf32> to vector<16xf32>
      %swap3A_497 = arith.constant 14624 : index
      %swap3A_498 = tpu.vector_load %arg5[%swap3A_497] {strides = array<i32>} : memref<21504xf32, #tpu.memory_space<vmem>>, vector<16xf32>,
      %swap3A_499 = vector.shape_cast %swap3A_498 : vector<16xf32> to vector<16xf32>
      %swap3A_500 = vector.shape_cast %get3A_496 : vector<16xf32> to vector<16xf32>
      tpu.vector_store %arg5[%swap3A_497], %swap3A_500 {strides = array<i32>} : memref<21504xf32, #tpu.memory_space<vmem>>, vector<16xf32>,
      %get3A_501 = arith.constant 3936 : index
      %get3A_502 = tpu.vector_load %arg6[%get3A_501] {strides = array<i32>} : memref<4320xf32, #tpu.memory_space<vmem>>, vector<16xf32>,
      %get3A_503 = vector.shape_cast %get3A_502 : vector<16xf32> to vector<16xf32>
      %swap3A_504 = arith.constant 14816 : index
      %swap3A_505 = tpu.vector_load %arg5[%swap3A_504] {strides = array<i32>} : memref<21504xf32, #tpu.memory_space<vmem>>, vector<16xf32>,
      %swap3A_506 = vector.shape_cast %swap3A_505 : vector<16xf32> to vector<16xf32>
      %swap3A_507 = vector.shape_cast %get3A_503 : vector<16xf32> to vector<16xf32>
      tpu.vector_store %arg5[%swap3A_504], %swap3A_507 {strides = array<i32>} : memref<21504xf32, #tpu.memory_space<vmem>>, vector<16xf32>,
      %get3A_508 = arith.constant 3952 : index
      %get3A_509 = tpu.vector_load %arg6[%get3A_508] {strides = array<i32>} : memref<4320xf32, #tpu.memory_space<vmem>>, vector<16xf32>,
      %get3A_510 = vector.shape_cast %get3A_509 : vector<16xf32> to vector<16xf32>
      %swap3A_511 = arith.constant 14832 : index
      %swap3A_512 = tpu.vector_load %arg5[%swap3A_511] {strides = array<i32>} : memref<21504xf32, #tpu.memory_space<vmem>>, vector<16xf32>,
      %swap3A_513 = vector.shape_cast %swap3A_512 : vector<16xf32> to vector<16xf32>
      %swap3A_514 = vector.shape_cast %get3A_510 : vector<16xf32> to vector<16xf32>
      tpu.vector_store %arg5[%swap3A_511], %swap3A_514 {strides = array<i32>} : memref<21504xf32, #tpu.memory_space<vmem>>, vector<16xf32>,
      %get3A_515 = arith.constant 3968 : index
      %get3A_516 = tpu.vector_load %arg6[%get3A_515] {strides = array<i32>} : memref<4320xf32, #tpu.memory_space<vmem>>, vector<16xf32>,
      %get3A_517 = vector.shape_cast %get3A_516 : vector<16xf32> to vector<16xf32>
      %swap3A_518 = arith.constant 14848 : index
      %swap3A_519 = tpu.vector_load %arg5[%swap3A_518] {strides = array<i32>} : memref<21504xf32, #tpu.memory_space<vmem>>, vector<16xf32>,
      %swap3A_520 = vector.shape_cast %swap3A_519 : vector<16xf32> to vector<16xf32>
      %swap3A_521 = vector.shape_cast %get3A_517 : vector<16xf32> to vector<16xf32>
      tpu.vector_store %arg5[%swap3A_518], %swap3A_521 {strides = array<i32>} : memref<21504xf32, #tpu.memory_space<vmem>>, vector<16xf32>,
      %get3A_522 = arith.constant 3984 : index
      %get3A_523 = tpu.vector_load %arg6[%get3A_522] {strides = array<i32>} : memref<4320xf32, #tpu.memory_space<vmem>>, vector<16xf32>,
      %get3A_524 = vector.shape_cast %get3A_523 : vector<16xf32> to vector<16xf32>
      %swap3A_525 = arith.constant 15040 : index
      %swap3A_526 = tpu.vector_load %arg5[%swap3A_525] {strides = array<i32>} : memref<21504xf32, #tpu.memory_space<vmem>>, vector<16xf32>,
      %swap3A_527 = vector.shape_cast %swap3A_526 : vector<16xf32> to vector<16xf32>
      %swap3A_528 = vector.shape_cast %get3A_524 : vector<16xf32> to vector<16xf32>
      tpu.vector_store %arg5[%swap3A_525], %swap3A_528 {strides = array<i32>} : memref<21504xf32, #tpu.memory_space<vmem>>, vector<16xf32>,
      %get3A_529 = arith.constant 4000 : index
      %get3A_530 = tpu.vector_load %arg6[%get3A_529] {strides = array<i32>} : memref<4320xf32, #tpu.memory_space<vmem>>, vector<16xf32>,
      %get3A_531 = vector.shape_cast %get3A_530 : vector<16xf32> to vector<16xf32>
      %swap3A_532 = arith.constant 15056 : index
      %swap3A_533 = tpu.vector_load %arg5[%swap3A_532] {strides = array<i32>} : memref<21504xf32, #tpu.memory_space<vmem>>, vector<16xf32>,
      %swap3A_534 = vector.shape_cast %swap3A_533 : vector<16xf32> to vector<16xf32>
      %swap3A_535 = vector.shape_cast %get3A_531 : vector<16xf32> to vector<16xf32>
      tpu.vector_store %arg5[%swap3A_532], %swap3A_535 {strides = array<i32>} : memref<21504xf32, #tpu.memory_space<vmem>>, vector<16xf32>,
      %get3A_536 = arith.constant 4016 : index
      %get3A_537 = tpu.vector_load %arg6[%get3A_536] {strides = array<i32>} : memref<4320xf32, #tpu.memory_space<vmem>>, vector<16xf32>,
      %get3A_538 = vector.shape_cast %get3A_537 : vector<16xf32> to vector<16xf32>
      %swap3A_539 = arith.constant 15072 : index
      %swap3A_540 = tpu.vector_load %arg5[%swap3A_539] {strides = array<i32>} : memref<21504xf32, #tpu.memory_space<vmem>>, vector<16xf32>,
      %swap3A_541 = vector.shape_cast %swap3A_540 : vector<16xf32> to vector<16xf32>
      %swap3A_542 = vector.shape_cast %get3A_538 : vector<16xf32> to vector<16xf32>
      tpu.vector_store %arg5[%swap3A_539], %swap3A_542 {strides = array<i32>} : memref<21504xf32, #tpu.memory_space<vmem>>, vector<16xf32>,
      %get3A_543 = arith.constant 4032 : index
      %get3A_544 = tpu.vector_load %arg6[%get3A_543] {strides = array<i32>} : memref<4320xf32, #tpu.memory_space<vmem>>, vector<16xf32>,
      %get3A_545 = vector.shape_cast %get3A_544 : vector<16xf32> to vector<16xf32>
      %swap3A_546 = arith.constant 15264 : index
      %swap3A_547 = tpu.vector_load %arg5[%swap3A_546] {strides = array<i32>} : memref<21504xf32, #tpu.memory_space<vmem>>, vector<16xf32>,
      %swap3A_548 = vector.shape_cast %swap3A_547 : vector<16xf32> to vector<16xf32>
      %swap3A_549 = vector.shape_cast %get3A_545 : vector<16xf32> to vector<16xf32>
      tpu.vector_store %arg5[%swap3A_546], %swap3A_549 {strides = array<i32>} : memref<21504xf32, #tpu.memory_space<vmem>>, vector<16xf32>,
      %get3A_550 = arith.constant 4048 : index
      %get3A_551 = tpu.vector_load %arg6[%get3A_550] {strides = array<i32>} : memref<4320xf32, #tpu.memory_space<vmem>>, vector<16xf32>,
      %get3A_552 = vector.shape_cast %get3A_551 : vector<16xf32> to vector<16xf32>
      %swap3A_553 = arith.constant 15280 : index
      %swap3A_554 = tpu.vector_load %arg5[%swap3A_553] {strides = array<i32>} : memref<21504xf32, #tpu.memory_space<vmem>>, vector<16xf32>,
      %swap3A_555 = vector.shape_cast %swap3A_554 : vector<16xf32> to vector<16xf32>
      %swap3A_556 = vector.shape_cast %get3A_552 : vector<16xf32> to vector<16xf32>
      tpu.vector_store %arg5[%swap3A_553], %swap3A_556 {strides = array<i32>} : memref<21504xf32, #tpu.memory_space<vmem>>, vector<16xf32>,
      %get3A_557 = arith.constant 4064 : index
      %get3A_558 = tpu.vector_load %arg6[%get3A_557] {strides = array<i32>} : memref<4320xf32, #tpu.memory_space<vmem>>, vector<16xf32>,
      %get3A_559 = vector.shape_cast %get3A_558 : vector<16xf32> to vector<16xf32>
      %swap3A_560 = arith.constant 15296 : index
      %swap3A_561 = tpu.vector_load %arg5[%swap3A_560] {strides = array<i32>} : memref<21504xf32, #tpu.memory_space<vmem>>, vector<16xf32>,
      %swap3A_562 = vector.shape_cast %swap3A_561 : vector<16xf32> to vector<16xf32>
      %swap3A_563 = vector.shape_cast %get3A_559 : vector<16xf32> to vector<16xf32>
      tpu.vector_store %arg5[%swap3A_560], %swap3A_563 {strides = array<i32>} : memref<21504xf32, #tpu.memory_space<vmem>>, vector<16xf32>,
      %get3A_564 = arith.constant 4080 : index
      %get3A_565 = tpu.vector_load %arg6[%get3A_564] {strides = array<i32>} : memref<4320xf32, #tpu.memory_space<vmem>>, vector<16xf32>,
      %get3A_566 = vector.shape_cast %get3A_565 : vector<16xf32> to vector<16xf32>
      %swap3A_567 = arith.constant 15488 : index
      %swap3A_568 = tpu.vector_load %arg5[%swap3A_567] {strides = array<i32>} : memref<21504xf32, #tpu.memory_space<vmem>>, vector<16xf32>,
      %swap3A_569 = vector.shape_cast %swap3A_568 : vector<16xf32> to vector<16xf32>
      %swap3A_570 = vector.shape_cast %get3A_566 : vector<16xf32> to vector<16xf32>
      tpu.vector_store %arg5[%swap3A_567], %swap3A_570 {strides = array<i32>} : memref<21504xf32, #tpu.memory_space<vmem>>, vector<16xf32>,
      %get3A_571 = arith.constant 4096 : index
      %get3A_572 = tpu.vector_load %arg6[%get3A_571] {strides = array<i32>} : memref<4320xf32, #tpu.memory_space<vmem>>, vector<16xf32>,
      %get3A_573 = vector.shape_cast %get3A_572 : vector<16xf32> to vector<16xf32>
      %swap3A_574 = arith.constant 15504 : index
      %swap3A_575 = tpu.vector_load %arg5[%swap3A_574] {strides = array<i32>} : memref<21504xf32, #tpu.memory_space<vmem>>, vector<16xf32>,
      %swap3A_576 = vector.shape_cast %swap3A_575 : vector<16xf32> to vector<16xf32>
      %swap3A_577 = vector.shape_cast %get3A_573 : vector<16xf32> to vector<16xf32>
      tpu.vector_store %arg5[%swap3A_574], %swap3A_577 {strides = array<i32>} : memref<21504xf32, #tpu.memory_space<vmem>>, vector<16xf32>,
      %get3A_578 = arith.constant 4112 : index
      %get3A_579 = tpu.vector_load %arg6[%get3A_578] {strides = array<i32>} : memref<4320xf32, #tpu.memory_space<vmem>>, vector<16xf32>,
      %get3A_580 = vector.shape_cast %get3A_579 : vector<16xf32> to vector<16xf32>
      %swap3A_581 = arith.constant 15520 : index
      %swap3A_582 = tpu.vector_load %arg5[%swap3A_581] {strides = array<i32>} : memref<21504xf32, #tpu.memory_space<vmem>>, vector<16xf32>,
      %swap3A_583 = vector.shape_cast %swap3A_582 : vector<16xf32> to vector<16xf32>
      %swap3A_584 = vector.shape_cast %get3A_580 : vector<16xf32> to vector<16xf32>
      tpu.vector_store %arg5[%swap3A_581], %swap3A_584 {strides = array<i32>} : memref<21504xf32, #tpu.memory_space<vmem>>, vector<16xf32>,
      %get3A_585 = arith.constant 4128 : index
      %get3A_586 = tpu.vector_load %arg6[%get3A_585] {strides = array<i32>} : memref<4320xf32, #tpu.memory_space<vmem>>, vector<16xf32>,
      %get3A_587 = vector.shape_cast %get3A_586 : vector<16xf32> to vector<16xf32>
      %swap3A_588 = arith.constant 15712 : index
      %swap3A_589 = tpu.vector_load %arg5[%swap3A_588] {strides = array<i32>} : memref<21504xf32, #tpu.memory_space<vmem>>, vector<16xf32>,
      %swap3A_590 = vector.shape_cast %swap3A_589 : vector<16xf32> to vector<16xf32>
      %swap3A_591 = vector.shape_cast %get3A_587 : vector<16xf32> to vector<16xf32>
      tpu.vector_store %arg5[%swap3A_588], %swap3A_591 {strides = array<i32>} : memref<21504xf32, #tpu.memory_space<vmem>>, vector<16xf32>,
      %get3A_592 = arith.constant 4144 : index
      %get3A_593 = tpu.vector_load %arg6[%get3A_592] {strides = array<i32>} : memref<4320xf32, #tpu.memory_space<vmem>>, vector<16xf32>,
      %get3A_594 = vector.shape_cast %get3A_593 : vector<16xf32> to vector<16xf32>
      %swap3A_595 = arith.constant 15728 : index
      %swap3A_596 = tpu.vector_load %arg5[%swap3A_595] {strides = array<i32>} : memref<21504xf32, #tpu.memory_space<vmem>>, vector<16xf32>,
      %swap3A_597 = vector.shape_cast %swap3A_596 : vector<16xf32> to vector<16xf32>
      %swap3A_598 = vector.shape_cast %get3A_594 : vector<16xf32> to vector<16xf32>
      tpu.vector_store %arg5[%swap3A_595], %swap3A_598 {strides = array<i32>} : memref<21504xf32, #tpu.memory_space<vmem>>, vector<16xf32>,
      %get3A_599 = arith.constant 4160 : index
      %get3A_600 = tpu.vector_load %arg6[%get3A_599] {strides = array<i32>} : memref<4320xf32, #tpu.memory_space<vmem>>, vector<16xf32>,
      %get3A_601 = vector.shape_cast %get3A_600 : vector<16xf32> to vector<16xf32>
      %swap3A_602 = arith.constant 15744 : index
      %swap3A_603 = tpu.vector_load %arg5[%swap3A_602] {strides = array<i32>} : memref<21504xf32, #tpu.memory_space<vmem>>, vector<16xf32>,
      %swap3A_604 = vector.shape_cast %swap3A_603 : vector<16xf32> to vector<16xf32>
      %swap3A_605 = vector.shape_cast %get3A_601 : vector<16xf32> to vector<16xf32>
      tpu.vector_store %arg5[%swap3A_602], %swap3A_605 {strides = array<i32>} : memref<21504xf32, #tpu.memory_space<vmem>>, vector<16xf32>,
      %get3A_606 = arith.constant 4176 : index
      %get3A_607 = tpu.vector_load %arg6[%get3A_606] {strides = array<i32>} : memref<4320xf32, #tpu.memory_space<vmem>>, vector<16xf32>,
      %get3A_608 = vector.shape_cast %get3A_607 : vector<16xf32> to vector<16xf32>
      %swap3A_609 = arith.constant 15936 : index
      %swap3A_610 = tpu.vector_load %arg5[%swap3A_609] {strides = array<i32>} : memref<21504xf32, #tpu.memory_space<vmem>>, vector<16xf32>,
      %swap3A_611 = vector.shape_cast %swap3A_610 : vector<16xf32> to vector<16xf32>
      %swap3A_612 = vector.shape_cast %get3A_608 : vector<16xf32> to vector<16xf32>
      tpu.vector_store %arg5[%swap3A_609], %swap3A_612 {strides = array<i32>} : memref<21504xf32, #tpu.memory_space<vmem>>, vector<16xf32>,
      %get3A_613 = arith.constant 4192 : index
      %get3A_614 = tpu.vector_load %arg6[%get3A_613] {strides = array<i32>} : memref<4320xf32, #tpu.memory_space<vmem>>, vector<16xf32>,
      %get3A_615 = vector.shape_cast %get3A_614 : vector<16xf32> to vector<16xf32>
      %swap3A_616 = arith.constant 15952 : index
      %swap3A_617 = tpu.vector_load %arg5[%swap3A_616] {strides = array<i32>} : memref<21504xf32, #tpu.memory_space<vmem>>, vector<16xf32>,
      %swap3A_618 = vector.shape_cast %swap3A_617 : vector<16xf32> to vector<16xf32>
      %swap3A_619 = vector.shape_cast %get3A_615 : vector<16xf32> to vector<16xf32>
      tpu.vector_store %arg5[%swap3A_616], %swap3A_619 {strides = array<i32>} : memref<21504xf32, #tpu.memory_space<vmem>>, vector<16xf32>,
      %get3A_620 = arith.constant 4208 : index
      %get3A_621 = tpu.vector_load %arg6[%get3A_620] {strides = array<i32>} : memref<4320xf32, #tpu.memory_space<vmem>>, vector<16xf32>,
      %get3A_622 = vector.shape_cast %get3A_621 : vector<16xf32> to vector<16xf32>
      %swap3A_623 = arith.constant 15968 : index
      %swap3A_624 = tpu.vector_load %arg5[%swap3A_623] {strides = array<i32>} : memref<21504xf32, #tpu.memory_space<vmem>>, vector<16xf32>,
      %swap3A_625 = vector.shape_cast %swap3A_624 : vector<16xf32> to vector<16xf32>
      %swap3A_626 = vector.shape_cast %get3A_622 : vector<16xf32> to vector<16xf32>
      tpu.vector_store %arg5[%swap3A_623], %swap3A_626 {strides = array<i32>} : memref<21504xf32, #tpu.memory_space<vmem>>, vector<16xf32>,
      %get3A_627 = arith.constant 4224 : index
      %get3A_628 = tpu.vector_load %arg6[%get3A_627] {strides = array<i32>} : memref<4320xf32, #tpu.memory_space<vmem>>, vector<16xf32>,
      %get3A_629 = vector.shape_cast %get3A_628 : vector<16xf32> to vector<16xf32>
      %swap3A_630 = arith.constant 16160 : index
      %swap3A_631 = tpu.vector_load %arg5[%swap3A_630] {strides = array<i32>} : memref<21504xf32, #tpu.memory_space<vmem>>, vector<16xf32>,
      %swap3A_632 = vector.shape_cast %swap3A_631 : vector<16xf32> to vector<16xf32>
      %swap3A_633 = vector.shape_cast %get3A_629 : vector<16xf32> to vector<16xf32>
      tpu.vector_store %arg5[%swap3A_630], %swap3A_633 {strides = array<i32>} : memref<21504xf32, #tpu.memory_space<vmem>>, vector<16xf32>,
      %get3A_634 = arith.constant 4240 : index
      %get3A_635 = tpu.vector_load %arg6[%get3A_634] {strides = array<i32>} : memref<4320xf32, #tpu.memory_space<vmem>>, vector<16xf32>,
      %get3A_636 = vector.shape_cast %get3A_635 : vector<16xf32> to vector<16xf32>
      %swap3A_637 = arith.constant 16176 : index
      %swap3A_638 = tpu.vector_load %arg5[%swap3A_637] {strides = array<i32>} : memref<21504xf32, #tpu.memory_space<vmem>>, vector<16xf32>,
      %swap3A_639 = vector.shape_cast %swap3A_638 : vector<16xf32> to vector<16xf32>
      %swap3A_640 = vector.shape_cast %get3A_636 : vector<16xf32> to vector<16xf32>
      tpu.vector_store %arg5[%swap3A_637], %swap3A_640 {strides = array<i32>} : memref<21504xf32, #tpu.memory_space<vmem>>, vector<16xf32>,
      %get3A_641 = arith.constant 4256 : index
      %get3A_642 = tpu.vector_load %arg6[%get3A_641] {strides = array<i32>} : memref<4320xf32, #tpu.memory_space<vmem>>, vector<16xf32>,
      %get3A_643 = vector.shape_cast %get3A_642 : vector<16xf32> to vector<16xf32>
      %swap3A_644 = arith.constant 16192 : index
      %swap3A_645 = tpu.vector_load %arg5[%swap3A_644] {strides = array<i32>} : memref<21504xf32, #tpu.memory_space<vmem>>, vector<16xf32>,
      %swap3A_646 = vector.shape_cast %swap3A_645 : vector<16xf32> to vector<16xf32>
      %swap3A_647 = vector.shape_cast %get3A_643 : vector<16xf32> to vector<16xf32>
      tpu.vector_store %arg5[%swap3A_644], %swap3A_647 {strides = array<i32>} : memref<21504xf32, #tpu.memory_space<vmem>>, vector<16xf32>,
      %get3A_648 = arith.constant 4272 : index
      %get3A_649 = tpu.vector_load %arg6[%get3A_648] {strides = array<i32>} : memref<4320xf32, #tpu.memory_space<vmem>>, vector<16xf32>,
      %get3A_650 = vector.shape_cast %get3A_649 : vector<16xf32> to vector<16xf32>
      %swap3A_651 = arith.constant 16384 : index
      %swap3A_652 = tpu.vector_load %arg5[%swap3A_651] {strides = array<i32>} : memref<21504xf32, #tpu.memory_space<vmem>>, vector<16xf32>,
      %swap3A_653 = vector.shape_cast %swap3A_652 : vector<16xf32> to vector<16xf32>
      %swap3A_654 = vector.shape_cast %get3A_650 : vector<16xf32> to vector<16xf32>
      tpu.vector_store %arg5[%swap3A_651], %swap3A_654 {strides = array<i32>} : memref<21504xf32, #tpu.memory_space<vmem>>, vector<16xf32>,
      %get3A_655 = arith.constant 4288 : index
      %get3A_656 = tpu.vector_load %arg6[%get3A_655] {strides = array<i32>} : memref<4320xf32, #tpu.memory_space<vmem>>, vector<16xf32>,
      %get3A_657 = vector.shape_cast %get3A_656 : vector<16xf32> to vector<16xf32>
      %swap3A_658 = arith.constant 16400 : index
      %swap3A_659 = tpu.vector_load %arg5[%swap3A_658] {strides = array<i32>} : memref<21504xf32, #tpu.memory_space<vmem>>, vector<16xf32>,
      %swap3A_660 = vector.shape_cast %swap3A_659 : vector<16xf32> to vector<16xf32>
      %swap3A_661 = vector.shape_cast %get3A_657 : vector<16xf32> to vector<16xf32>
      tpu.vector_store %arg5[%swap3A_658], %swap3A_661 {strides = array<i32>} : memref<21504xf32, #tpu.memory_space<vmem>>, vector<16xf32>,
      %get3A_662 = arith.constant 4304 : index
      %get3A_663 = tpu.vector_load %arg6[%get3A_662] {strides = array<i32>} : memref<4320xf32, #tpu.memory_space<vmem>>, vector<16xf32>,
      %get3A_664 = vector.shape_cast %get3A_663 : vector<16xf32> to vector<16xf32>
      %swap3A_665 = arith.constant 16416 : index
      %swap3A_666 = tpu.vector_load %arg5[%swap3A_665] {strides = array<i32>} : memref<21504xf32, #tpu.memory_space<vmem>>, vector<16xf32>,
      %swap3A_667 = vector.shape_cast %swap3A_666 : vector<16xf32> to vector<16xf32>
      %swap3A_668 = vector.shape_cast %get3A_664 : vector<16xf32> to vector<16xf32>
      tpu.vector_store %arg5[%swap3A_665], %swap3A_668 {strides = array<i32>} : memref<21504xf32, #tpu.memory_space<vmem>>, vector<16xf32>,
      %dma_start3A_669 = arith.constant 2 : i32
      %dma_start3A_670 = arith.constant 129024 : i32
      %dma_start3A_671 = tpu.memref_slice %arg4[%dma_start3A_670] : memref<150528xf32, #tpu.memory_space<hbm>> -> memref<21504xf32, #tpu.memory_space<hbm>>
      %dma_start3A_672 = tpu.memref_slice %arg7[%dma_start3A_669] : memref<3x!tpu.dma_semaphore, #tpu.memory_space<semaphore_mem>> -> memref<1x!tpu.dma_semaphore, #tpu.memory_space<semaphore_mem>>
      %dma_start3A_673 = tpu.memref_squeeze %dma_start3A_672 : memref<1x!tpu.dma_semaphore, #tpu.memory_space<semaphore_mem>> -> memref<!tpu.dma_semaphore, #tpu.memory_space<semaphore_mem>>
      %dma_start3A_674 = arith.constant 129024 : i32
      %dma_start3A_675 = tpu.memref_slice %arg4[%dma_start3A_674] : memref<150528xf32, #tpu.memory_space<hbm>> -> memref<21504xf32, #tpu.memory_space<hbm>>
      tpu.enqueue_dma source(%arg5 : memref<21504xf32, #tpu.memory_space<vmem>>) target(%dma_start3A_675 : memref<21504xf32, #tpu.memory_space<hbm>>) target_semaphore(%dma_start3A_673 : memref<!tpu.dma_semaphore, #tpu.memory_space<semaphore_mem>>)
      %dma_wait3A_676 = arith.constant 2 : i32
      %dma_wait3A_677 = arith.constant 129024 : i32
      %dma_wait3A_678 = tpu.memref_slice %arg4[%dma_wait3A_677] : memref<150528xf32, #tpu.memory_space<hbm>> -> memref<21504xf32, #tpu.memory_space<hbm>>
      %dma_wait3A_679 = tpu.memref_slice %arg7[%dma_wait3A_676] : memref<3x!tpu.dma_semaphore, #tpu.memory_space<semaphore_mem>> -> memref<1x!tpu.dma_semaphore, #tpu.memory_space<semaphore_mem>>
      %dma_wait3A_680 = tpu.memref_squeeze %dma_wait3A_679 : memref<1x!tpu.dma_semaphore, #tpu.memory_space<semaphore_mem>> -> memref<!tpu.dma_semaphore, #tpu.memory_space<semaphore_mem>>
      %dma_wait3A_681 = arith.constant 129024 : i32
      %dma_wait3A_682 = tpu.memref_slice %arg4[%dma_wait3A_681] : memref<150528xf32, #tpu.memory_space<hbm>> -> memref<21504xf32, #tpu.memory_space<hbm>>
      tpu.wait_dma2 semaphore(%dma_wait3A_680 : memref<!tpu.dma_semaphore, #tpu.memory_space<semaphore_mem>>) src(%arg5 : memref<21504xf32, #tpu.memory_space<vmem>>) dst(%dma_wait3A_682 : memref<21504xf32, #tpu.memory_space<hbm>>)
    } else {
    }
    return
  }
}

module attributes {stable_mosaic.version = 14 : i64} {
  func.func @_add_kernel(%arg0: i32, %arg1: memref<4x1176x128xf32, #tpu.memory_space<vmem>>, %arg2: memref<1x1176x128xf32, #tpu.memory_space<vmem>>, %arg3: memref<4x1176x128xf32, #tpu.memory_space<vmem>>) attributes {dimension_semantics = [#tpu.dimension_semantics<arbitrary>], iteration_bounds = array<i64: 32>, scalar_prefetch = 0 : i64, scratch_operands = 0 : i64, tpu.core_type = #tpu.core_type<tc>, window_params = [{transform_indices = @transform_0, window_bounds = array<i64: 4, 1176, 128>}, {pipeline_mode = #tpu.pipeline_mode<synchronous>, transform_indices = @transform_1, window_bounds = array<i64: 1, 1176, 128>}, {transform_indices = @transform_2, window_bounds = array<i64: 4, 1176, 128>}]} {
    %get3A = arith.constant 0 : index
    %get3A_0 = arith.constant 0 : index
    %get3A_1 = arith.constant 0 : index
    %get3A_2 = vector.load %arg1[%get3A, %get3A_0, %get3A_1] : memref<4x1176x128xf32, #tpu.memory_space<vmem>>, vector<4x1176x128xf32>
    %get3A_3 = arith.constant 0 : index
    %get3A_4 = arith.constant 0 : index
    %get3A_5 = arith.constant 0 : index
    %get3A_6 = vector.load %arg2[%get3A_3, %get3A_4, %get3A_5] : memref<1x1176x128xf32, #tpu.memory_space<vmem>>, vector<1x1176x128xf32>
    %add3A = vector.broadcast %get3A_6 : vector<1x1176x128xf32> to vector<4x1176x128xf32>
    %add3A_7 = arith.addf %get3A_2, %add3A : vector<4x1176x128xf32>
    %swap3A = arith.constant 0 : index
    %swap3A_8 = arith.constant 0 : index
    %swap3A_9 = arith.constant 0 : index
    %swap3A_10 = vector.load %arg3[%swap3A, %swap3A_8, %swap3A_9] : memref<4x1176x128xf32, #tpu.memory_space<vmem>>, vector<4x1176x128xf32>
    tpu.vector_store %arg3[%swap3A, %swap3A_8, %swap3A_9], %add3A_7 {strides = array<i32>} : memref<4x1176x128xf32, #tpu.memory_space<vmem>>, vector<4x1176x128xf32>,
    return
  }
  func.func @transform_0(%arg0: i32) -> (i32, i32, i32) {
    %c0_i32 = arith.constant 0 : i32
    %c0_i32_0 = arith.constant 0 : i32
    %c0_i32_1 = arith.constant 0 : i32
    return %arg0, %c0_i32, %c0_i32_0 : i32, i32, i32
  }
  func.func @transform_1(%arg0: i32) -> (i32, i32, i32) {
    %c0_i32 = arith.constant 0 : i32
    %c0_i32_0 = arith.constant 0 : i32
    %c0_i32_1 = arith.constant 0 : i32
    %c0_i32_2 = arith.constant 0 : i32
    return %c0_i32, %c0_i32_0, %c0_i32_1 : i32, i32, i32
  }
  func.func @transform_2(%arg0: i32) -> (i32, i32, i32) {
    %c0_i32 = arith.constant 0 : i32
    %c0_i32_0 = arith.constant 0 : i32
    %c0_i32_1 = arith.constant 0 : i32
    return %arg0, %c0_i32, %c0_i32_0 : i32, i32, i32
  }
}

</mosaic_0001>

<sc_bundles>
// kernel: kernel.4.cloned.1.call-start
scs
__scs_entry_jumppad:
0x0: {  	(pc) =	sbr.rel $0x88, $3  }
0x1: {  	(tag) =	ssettag $0x0;
	lr =	simm.s32 $0x1  }
0x2: {  	[smem:$0x3F9F] =	sst lr;
	_ =	strace $0xD0000000  }
0x3: {  	_ = 	snop  }
0x4: {  	_ = 	snop  }
0x5: {  	_ = 	snop  }
0x6: {  	_ = 	snop  }
0x7: {  	_ = 	snop  }
__scs_overlays_trampoline_lowered:
0x8: {  	[smem:$0x3FAE] =	sst s0  }
0x9: {  	[smem:$0x3FAF] =	sst s1  }
0xa: {  	[smem:$0x3FB0] =	sst s2  }
0xb: {  	[smem:$0x3FB1] =	sst s3  }
0xc: {  	[smem:$0x3FB2] =	sst s4  }
0xd: {  	[smem:$0x3FB3] =	sst s5  }
0xe: {  	[smem:$0x3FB4] =	sst s6  }
0xf: {  	[smem:$0x3FB5] =	sst s7  }
0x10: {  	[smem:$0x3FB6] =	sst s8  }
0x11: {  	[smem:$0x3FB7] =	sst s9;
	s0 =	simm.s32 @!p0 $0x0  }
0x12: {  	s1 =	sld [smem:$0x3F9D];
	s0 =	simm.s32 @p0 $0x1  }
0x13: {  	[smem:$0x3FB8] =	sst s0;
	s0 =	simm.s32 @!p1 $0x0  }
0x14: {  	s2 =	sld [smem:$0x3F9C];
	s0 =	simm.s32 @p1 $0x1  }
0x15: {  	[smem:$0x3FB9] =	sst s0;
	s0 =	simm.s32 @!p2 $0x0  }
0x16: {  	s3 =	sld [smem:$0x3FDB];
	s0 =	simm.s32 @p2 $0x1  }
0x17: {  	s4 =	simm.s32 $0x1BF5;
	[smem:$0x3FBB] =	sst s0  }
0x18: {  	s0 =	sld [smem:$0x3F9E];
	_ =	swait.ge [sflag:s4], $0x0  }
0x19: {  	s7 =	sld [smem:$0x3F9F]  }
0x1a: {  	s8 =	sadd.s32 $0xFFFFE003, lr  }
0x1b: {  	s9 =	sadd.s32 $0xFFFFFEF7, lr;
	s5 =	simm.s32 $0xFFFFFFFF;
	p2 =	slt.u32 s8, $0xFFFFF086  }
0x1c: {  	p1 =	slt.u32 s9, $0xF7A;
	s5 =	simm.s32 @!p2 $0x0  }
0x1d: {  	s5 =	simm.s32 @p1 $0x1;
	p0 =	seq.s32 s7, s2  }
0x1e: {  	s7 =	smul.u32 @!p0 $0xF7A, s2;
	p2 =	seq.s32 @!p0 s5, $0x0  }
0x1f: {  	s9 =	smul.u32 $0xF7A, s1;
	s8 =	simm.s32 @!p0 $0x1BF5;
	p2 =	por !p2, p0  }
0x20: {  	[sflag:s8] =	ssyncset.s32 @!p0 $0xFFFFF086;
	s6 =	sadd.s32 @!p0 s3, s7;
	s7 =	simm.s32 @!p0 $0x108  }
0x21: {  	s3 =	sadd.s32 s3, s9;
	s6 =	sadd.s32 @!p0 $0x88, s6;
	s7 =	simm.s32 @p2 $0x1082  }
0x22: {  	[simem:s7], [sflag:s8] =	dma.local @!p0 [hbm:s6], $0xF7A  }
0x23: {  	s9 =	sor.u32 $0xD0000000, s2;
	s6 =	simm.s32 $0x108;
	_ =	swait.ge @!p0 [sflag:s8], $0x0  }
0x24: {  	s3 =	sadd.s32 $0x88, s3;
	s6 =	simm.s32 @!p1 $0x1082;
	[sflag:s4] =	ssyncset.s32 $0xFFFFF086  }
0x25: {  	[simem:s6], [sflag:s4] =	dma.local [hbm:s3], $0xF7A  }
0x26: {  	[smem:$0x3F9F] =	sst s1;
	(tag) =	ssettag s2;
	_ =	strace s9  }
0x27: {  	s1 =	sld [smem:$0x3FAF]  }
0x28: {  	s2 =	sld [smem:$0x3FB0]  }
0x29: {  	s4 =	sld [smem:$0x3FB2]  }
0x2a: {  	p0 =	seq.s32 s5, $0x0;
	s5 =	sld [smem:$0x3FB3]  }
0x2b: {  	s6 =	sld [smem:$0x3FB4]  }
0x2c: {  	s7 =	sld [smem:$0x3FB5]  }
0x2d: {  	s3 =	simm.s32 $0x108;
	s8 =	sld [smem:$0x3FB6]  }
0x2e: {  	s3 =	simm.s32 @!p0 $0x1082;
	s9 =	sld [smem:$0x3FB7]  }
0x2f: {  	lr =	sadd.s32 s0, s3;
	s0 =	sld [smem:$0x3FAE]  }
0x30: {  	s3 =	sld [smem:$0x3FB1]  }
0x31: {  	[smem:$0x3FBA] =	sst s10  }
0x32: {  	s10 =	sld [smem:$0x3FB8];
	_ =	sdelay $0x3  }
0x33: {  	p0 =	seq.s32 s10, $0x1;
	s10 =	sld [smem:$0x3FBA];
	_ =	sdelay $0x3  }
0x34: {  	[smem:$0x3FBA] =	sst s10  }
0x35: {  	s10 =	sld [smem:$0x3FB9];
	_ =	sdelay $0x3  }
0x36: {  	p1 =	seq.s32 s10, $0x1;
	s10 =	sld [smem:$0x3FBA];
	_ =	sdelay $0x3  }
0x37: {  	[smem:$0x3FBA] =	sst s10  }
0x38: {  	s10 =	sld [smem:$0x3FBB]  }
0x39: {  	_ = 	snop;
	(pc) =	sbr.ind lr, $3  }
0x3a: {  	_ = 	snop  }
0x3b: {  	_ = 	snop  }
0x3c: {  	p2 =	seq.s32 s10, $0x1;
	s10 =	sld [smem:$0x3FBA]  }
0x3d: {  	_ =	shalt  }
0x3e: {  	_ =	shalt  }
0x3f: {  	_ =	shalt  }
0x40: {  	_ =	shalt  }
0x41: {  	_ =	shalt  }
0x42: {  	_ =	shalt  }
0x43: {  	_ =	shalt  }
0x44: {  	_ =	shalt  }
0x45: {  	_ =	shalt  }
0x46: {  	_ =	shalt  }
0x47: {  	_ =	shalt  }
0x48: {  	_ =	shalt  }
0x49: {  	_ =	shalt  }
0x4a: {  	_ =	shalt  }
0x4b: {  	_ =	shalt  }
0x4c: {  	_ =	shalt  }
0x4d: {  	_ =	shalt  }
0x4e: {  	_ =	shalt  }
0x4f: {  	_ =	shalt  }
0x50: {  	_ =	shalt  }
0x51: {  	_ =	shalt  }
0x52: {  	_ =	shalt  }
0x53: {  	_ =	shalt  }
0x54: {  	_ =	shalt  }
0x55: {  	_ =	shalt  }
0x56: {  	_ =	shalt  }
0x57: {  	_ =	shalt  }
0x58: {  	_ =	shalt  }
0x59: {  	_ =	shalt  }
0x5a: {  	_ =	shalt  }
0x5b: {  	_ =	shalt  }
0x5c: {  	_ =	shalt  }
0x5d: {  	_ =	shalt  }
0x5e: {  	_ =	shalt  }
0x5f: {  	_ =	shalt  }
0x60: {  	_ =	shalt  }
0x61: {  	_ =	shalt  }
0x62: {  	_ =	shalt  }
0x63: {  	_ =	shalt  }
0x64: {  	_ =	shalt  }
0x65: {  	_ =	shalt  }
0x66: {  	_ =	shalt  }
0x67: {  	_ =	shalt  }
0x68: {  	_ =	shalt  }
0x69: {  	_ =	shalt  }
0x6a: {  	_ =	shalt  }
0x6b: {  	_ =	shalt  }
0x6c: {  	_ =	shalt  }
0x6d: {  	_ =	shalt  }
0x6e: {  	_ =	shalt  }
0x6f: {  	_ =	shalt  }
0x70: {  	_ =	shalt  }
0x71: {  	_ =	shalt  }
0x72: {  	_ =	shalt  }
0x73: {  	_ =	shalt  }
0x74: {  	_ =	shalt  }
0x75: {  	_ =	shalt  }
0x76: {  	_ =	shalt  }
0x77: {  	_ =	shalt  }
0x78: {  	_ =	shalt  }
0x79: {  	_ =	shalt  }
0x7a: {  	_ =	shalt  }
0x7b: {  	_ =	shalt  }
0x7c: {  	_ =	shalt  }
0x7d: {  	_ =	shalt  }
0x7e: {  	_ =	shalt  }
0x7f: {  	_ =	shalt  }
0x80: {  	_ =	shalt  }
0x81: {  	_ =	shalt  }
0x82: {  	_ =	shalt  }
0x83: {  	_ =	shalt  }
0x84: {  	_ =	shalt  }
0x85: {  	_ =	shalt  }
0x86: {  	_ =	shalt  }
0x87: {  	_ =	shalt  }
.Lfunc_end0:
.L_simem_size_0:
called_computation_lowered:
.L_overlay_start_0:
0x88: {  	s2 =	sld [smem:$0x3FD9]  }
0x89: {  	s3 =	sld [smem:$0x3FFE];
	_ =	sdelay $0x1  }
0x8a: {  	s1 =	srdreg.scid  }
0x8b: {  	s0 =	sand.u32 $0x1, s1  }
0x8c: {  	s16 =	sshll.u32 s0, $0xA;
	s2 =	sadd.s32 s3, s2  }
0x8d: {  	s2 =	sadd.s32 s2, s16  }
0x8e: {  	[smem:$0x3FC6] =	sst s2  }
0x8f: {  	_ = 	snop  }
0x90: {  	(tm) =	ssettm $0x1  }
0x91: {  	s17 =	sld [smem:$0x3FFB];
	_ =	sdelay $0x3  }
0x92: {  	_ =	strace s17  }
0x93: {  	s2 =	sld [smem:$0x3FFC];
	_ =	sdelay $0x3  }
0x94: {  	_ =	strace s2  }
0x95: {  	s2 =	sld [smem:$0x3FFD];
	_ =	sdelay $0x3  }
0x96: {  	_ =	strace s2  }
0x97: {  	_ =	strace $0x8FFFFFFF  }
0x98: {  	s18 =	sld [smem:$0x3FDB];
	_ =	sdelay $0x1  }
0x99: {  	s19 =	simm.s32 $_scs_section_size  }
0x9a: {  	s4 =	simm.s32 $_size__tile_overlayer_lowered;
	s5 =	simm.s32 $_tile_overlayer_lowered  }
0x9b: {  	s22 =	simm.s32 $0x1BFF;
	s21 =	sshll.u32 s5, $0x1;
	s2 =	sadd.s32 s19, s18  }
0x9c: {  	s6 =	simm.s32 $0x0;
	s20 =	sshll.u32 s4, $0x1;
	s4 =	sadd.s32 s21, s2  }
0x9d: {  	[timem:s6], [sflag:s22] =	dma.local [hbm:s4], s20  }
0x9e: {  	_ =	swait.ge [sflag:s22], s20  }
0x9f: {  	s3 =	ssub.s32 $0x0, s20;
	[sflag:s22] =	ssyncset.done $0x0  }
0xa0: {  	[sflag:s22] =	ssyncadd.s32 s3;
	_ =	sdelay $0x1  }
0xa1: {  	s23 =	simm.s32 $0x1B8B  }
0xa2: {  	_ =	swait.ge [sflag:s23], $0x1  }
0xa3: {  	[sflag:s23] =	ssyncset.done $0x0  }
0xa4: {  	s25 =	simm.s32 $0x1B8E;
	s24 =	sld [smem:$0x3FFE];
	[sflag:s23] =	ssyncadd.s32 $0xFFFFFFFF  }
0xa5: {  	s26 =	simm.s32 $execute0_lowered;
	[smem:$0x3FD2] =	sst s25  }
0xa6: {  	s4 =	sshll.u32 s26, $0x1;
	_ =	strace $0x80000046;
	[dreg:$0x1] =	wrdreg $0xFFFFFFFF  }
0xa7: {  	s28 =	simm.s32 $_size_execute0_lowered;
	s2 =	sadd.s32 s2, s4;
	[dreg:$0x0] =	wrdreg $0x0  }
0xa8: {  	s4 =	sshll.u32 s28, $0x1;
	[dreg:$0x2] =	wrdreg s2  }
0xa9: {  	[dreg:$0x3] =	wrdreg s4  }
0xaa: {  	[dreg:$0x4] =	wrdreg $0xC0  }
0xab: {  	_ =	task [dreg:s6], $0x5FFFF  }
0xac: {  	[dreg:$0x1] =	wrdreg $0xFFFFFFFF  }
0xad: {  	[dreg:$0x0] =	wrdreg $0x60  }
0xae: {  	[dreg:$0x2] =	wrdreg s24  }
0xaf: {  	[dreg:$0x3] =	wrdreg $0x9  }
0xb0: {  	_ =	task.clear_ibuf [dreg:s6], $0x4FFFF;
	_ =	strace $0x90000046  }
0xb1: {  	s29 =	simm.s32 $0x9;
	_ =	strace $0x80000048  }
0xb2: {  	_ =	swait.ge [sflag:s29], $0x1  }
0xb3: {  	[sflag:s29] =	ssyncadd.s32 $0xFFFFFFFF  }
0xb4: {  	_ =	strace $0x90000048  }
0xb5: {  	_ =	sfence  }
0xb6: {  	s30 =	sld [smem:$0x0];
	_ =	sdelay $0x2  }
0xb7: {  	s31 =	sshll.u32 s1, $0xD;
	s1 =	sshrl.u32 s1, $0x2  }
0xb8: {  	s3 =	sand.u32 $0x4000, s31;
	s1 =	sadd.s32 s1, s30  }
0xb9: {  	s0 =	sor.u32 s3, s0;
	s1 =	sshll.u32 s1, $0x11  }
0xba: {  	s0 =	sor.u32 s1, s0  }
0xbb: {  	s0 =	sadd.s32 $0x8F2B, s0  }
0xbc: {  	[sflag:s0] =	ssyncadd.remote.s32 $0x1  }
0xbd: {  	_ =	sfence.sel $0xFFFF  }
0xbe: {  	[dreg:$0x0] =	wrdreg $0xFFFFFFFF;
	(pc) =	sbr.abs _section_cstart, $3  }
0xbf: {  	[dreg:$0x1] =	wrdreg $0xFFFFFFFF  }
0xc0: {  	_ =	task.clear_ibuf [dreg:s6], $0x2FFFF;
	_ =	strace $0x9FFFFFFF  }
0xc1: {  	(tm) =	ssettm $0x7FFFFFFF  }
tec
execute0_lowered:
.L_overlay_start_1:
0x0: {  	(tag) =	ssettag $0x1  }
0x1: {  	s1 =	rddreg [dreg:$0x0]  }
0x2: {  	s0 =	rddreg [dreg:$0x1]  }
0x3: {  	s2 =	simm.s32 $0x0;
	s3 =	srdreg.scid;
	s13 =	simm.s32 $0x2  }
0x4: {  	[smem:$0x7FF] =	sst s2;
	s6 =	sand.u32 $0x1, s3;
	s4 =	sadd.s32 $0x400, s1  }
0x5: {  	s3 =	stileid.u32;
	s5 =	sadd.s32 $0x1000, s1;
	s10 =	sadd.s32 $0x2500, s1  }
0x6: {  	s11 =	sadd.s32 $0x1A80, s1;
	s7 =	ssub.s32 $0x2, s6;
	s9 =	sshll.u32 s3, $0x1  }
0x7: {  	_ =	strace $0x80000047;
	s8 =	sshrl.u32 s7, $0x1;
	s15 =	sor.u32 s6, s9  }
0x8: {  	s6 =	sadd.s32 $0x4F00, s1;
	s9 =	sadd.s32 $0x2F80, s1;
	s12 =	ssub.s32 s7, s8  }
0x9: {  	s7 =	sadd.s32 $0x4480, s1;
	p0 =	sgt.u32 s15, $0x6;
	p4 =	seq.s32 s15, $0x2  }
0xa: {  	p1 =	sgt.s32 s15, $0x2;
	p2 =	seq.s32 s15, $0x0;
	s14 =	simm.s32 @!p4 $0x0  }
0xb: {  	p3 =	seq.s32 s15, $0x1;
	s14 =	simm.s32 @p4 $0x1;
	p4 =	seq.s32 s15, $0x3  }
0xc: {  	p5 =	sgt.s32 s15, $0x4;
	[smem:$0x7FA] =	sst s14;
	s16 =	simm.s32 @!p4 $0x0  }
.Ltmp0:
0xd: {  	s16 =	simm.s32 @p4 $0x1;
	p4 =	seq.s32 s15, $0x4;
	(pc) =	sbr.rel .LBB2_1-.Ltmp0, $4  }
0xe: {  	p6 =	seq.s32 s15, $0x6;
	[smem:$0x7FB] =	sst s16;
	s16 =	simm.s32 @!p4 $0x0  }
0xf: {  	s16 =	simm.s32 @p4 $0x1;
	p4 =	seq.s32 s15, $0x5;
	s15 =	simm.s32 @!p6 $0x0  }
0x10: {  	s8 =	sadd.s32 $0x3A00, s1;
	[smem:$0x7FC] =	sst s16;
	s15 =	simm.s32 @p6 $0x1  }
0x11: {  	s12 =	smax.u32 s12, $0x1;
	s14 =	simm.s32 $0x3;
	[smem:$0x7FD] =	sst s15  }
.LBB2_13:
0x12: {  	[tilespmem:s2], [sflag:$0x2] =	stream.linear.gather [hbm4b:s4+s2], $0x5400, $0x38;
	[tilespmem:$0x6500] =	vst v63  }
0x13: {  	_ =	swait.ge [sflag:s13], $0x5400  }
0x14: {  	[sflag:s13] =	ssyncset.done $0x0  }
0x15: {  	s15 =	smov.u32 s5;
	[sflag:s13] =	ssyncadd.s32 $0xFFFFAC00  }
.LBB2_17:
0x16: {  	[hbm4b:s15+s2] =	stream.linear.scatter [tilespmem:s2], [sflag:$0x3], $0x5400, $0x38;
	[tilespmem:$0x6500] =	vst v63  }
0x17: {  	_ =	swait.ge [sflag:s14], $0x5400  }
0x18: {  	[sflag:s14] =	ssyncset.done $0x0  }
0x19: {  	[sflag:s14] =	ssyncadd.s32 $0xFFFFAC00  }
.LBB2_18:
0x1a: {  	s12 =	sadd.s32 $0xFFFFFFFF, s12  }
0x1b: {  	p6 =	sne.s32 s12, $0x0  }
.Ltmp1:
0x1c: {  	_ = 	snop;
	(pc) =	sbr.rel @!p6 .LBB2_19-.Ltmp1, $1  }
0x1d: {  	_ =	sdelay $0x3  }
.LBB2_1:
0x1e: {  	s15 =	simm.s32 @!p0 $0x0;
	s16 =	simm.s32 @!p0 $0x5400  }
0x1f: {  	[tilespmem:s16], [sflag:$0x1] =	stream.linear.gather @!p0 [hbm4b:s1+s15], $0x1100, $0x38;
	[tilespmem:$0x6500] =	vst v63  }
.Ltmp2:
0x20: {  	_ = 	snop;
	(pc) =	sbr.rel @!p1 .LBB2_2-.Ltmp2, $4  }
0x21: {  	s15 =	simm.s32 @!p0 $0x1  }
0x22: {  	_ =	swait.ge @!p0 [sflag:s15], $0x1100  }
0x23: {  	[sflag:s15] =	ssyncset.done @!p0 $0x0  }
0x24: {  	[sflag:s15] =	ssyncadd.s32 @!p0 $0xFFFFEF00  }
.Ltmp3:
0x25: {  	(pc) =	sbr.rel @p5 .LBB2_10-.Ltmp3, $1  }
0x26: {  	_ =	sdelay $0x3  }
0x27: {  	s15 =	sld [smem:$0x7FB];
	_ =	sdelay $0x2  }
0x28: {  	p6 =	seq.s32 s15, $0x1  }
.Ltmp4:
0x29: {  	_ = 	snop;
	(pc) =	sbr.rel @p6 .LBB2_15-.Ltmp4, $1  }
0x2a: {  	_ =	sdelay $0x3  }
0x2b: {  	s15 =	sld [smem:$0x7FC];
	_ =	sdelay $0x2  }
0x2c: {  	p6 =	seq.s32 s15, $0x1  }
.Ltmp5:
0x2d: {  	_ = 	snop;
	(pc) =	sbr.rel @!p6 .LBB2_18-.Ltmp5, $1  }
0x2e: {  	_ =	sdelay $0x3  }
0x2f: {  	[tilespmem:s2], [sflag:$0x2] =	stream.linear.gather [hbm4b:s4+s2], $0x5400, $0x38;
	[tilespmem:$0x6500] =	vst v63  }
0x30: {  	_ =	swait.ge [sflag:s13], $0x5400  }
0x31: {  	[sflag:s13] =	ssyncset.done $0x0  }
0x32: {  	[sflag:s13] =	ssyncadd.s32 $0xFFFFAC00  }
0x33: {  	v0 =	vld [tilespmem:$0x59A0]  }
0x34: {  	v1 =	vld [tilespmem:$0x59B0]  }
0x35: {  	v2 =	vld [tilespmem:$0x59C0]  }
0x36: {  	v3 =	vld [tilespmem:$0x59D0]  }
0x37: {  	v4 =	vld [tilespmem:$0x59E0]  }
0x38: {  	v35 =	vld [tilespmem:$0x59F0];
	[tilespmem:$0xAA0] =	vst v0  }
0x39: {  	v36 =	vld [tilespmem:$0x5A00];
	[tilespmem:$0xAB0] =	vst v1  }
0x3a: {  	v37 =	vld [tilespmem:$0x5A10];
	[tilespmem:$0xAC0] =	vst v2  }
0x3b: {  	v38 =	vld [tilespmem:$0x5A20];
	[tilespmem:$0xB80] =	vst v3  }
0x3c: {  	v39 =	vld [tilespmem:$0x5A30];
	[tilespmem:$0xB90] =	vst v4  }
0x3d: {  	v40 =	vld [tilespmem:$0x5A40];
	[tilespmem:$0xBA0] =	vst v35  }
0x3e: {  	v41 =	vld [tilespmem:$0x5A50];
	[tilespmem:$0xC60] =	vst v36  }
0x3f: {  	v42 =	vld [tilespmem:$0x5A60];
	[tilespmem:$0xC70] =	vst v37  }
0x40: {  	v43 =	vld [tilespmem:$0x5A70];
	[tilespmem:$0xC80] =	vst v38  }
0x41: {  	v44 =	vld [tilespmem:$0x5A80];
	[tilespmem:$0xD40] =	vst v39  }
0x42: {  	v45 =	vld [tilespmem:$0x5A90];
	[tilespmem:$0xD50] =	vst v40  }
0x43: {  	v46 =	vld [tilespmem:$0x5AA0];
	[tilespmem:$0xD60] =	vst v41  }
0x44: {  	v47 =	vld [tilespmem:$0x5AB0];
	[tilespmem:$0xE20] =	vst v42  }
0x45: {  	v48 =	vld [tilespmem:$0x5AC0];
	[tilespmem:$0xE30] =	vst v43  }
0x46: {  	v49 =	vld [tilespmem:$0x5AD0];
	[tilespmem:$0xE40] =	vst v44  }
0x47: {  	v50 =	vld [tilespmem:$0x5AE0];
	[tilespmem:$0xF00] =	vst v45  }
0x48: {  	v51 =	vld [tilespmem:$0x5AF0];
	[tilespmem:$0xF10] =	vst v46  }
0x49: {  	v52 =	vld [tilespmem:$0x5B00];
	[tilespmem:$0xF20] =	vst v47  }
0x4a: {  	v53 =	vld [tilespmem:$0x5B10];
	[tilespmem:$0xFE0] =	vst v48  }
0x4b: {  	v54 =	vld [tilespmem:$0x5B20];
	[tilespmem:$0xFF0] =	vst v49  }
0x4c: {  	v55 =	vld [tilespmem:$0x5B30];
	[tilespmem:$0x1000] =	vst v50  }
0x4d: {  	v56 =	vld [tilespmem:$0x5B40];
	[tilespmem:$0x10C0] =	vst v51  }
0x4e: {  	v57 =	vld [tilespmem:$0x5B50];
	[tilespmem:$0x10D0] =	vst v52  }
0x4f: {  	v58 =	vld [tilespmem:$0x5B60];
	[tilespmem:$0x10E0] =	vst v53  }
0x50: {  	v59 =	vld [tilespmem:$0x5B70];
	[tilespmem:$0x11A0] =	vst v54  }
0x51: {  	v60 =	vld [tilespmem:$0x5B80];
	[tilespmem:$0x11B0] =	vst v55  }
0x52: {  	v61 =	vld [tilespmem:$0x5B90];
	[tilespmem:$0x11C0] =	vst v56  }
0x53: {  	v62 =	vld [tilespmem:$0x5BA0];
	[tilespmem:$0x1280] =	vst v57  }
0x54: {  	v63 =	vld [tilespmem:$0x5BB0];
	[tilespmem:$0x1290] =	vst v58  }
0x55: {  	v8 =	vld [tilespmem:$0x5BC0];
	[tilespmem:$0x12A0] =	vst v59  }
0x56: {  	v9 =	vld [tilespmem:$0x5BD0];
	[tilespmem:$0x1360] =	vst v60  }
0x57: {  	v10 =	vld [tilespmem:$0x5BE0];
	[tilespmem:$0x1370] =	vst v61  }
0x58: {  	v11 =	vld [tilespmem:$0x5BF0];
	[tilespmem:$0x1380] =	vst v62  }
0x59: {  	v12 =	vld [tilespmem:$0x5C00];
	[tilespmem:$0x1440] =	vst v63  }
0x5a: {  	v13 =	vld [tilespmem:$0x5C10];
	[tilespmem:$0x1450] =	vst v8  }
0x5b: {  	v14 =	vld [tilespmem:$0x5C20];
	[tilespmem:$0x1460] =	vst v9  }
0x5c: {  	v15 =	vld [tilespmem:$0x5C30];
	[tilespmem:$0x1520] =	vst v10  }
0x5d: {  	v16 =	vld [tilespmem:$0x5C40];
	[tilespmem:$0x1530] =	vst v11  }
0x5e: {  	v17 =	vld [tilespmem:$0x5C50];
	[tilespmem:$0x1540] =	vst v12  }
0x5f: {  	v18 =	vld [tilespmem:$0x5C60];
	[tilespmem:$0x1600] =	vst v13  }
0x60: {  	v19 =	vld [tilespmem:$0x5C70];
	[tilespmem:$0x1610] =	vst v14  }
0x61: {  	v20 =	vld [tilespmem:$0x5C80];
	[tilespmem:$0x1620] =	vst v15  }
0x62: {  	v21 =	vld [tilespmem:$0x5C90];
	[tilespmem:$0x16E0] =	vst v16  }
0x63: {  	v22 =	vld [tilespmem:$0x5CA0];
	[tilespmem:$0x16F0] =	vst v17  }
0x64: {  	v23 =	vld [tilespmem:$0x5CB0];
	[tilespmem:$0x1700] =	vst v18  }
0x65: {  	v24 =	vld [tilespmem:$0x5CC0];
	[tilespmem:$0x17C0] =	vst v19  }
0x66: {  	v25 =	vld [tilespmem:$0x5CD0];
	[tilespmem:$0x17D0] =	vst v20  }
0x67: {  	v26 =	vld [tilespmem:$0x5CE0];
	[tilespmem:$0x17E0] =	vst v21  }
0x68: {  	v27 =	vld [tilespmem:$0x5CF0];
	[tilespmem:$0x18A0] =	vst v22  }
0x69: {  	v28 =	vld [tilespmem:$0x5D00];
	[tilespmem:$0x18B0] =	vst v23  }
0x6a: {  	v29 =	vld [tilespmem:$0x5D10];
	[tilespmem:$0x18C0] =	vst v24  }
0x6b: {  	v30 =	vld [tilespmem:$0x5D20];
	[tilespmem:$0x1980] =	vst v25  }
0x6c: {  	v31 =	vld [tilespmem:$0x5D30];
	[tilespmem:$0x1990] =	vst v26  }
0x6d: {  	v32 =	vld [tilespmem:$0x5D40];
	[tilespmem:$0x19A0] =	vst v27  }
0x6e: {  	v33 =	vld [tilespmem:$0x5D50];
	[tilespmem:$0x1A60] =	vst v28  }
0x6f: {  	v34 =	vld [tilespmem:$0x5D60];
	[tilespmem:$0x1A70] =	vst v29  }
0x70: {  	[tilespmem:$0x1A80] =	vst v30;
	v35 =	vld [tilespmem:$0x5D70]  }
0x71: {  	[tilespmem:$0x1B40] =	vst v31;
	v36 =	vld [tilespmem:$0x5D80]  }
0x72: {  	[tilespmem:$0x1B50] =	vst v32;
	v37 =	vld [tilespmem:$0x5D90]  }
0x73: {  	[tilespmem:$0x1B60] =	vst v33;
	v38 =	vld [tilespmem:$0x5DA0]  }
0x74: {  	[tilespmem:$0x1C20] =	vst v34;
	v39 =	vld [tilespmem:$0x5DB0]  }
0x75: {  	v40 =	vld [tilespmem:$0x5DC0];
	[tilespmem:$0x1C30] =	vst v35  }
0x76: {  	v41 =	vld [tilespmem:$0x5DD0];
	[tilespmem:$0x1C40] =	vst v36  }
0x77: {  	v42 =	vld [tilespmem:$0x5DE0];
	[tilespmem:$0x1D00] =	vst v37  }
0x78: {  	v43 =	vld [tilespmem:$0x5DF0];
	[tilespmem:$0x1D10] =	vst v38  }
0x79: {  	v44 =	vld [tilespmem:$0x5E00];
	[tilespmem:$0x1D20] =	vst v39  }
0x7a: {  	v45 =	vld [tilespmem:$0x5E10];
	[tilespmem:$0x1DE0] =	vst v40  }
0x7b: {  	v46 =	vld [tilespmem:$0x5E20];
	[tilespmem:$0x1DF0] =	vst v41  }
0x7c: {  	v47 =	vld [tilespmem:$0x5E30];
	[tilespmem:$0x1E00] =	vst v42  }
0x7d: {  	v48 =	vld [tilespmem:$0x5E40];
	[tilespmem:$0x1EC0] =	vst v43  }
0x7e: {  	v49 =	vld [tilespmem:$0x5E50];
	[tilespmem:$0x1ED0] =	vst v44  }
0x7f: {  	v50 =	vld [tilespmem:$0x5E60];
	[tilespmem:$0x1EE0] =	vst v45  }
0x80: {  	v51 =	vld [tilespmem:$0x5E70];
	[tilespmem:$0x1FA0] =	vst v46  }
0x81: {  	v52 =	vld [tilespmem:$0x5E80];
	[tilespmem:$0x1FB0] =	vst v47  }
0x82: {  	v53 =	vld [tilespmem:$0x5E90];
	[tilespmem:$0x1FC0] =	vst v48  }
0x83: {  	v54 =	vld [tilespmem:$0x5EA0];
	[tilespmem:$0x2080] =	vst v49  }
0x84: {  	v55 =	vld [tilespmem:$0x5EB0];
	[tilespmem:$0x2090] =	vst v50  }
0x85: {  	v56 =	vld [tilespmem:$0x5EC0];
	[tilespmem:$0x20A0] =	vst v51  }
0x86: {  	v57 =	vld [tilespmem:$0x5ED0];
	[tilespmem:$0x2160] =	vst v52  }
0x87: {  	v58 =	vld [tilespmem:$0x5EE0];
	[tilespmem:$0x2170] =	vst v53  }
0x88: {  	v59 =	vld [tilespmem:$0x5EF0];
	[tilespmem:$0x2180] =	vst v54  }
0x89: {  	v60 =	vld [tilespmem:$0x5F00];
	[tilespmem:$0x2240] =	vst v55  }
0x8a: {  	v61 =	vld [tilespmem:$0x5F10];
	[tilespmem:$0x2250] =	vst v56  }
0x8b: {  	v62 =	vld [tilespmem:$0x5F20];
	[tilespmem:$0x2260] =	vst v57  }
0x8c: {  	v63 =	vld [tilespmem:$0x5F30];
	[tilespmem:$0x2320] =	vst v58  }
.Ltmp6:
0x8d: {  	[tilespmem:$0x2330] =	vst v59;
	(pc) =	sbr.rel .LBB2_17-.Ltmp6, $4  }
0x8e: {  	[tilespmem:$0x2340] =	vst v60  }
0x8f: {  	[tilespmem:$0x2400] =	vst v61  }
0x90: {  	[tilespmem:$0x2410] =	vst v62  }
0x91: {  	s15 =	smov.u32 s8;
	[tilespmem:$0x2420] =	vst v63  }
.LBB2_2:
.Ltmp7:
0x92: {  	(pc) =	sbr.rel @p2 .LBB2_13-.Ltmp7, $1  }
0x93: {  	_ =	sdelay $0x3  }
.Ltmp8:
0x94: {  	(pc) =	sbr.rel @p3 .LBB2_14-.Ltmp8, $1  }
0x95: {  	_ =	sdelay $0x3  }
0x96: {  	s15 =	sld [smem:$0x7FA];
	_ =	sdelay $0x2  }
0x97: {  	p6 =	seq.s32 s15, $0x1  }
.Ltmp9:
0x98: {  	_ = 	snop;
	(pc) =	sbr.rel @!p6 .LBB2_18-.Ltmp9, $1  }
0x99: {  	_ =	sdelay $0x3  }
0x9a: {  	[tilespmem:s2], [sflag:$0x2] =	stream.linear.gather [hbm4b:s4+s2], $0x5400, $0x38;
	[tilespmem:$0x6500] =	vst v63  }
0x9b: {  	_ =	swait.ge [sflag:s13], $0x5400  }
0x9c: {  	[sflag:s13] =	ssyncset.done $0x0  }
0x9d: {  	[sflag:s13] =	ssyncadd.s32 $0xFFFFAC00  }
0x9e: {  	v0 =	vld [tilespmem:$0x57C0]  }
0x9f: {  	v1 =	vld [tilespmem:$0x57D0]  }
0xa0: {  	v2 =	vld [tilespmem:$0x57E0]  }
0xa1: {  	v3 =	vld [tilespmem:$0x57F0]  }
0xa2: {  	v4 =	vld [tilespmem:$0x5800]  }
0xa3: {  	v39 =	vld [tilespmem:$0x5810];
	[tilespmem:$0x20] =	vst v0  }
0xa4: {  	v40 =	vld [tilespmem:$0x5820];
	[tilespmem:$0x30] =	vst v1  }
0xa5: {  	v41 =	vld [tilespmem:$0x5830];
	[tilespmem:$0x40] =	vst v2  }
0xa6: {  	v42 =	vld [tilespmem:$0x5840];
	[tilespmem:$0x100] =	vst v3  }
0xa7: {  	v43 =	vld [tilespmem:$0x5850];
	[tilespmem:$0x110] =	vst v4  }
0xa8: {  	v44 =	vld [tilespmem:$0x5860];
	[tilespmem:$0x120] =	vst v39  }
0xa9: {  	v45 =	vld [tilespmem:$0x5870];
	[tilespmem:$0x1E0] =	vst v40  }
0xaa: {  	v46 =	vld [tilespmem:$0x5880];
	[tilespmem:$0x1F0] =	vst v41  }
0xab: {  	v47 =	vld [tilespmem:$0x5890];
	[tilespmem:$0x200] =	vst v42  }
0xac: {  	v48 =	vld [tilespmem:$0x58A0];
	[tilespmem:$0x2C0] =	vst v43  }
0xad: {  	v49 =	vld [tilespmem:$0x58B0];
	[tilespmem:$0x2D0] =	vst v44  }
0xae: {  	v50 =	vld [tilespmem:$0x58C0];
	[tilespmem:$0x2E0] =	vst v45  }
0xaf: {  	v51 =	vld [tilespmem:$0x58D0];
	[tilespmem:$0x3A0] =	vst v46  }
0xb0: {  	v52 =	vld [tilespmem:$0x58E0];
	[tilespmem:$0x3B0] =	vst v47  }
0xb1: {  	v53 =	vld [tilespmem:$0x58F0];
	[tilespmem:$0x3C0] =	vst v48  }
0xb2: {  	v54 =	vld [tilespmem:$0x5900];
	[tilespmem:$0x480] =	vst v49  }
0xb3: {  	v55 =	vld [tilespmem:$0x5910];
	[tilespmem:$0x490] =	vst v50  }
0xb4: {  	v56 =	vld [tilespmem:$0x5920];
	[tilespmem:$0x4A0] =	vst v51  }
0xb5: {  	v57 =	vld [tilespmem:$0x5930];
	[tilespmem:$0x560] =	vst v52  }
0xb6: {  	v58 =	vld [tilespmem:$0x5940];
	[tilespmem:$0x570] =	vst v53  }
0xb7: {  	v59 =	vld [tilespmem:$0x5950];
	[tilespmem:$0x580] =	vst v54  }
0xb8: {  	v60 =	vld [tilespmem:$0x5960];
	[tilespmem:$0x640] =	vst v55  }
0xb9: {  	v61 =	vld [tilespmem:$0x5970];
	[tilespmem:$0x650] =	vst v56  }
0xba: {  	v62 =	vld [tilespmem:$0x5980];
	[tilespmem:$0x660] =	vst v57  }
0xbb: {  	v63 =	vld [tilespmem:$0x5990];
	[tilespmem:$0x720] =	vst v58  }
.Ltmp10:
0xbc: {  	[tilespmem:$0x730] =	vst v59;
	(pc) =	sbr.rel .LBB2_17-.Ltmp10, $4  }
0xbd: {  	[tilespmem:$0x740] =	vst v60  }
0xbe: {  	[tilespmem:$0x800] =	vst v61  }
0xbf: {  	[tilespmem:$0x810] =	vst v62  }
0xc0: {  	s15 =	smov.u32 s10;
	[tilespmem:$0x820] =	vst v63  }
.LBB2_10:
.Ltmp11:
0xc1: {  	(pc) =	sbr.rel @p4 .LBB2_16-.Ltmp11, $1  }
0xc2: {  	_ =	sdelay $0x3  }
0xc3: {  	s15 =	sld [smem:$0x7FD];
	_ =	sdelay $0x2  }
0xc4: {  	p6 =	seq.s32 s15, $0x1  }
.Ltmp12:
0xc5: {  	_ = 	snop;
	(pc) =	sbr.rel @!p6 .LBB2_18-.Ltmp12, $1  }
0xc6: {  	_ =	sdelay $0x3  }
0xc7: {  	[tilespmem:s2], [sflag:$0x2] =	stream.linear.gather [hbm4b:s4+s2], $0x5400, $0x38;
	[tilespmem:$0x6500] =	vst v63  }
0xc8: {  	_ =	swait.ge [sflag:s13], $0x5400  }
0xc9: {  	[sflag:s13] =	ssyncset.done $0x0  }
0xca: {  	[sflag:s13] =	ssyncadd.s32 $0xFFFFAC00  }
0xcb: {  	v0 =	vld [tilespmem:$0x5F40]  }
0xcc: {  	v1 =	vld [tilespmem:$0x5F50]  }
0xcd: {  	v2 =	vld [tilespmem:$0x5F60]  }
0xce: {  	v3 =	vld [tilespmem:$0x5F70]  }
0xcf: {  	v4 =	vld [tilespmem:$0x5F80]  }
0xd0: {  	v35 =	vld [tilespmem:$0x5F90];
	[tilespmem:$0x26A0] =	vst v0  }
0xd1: {  	v36 =	vld [tilespmem:$0x5FA0];
	[tilespmem:$0x26B0] =	vst v1  }
0xd2: {  	v37 =	vld [tilespmem:$0x5FB0];
	[tilespmem:$0x26C0] =	vst v2  }
0xd3: {  	v38 =	vld [tilespmem:$0x5FC0];
	[tilespmem:$0x2780] =	vst v3  }
0xd4: {  	v39 =	vld [tilespmem:$0x5FD0];
	[tilespmem:$0x2790] =	vst v4  }
0xd5: {  	v40 =	vld [tilespmem:$0x5FE0];
	[tilespmem:$0x27A0] =	vst v35  }
0xd6: {  	v41 =	vld [tilespmem:$0x5FF0];
	[tilespmem:$0x2860] =	vst v36  }
0xd7: {  	v42 =	vld [tilespmem:$0x6000];
	[tilespmem:$0x2870] =	vst v37  }
0xd8: {  	v43 =	vld [tilespmem:$0x6010];
	[tilespmem:$0x2880] =	vst v38  }
0xd9: {  	v44 =	vld [tilespmem:$0x6020];
	[tilespmem:$0x2940] =	vst v39  }
0xda: {  	v45 =	vld [tilespmem:$0x6030];
	[tilespmem:$0x2950] =	vst v40  }
0xdb: {  	v46 =	vld [tilespmem:$0x6040];
	[tilespmem:$0x2960] =	vst v41  }
0xdc: {  	v47 =	vld [tilespmem:$0x6050];
	[tilespmem:$0x2A20] =	vst v42  }
0xdd: {  	v48 =	vld [tilespmem:$0x6060];
	[tilespmem:$0x2A30] =	vst v43  }
0xde: {  	v49 =	vld [tilespmem:$0x6070];
	[tilespmem:$0x2A40] =	vst v44  }
0xdf: {  	v50 =	vld [tilespmem:$0x6080];
	[tilespmem:$0x2B00] =	vst v45  }
0xe0: {  	v51 =	vld [tilespmem:$0x6090];
	[tilespmem:$0x2B10] =	vst v46  }
0xe1: {  	v52 =	vld [tilespmem:$0x60A0];
	[tilespmem:$0x2B20] =	vst v47  }
0xe2: {  	v53 =	vld [tilespmem:$0x60B0];
	[tilespmem:$0x2BE0] =	vst v48  }
0xe3: {  	v54 =	vld [tilespmem:$0x60C0];
	[tilespmem:$0x2BF0] =	vst v49  }
0xe4: {  	v55 =	vld [tilespmem:$0x60D0];
	[tilespmem:$0x2C00] =	vst v50  }
0xe5: {  	v56 =	vld [tilespmem:$0x60E0];
	[tilespmem:$0x2CC0] =	vst v51  }
0xe6: {  	v57 =	vld [tilespmem:$0x60F0];
	[tilespmem:$0x2CD0] =	vst v52  }
0xe7: {  	v58 =	vld [tilespmem:$0x6100];
	[tilespmem:$0x2CE0] =	vst v53  }
0xe8: {  	v59 =	vld [tilespmem:$0x6110];
	[tilespmem:$0x2DA0] =	vst v54  }
0xe9: {  	v60 =	vld [tilespmem:$0x6120];
	[tilespmem:$0x2DB0] =	vst v55  }
0xea: {  	v61 =	vld [tilespmem:$0x6130];
	[tilespmem:$0x2DC0] =	vst v56  }
0xeb: {  	v62 =	vld [tilespmem:$0x6140];
	[tilespmem:$0x2E80] =	vst v57  }
0xec: {  	v63 =	vld [tilespmem:$0x6150];
	[tilespmem:$0x2E90] =	vst v58  }
0xed: {  	v8 =	vld [tilespmem:$0x6160];
	[tilespmem:$0x2EA0] =	vst v59  }
0xee: {  	v9 =	vld [tilespmem:$0x6170];
	[tilespmem:$0x2F60] =	vst v60  }
0xef: {  	v10 =	vld [tilespmem:$0x6180];
	[tilespmem:$0x2F70] =	vst v61  }
0xf0: {  	v11 =	vld [tilespmem:$0x6190];
	[tilespmem:$0x2F80] =	vst v62  }
0xf1: {  	v12 =	vld [tilespmem:$0x61A0];
	[tilespmem:$0x3040] =	vst v63  }
0xf2: {  	v13 =	vld [tilespmem:$0x61B0];
	[tilespmem:$0x3050] =	vst v8  }
0xf3: {  	v14 =	vld [tilespmem:$0x61C0];
	[tilespmem:$0x3060] =	vst v9  }
0xf4: {  	v15 =	vld [tilespmem:$0x61D0];
	[tilespmem:$0x3120] =	vst v10  }
0xf5: {  	v16 =	vld [tilespmem:$0x61E0];
	[tilespmem:$0x3130] =	vst v11  }
0xf6: {  	v17 =	vld [tilespmem:$0x61F0];
	[tilespmem:$0x3140] =	vst v12  }
0xf7: {  	v18 =	vld [tilespmem:$0x6200];
	[tilespmem:$0x3200] =	vst v13  }
0xf8: {  	v19 =	vld [tilespmem:$0x6210];
	[tilespmem:$0x3210] =	vst v14  }
0xf9: {  	v20 =	vld [tilespmem:$0x6220];
	[tilespmem:$0x3220] =	vst v15  }
0xfa: {  	v21 =	vld [tilespmem:$0x6230];
	[tilespmem:$0x32E0] =	vst v16  }
0xfb: {  	v22 =	vld [tilespmem:$0x6240];
	[tilespmem:$0x32F0] =	vst v17  }
0xfc: {  	v23 =	vld [tilespmem:$0x6250];
	[tilespmem:$0x3300] =	vst v18  }
0xfd: {  	v24 =	vld [tilespmem:$0x6260];
	[tilespmem:$0x33C0] =	vst v19  }
0xfe: {  	v25 =	vld [tilespmem:$0x6270];
	[tilespmem:$0x33D0] =	vst v20  }
0xff: {  	v26 =	vld [tilespmem:$0x6280];
	[tilespmem:$0x33E0] =	vst v21  }
0x100: {  	v27 =	vld [tilespmem:$0x6290];
	[tilespmem:$0x34A0] =	vst v22  }
0x101: {  	v28 =	vld [tilespmem:$0x62A0];
	[tilespmem:$0x34B0] =	vst v23  }
0x102: {  	v29 =	vld [tilespmem:$0x62B0];
	[tilespmem:$0x34C0] =	vst v24  }
0x103: {  	v30 =	vld [tilespmem:$0x62C0];
	[tilespmem:$0x3580] =	vst v25  }
0x104: {  	v31 =	vld [tilespmem:$0x62D0];
	[tilespmem:$0x3590] =	vst v26  }
0x105: {  	v32 =	vld [tilespmem:$0x62E0];
	[tilespmem:$0x35A0] =	vst v27  }
0x106: {  	v33 =	vld [tilespmem:$0x62F0];
	[tilespmem:$0x3660] =	vst v28  }
0x107: {  	v34 =	vld [tilespmem:$0x6300];
	[tilespmem:$0x3670] =	vst v29  }
0x108: {  	[tilespmem:$0x3680] =	vst v30;
	v35 =	vld [tilespmem:$0x6310]  }
0x109: {  	[tilespmem:$0x3740] =	vst v31;
	v36 =	vld [tilespmem:$0x6320]  }
0x10a: {  	[tilespmem:$0x3750] =	vst v32;
	v37 =	vld [tilespmem:$0x6330]  }
0x10b: {  	[tilespmem:$0x3760] =	vst v33;
	v38 =	vld [tilespmem:$0x6340]  }
0x10c: {  	[tilespmem:$0x3820] =	vst v34;
	v39 =	vld [tilespmem:$0x6350]  }
0x10d: {  	v40 =	vld [tilespmem:$0x6360];
	[tilespmem:$0x3830] =	vst v35  }
0x10e: {  	v41 =	vld [tilespmem:$0x6370];
	[tilespmem:$0x3840] =	vst v36  }
0x10f: {  	v42 =	vld [tilespmem:$0x6380];
	[tilespmem:$0x3900] =	vst v37  }
0x110: {  	v43 =	vld [tilespmem:$0x6390];
	[tilespmem:$0x3910] =	vst v38  }
0x111: {  	v44 =	vld [tilespmem:$0x63A0];
	[tilespmem:$0x3920] =	vst v39  }
0x112: {  	v45 =	vld [tilespmem:$0x63B0];
	[tilespmem:$0x39E0] =	vst v40  }
0x113: {  	v46 =	vld [tilespmem:$0x63C0];
	[tilespmem:$0x39F0] =	vst v41  }
0x114: {  	v47 =	vld [tilespmem:$0x63D0];
	[tilespmem:$0x3A00] =	vst v42  }
0x115: {  	v48 =	vld [tilespmem:$0x63E0];
	[tilespmem:$0x3AC0] =	vst v43  }
0x116: {  	v49 =	vld [tilespmem:$0x63F0];
	[tilespmem:$0x3AD0] =	vst v44  }
0x117: {  	v50 =	vld [tilespmem:$0x6400];
	[tilespmem:$0x3AE0] =	vst v45  }
0x118: {  	v51 =	vld [tilespmem:$0x6410];
	[tilespmem:$0x3BA0] =	vst v46  }
0x119: {  	v52 =	vld [tilespmem:$0x6420];
	[tilespmem:$0x3BB0] =	vst v47  }
0x11a: {  	v53 =	vld [tilespmem:$0x6430];
	[tilespmem:$0x3BC0] =	vst v48  }
0x11b: {  	v54 =	vld [tilespmem:$0x6440];
	[tilespmem:$0x3C80] =	vst v49  }
0x11c: {  	v55 =	vld [tilespmem:$0x6450];
	[tilespmem:$0x3C90] =	vst v50  }
0x11d: {  	v56 =	vld [tilespmem:$0x6460];
	[tilespmem:$0x3CA0] =	vst v51  }
0x11e: {  	v57 =	vld [tilespmem:$0x6470];
	[tilespmem:$0x3D60] =	vst v52  }
0x11f: {  	v58 =	vld [tilespmem:$0x6480];
	[tilespmem:$0x3D70] =	vst v53  }
0x120: {  	v59 =	vld [tilespmem:$0x6490];
	[tilespmem:$0x3D80] =	vst v54  }
0x121: {  	v60 =	vld [tilespmem:$0x64A0];
	[tilespmem:$0x3E40] =	vst v55  }
0x122: {  	v61 =	vld [tilespmem:$0x64B0];
	[tilespmem:$0x3E50] =	vst v56  }
0x123: {  	v62 =	vld [tilespmem:$0x64C0];
	[tilespmem:$0x3E60] =	vst v57  }
0x124: {  	v63 =	vld [tilespmem:$0x64D0];
	[tilespmem:$0x3F20] =	vst v58  }
.Ltmp13:
0x125: {  	[tilespmem:$0x3F30] =	vst v59;
	(pc) =	sbr.rel .LBB2_17-.Ltmp13, $4  }
0x126: {  	[tilespmem:$0x3F40] =	vst v60  }
0x127: {  	[tilespmem:$0x4000] =	vst v61  }
0x128: {  	[tilespmem:$0x4010] =	vst v62  }
0x129: {  	s15 =	smov.u32 s6;
	[tilespmem:$0x4020] =	vst v63  }
.LBB2_15:
.Ltmp14:
0x12a: {  	(pc) =	sbr.rel .LBB2_17-.Ltmp14, $4  }
0x12b: {  	[tilespmem:s2], [sflag:$0x2] =	stream.linear.gather [hbm4b:s4+s2], $0x5400, $0x38;
	[tilespmem:$0x6500] =	vst v63  }
0x12c: {  	_ =	swait.ge [sflag:s13], $0x5400  }
0x12d: {  	[sflag:s13] =	ssyncset.done $0x0  }
0x12e: {  	s15 =	smov.u32 s9;
	[sflag:s13] =	ssyncadd.s32 $0xFFFFAC00  }
.LBB2_16:
.Ltmp15:
0x12f: {  	(pc) =	sbr.rel .LBB2_17-.Ltmp15, $4  }
0x130: {  	[tilespmem:s2], [sflag:$0x2] =	stream.linear.gather [hbm4b:s4+s2], $0x5400, $0x38;
	[tilespmem:$0x6500] =	vst v63  }
0x131: {  	_ =	swait.ge [sflag:s13], $0x5400  }
0x132: {  	[sflag:s13] =	ssyncset.done $0x0  }
0x133: {  	s15 =	smov.u32 s7;
	[sflag:s13] =	ssyncadd.s32 $0xFFFFAC00  }
.LBB2_14:
0x134: {  	[tilespmem:s2], [sflag:$0x2] =	stream.linear.gather [hbm4b:s4+s2], $0x5400, $0x38;
	[tilespmem:$0x6500] =	vst v63  }
0x135: {  	_ =	swait.ge [sflag:s13], $0x5400  }
0x136: {  	[sflag:s13] =	ssyncset.done $0x0  }
0x137: {  	[sflag:s13] =	ssyncadd.s32 $0xFFFFAC00  }
0x138: {  	v0 =	vld [tilespmem:$0x5400]  }
0x139: {  	v1 =	vld [tilespmem:$0x5410]  }
0x13a: {  	v2 =	vld [tilespmem:$0x5420]  }
0x13b: {  	v3 =	vld [tilespmem:$0x5430]  }
0x13c: {  	v4 =	vld [tilespmem:$0x5440]  }
0x13d: {  	v9 =	vld [tilespmem:$0x5450];
	[tilespmem:$0x42A0] =	vst v0  }
0x13e: {  	v10 =	vld [tilespmem:$0x5460];
	[tilespmem:$0x42B0] =	vst v1  }
0x13f: {  	v11 =	vld [tilespmem:$0x5470];
	[tilespmem:$0x42C0] =	vst v2  }
0x140: {  	v12 =	vld [tilespmem:$0x5480];
	[tilespmem:$0x4380] =	vst v3  }
0x141: {  	v13 =	vld [tilespmem:$0x5490];
	[tilespmem:$0x4390] =	vst v4  }
0x142: {  	v14 =	vld [tilespmem:$0x54A0];
	[tilespmem:$0x43A0] =	vst v9  }
0x143: {  	v15 =	vld [tilespmem:$0x54B0];
	[tilespmem:$0x4460] =	vst v10  }
0x144: {  	v16 =	vld [tilespmem:$0x54C0];
	[tilespmem:$0x4470] =	vst v11  }
0x145: {  	v17 =	vld [tilespmem:$0x54D0];
	[tilespmem:$0x4480] =	vst v12  }
0x146: {  	v18 =	vld [tilespmem:$0x54E0];
	[tilespmem:$0x4540] =	vst v13  }
0x147: {  	v19 =	vld [tilespmem:$0x54F0];
	[tilespmem:$0x4550] =	vst v14  }
0x148: {  	v20 =	vld [tilespmem:$0x5500];
	[tilespmem:$0x4560] =	vst v15  }
0x149: {  	v21 =	vld [tilespmem:$0x5510];
	[tilespmem:$0x4620] =	vst v16  }
0x14a: {  	v22 =	vld [tilespmem:$0x5520];
	[tilespmem:$0x4630] =	vst v17  }
0x14b: {  	v23 =	vld [tilespmem:$0x5530];
	[tilespmem:$0x4640] =	vst v18  }
0x14c: {  	v24 =	vld [tilespmem:$0x5540];
	[tilespmem:$0x4700] =	vst v19  }
0x14d: {  	v25 =	vld [tilespmem:$0x5550];
	[tilespmem:$0x4710] =	vst v20  }
0x14e: {  	v26 =	vld [tilespmem:$0x5560];
	[tilespmem:$0x4720] =	vst v21  }
0x14f: {  	v27 =	vld [tilespmem:$0x5570];
	[tilespmem:$0x47E0] =	vst v22  }
0x150: {  	v28 =	vld [tilespmem:$0x5580];
	[tilespmem:$0x47F0] =	vst v23  }
0x151: {  	v29 =	vld [tilespmem:$0x5590];
	[tilespmem:$0x4800] =	vst v24  }
0x152: {  	v30 =	vld [tilespmem:$0x55A0];
	[tilespmem:$0x48C0] =	vst v25  }
0x153: {  	v31 =	vld [tilespmem:$0x55B0];
	[tilespmem:$0x48D0] =	vst v26  }
0x154: {  	v32 =	vld [tilespmem:$0x55C0];
	[tilespmem:$0x48E0] =	vst v27  }
0x155: {  	v33 =	vld [tilespmem:$0x55D0];
	[tilespmem:$0x49A0] =	vst v28  }
0x156: {  	v34 =	vld [tilespmem:$0x55E0];
	[tilespmem:$0x49B0] =	vst v29  }
0x157: {  	v35 =	vld [tilespmem:$0x55F0];
	[tilespmem:$0x49C0] =	vst v30  }
0x158: {  	v36 =	vld [tilespmem:$0x5600];
	[tilespmem:$0x4A80] =	vst v31  }
0x159: {  	v37 =	vld [tilespmem:$0x5610];
	[tilespmem:$0x4A90] =	vst v32  }
0x15a: {  	v38 =	vld [tilespmem:$0x5620];
	[tilespmem:$0x4AA0] =	vst v33  }
0x15b: {  	v39 =	vld [tilespmem:$0x5630];
	[tilespmem:$0x4B60] =	vst v34  }
0x15c: {  	v40 =	vld [tilespmem:$0x5640];
	[tilespmem:$0x4B70] =	vst v35  }
0x15d: {  	v41 =	vld [tilespmem:$0x5650];
	[tilespmem:$0x4B80] =	vst v36  }
0x15e: {  	v42 =	vld [tilespmem:$0x5660];
	[tilespmem:$0x4C40] =	vst v37  }
0x15f: {  	v43 =	vld [tilespmem:$0x5670];
	[tilespmem:$0x4C50] =	vst v38  }
0x160: {  	v44 =	vld [tilespmem:$0x5680];
	[tilespmem:$0x4C60] =	vst v39  }
0x161: {  	v45 =	vld [tilespmem:$0x5690];
	[tilespmem:$0x4D20] =	vst v40  }
0x162: {  	v46 =	vld [tilespmem:$0x56A0];
	[tilespmem:$0x4D30] =	vst v41  }
0x163: {  	v47 =	vld [tilespmem:$0x56B0];
	[tilespmem:$0x4D40] =	vst v42  }
0x164: {  	v48 =	vld [tilespmem:$0x56C0];
	[tilespmem:$0x4E00] =	vst v43  }
0x165: {  	v49 =	vld [tilespmem:$0x56D0];
	[tilespmem:$0x4E10] =	vst v44  }
0x166: {  	v50 =	vld [tilespmem:$0x56E0];
	[tilespmem:$0x4E20] =	vst v45  }
0x167: {  	v51 =	vld [tilespmem:$0x56F0];
	[tilespmem:$0x4EE0] =	vst v46  }
0x168: {  	v52 =	vld [tilespmem:$0x5700];
	[tilespmem:$0x4EF0] =	vst v47  }
0x169: {  	v53 =	vld [tilespmem:$0x5710];
	[tilespmem:$0x4F00] =	vst v48  }
0x16a: {  	v54 =	vld [tilespmem:$0x5720];
	[tilespmem:$0x4FC0] =	vst v49  }
0x16b: {  	v55 =	vld [tilespmem:$0x5730];
	[tilespmem:$0x4FD0] =	vst v50  }
0x16c: {  	v56 =	vld [tilespmem:$0x5740];
	[tilespmem:$0x4FE0] =	vst v51  }
0x16d: {  	v57 =	vld [tilespmem:$0x5750];
	[tilespmem:$0x50A0] =	vst v52  }
0x16e: {  	v58 =	vld [tilespmem:$0x5760];
	[tilespmem:$0x50B0] =	vst v53  }
0x16f: {  	v59 =	vld [tilespmem:$0x5770];
	[tilespmem:$0x50C0] =	vst v54  }
0x170: {  	v60 =	vld [tilespmem:$0x5780];
	[tilespmem:$0x5180] =	vst v55  }
0x171: {  	v61 =	vld [tilespmem:$0x5790];
	[tilespmem:$0x5190] =	vst v56  }
0x172: {  	v62 =	vld [tilespmem:$0x57A0];
	[tilespmem:$0x51A0] =	vst v57  }
0x173: {  	v63 =	vld [tilespmem:$0x57B0];
	[tilespmem:$0x5260] =	vst v58  }
.Ltmp16:
0x174: {  	[tilespmem:$0x5270] =	vst v59;
	(pc) =	sbr.rel .LBB2_17-.Ltmp16, $4  }
0x175: {  	[tilespmem:$0x5280] =	vst v60  }
0x176: {  	[tilespmem:$0x5340] =	vst v61  }
0x177: {  	[tilespmem:$0x5350] =	vst v62  }
0x178: {  	s15 =	smov.u32 s11;
	[tilespmem:$0x5360] =	vst v63  }
.LBB2_19:
0x179: {  	_ =	sfence.sel $0x180000  }
0x17a: {  	[bflag:$0x0] =	sbarrier.arrive $0xFFFF  }
0x17b: {  	p0 =	sne.s32 s3, $0x0;
	_ =	strace $0x90000047  }
0x17c: {  	s0 =	sadd.s32 @!p0 $0x100000, s0;
	[bflag:$0x2] =	sbarrier.arrive $0xFFFF  }
0x17d: {  	[sflag:s0] =	ssyncadd.tile.s32 @!p0 $0x1;
	_ =	shalt  }
.Lfunc_end2:
_tile_overlayer_lowered:
.L_overlay_start_2:
0x17e: {  	(tag) =	ssettag $0x2  }
0x17f: {  	s0 =	rddreg [dreg:$0x0];
	s2 =	stileid.u32  }
0x180: {  	s1 =	rddreg [dreg:$0x1];
	p0 =	sne.s32 s2, $0x0  }
0x181: {  	s3 =	rddreg [dreg:$0x2];
	[bflag:$0x3] =	sbarrier.arrive $0xFFFF;
	s2 =	simm.s32 @!p0 $0x1C04  }
0x182: {  	[timem:s3], [sflag:s2] =	dma.local @!p0 [hbm:s0], s1  }
0x183: {  	s0 =	simm.s32 @!p0 $0x4  }
0x184: {  	_ =	swait.ge @!p0 [sflag:s0], s1  }
0x185: {  	s1 =	ssub.s32 @!p0 $0x0, s1;
	[sflag:s0] =	ssyncset.done @!p0 $0x0  }
0x186: {  	[sflag:s0] =	ssyncadd.s32 @!p0 s1  }
0x187: {  	[bflag:$0x3] =	sbarrier.arrive $0xFFFF  }
0x188: {  	_ =	shalt  }

</sc_bundles>
